<compile_context>
chip_gen: v7x
topology: tpu7x:2x2x1
jax: 0.10.2.dev20260603
libtpu: 0.0.44.dev20260713+nightly
codegen_flags: <defaults>
</compile_context>

<pallas_src>
import dataclasses

import jax
import jax.numpy as jnp
from jax import lax
from jax.experimental import pallas as pl
from jax.experimental.pallas import tpu as pltpu
from jax.experimental.pallas import tpu_sc as plsc

B = 16384
EMB = 32
NC = 2
NS = 16
NW = NC * NS
B_PER_W = B // NW
LANES = 128


def _issue_fetch(tabs, fb, slot, ru, ri, sem):
    ug_t, ig_t, um_t, im_t = tabs
    ou = pl.multiple_of(ru - lax.rem(ru, LANES), LANES)
    oi = pl.multiple_of(ri - lax.rem(ri, LANES), LANES)
    pltpu.async_copy(ug_t.at[:, pl.ds(ou, LANES)],
                     fb.at[slot, pl.ds(0, EMB), :], sem)
    pltpu.async_copy(ig_t.at[:, pl.ds(oi, LANES)],
                     fb.at[slot, pl.ds(EMB, EMB), :], sem)
    pltpu.async_copy(um_t.at[:, pl.ds(ou, LANES)],
                     fb.at[slot, pl.ds(2 * EMB, EMB), :], sem)
    pltpu.async_copy(im_t.at[:, pl.ds(oi, LANES)],
                     fb.at[slot, pl.ds(3 * EMB, EMB), :], sem)


def _select(fb, slot, buf, j, ru, ri):
    rmu = lax.rem(ru, LANES)
    rmi = lax.rem(ri, LANES)
    iota = lax.iota(jnp.int32, 16)
    for t, rm in ((0, rmu), (1, rmi), (2, rmu), (3, rmi)):
        lane = jnp.full((16,), rm, jnp.int32)
        for g in range(2):
            dim_idx = iota + (t * EMB + g * 16)
            v = plsc.load_gather(fb.at[slot], [dim_idx, lane])
            buf[j, pl.ds(t * EMB + g * 16, 16)] = v


DEPTH = 6
CHUNK = 64
MAIN = (B_PER_W - 2) // DEPTH


def _idx_at(idx_v, j):
    jv = jnp.full((16,), j, jnp.int32)
    return plsc.load_gather(idx_v, [jv])[0]


def _drain_select_flush(out_o, fb, sems, buf, base, slot, j, ru, ri):
    pltpu.make_async_copy(out_o.at[pl.ds(0, 4 * EMB)],
                          fb.at[slot], sems.at[slot]).wait()
    _select(fb, slot, buf, lax.rem(j, CHUNK), ru, ri)

    @pl.when(lax.rem(j, CHUNK) == CHUNK - 1)
    def _():
        dst = pl.multiple_of(base + (j - (CHUNK - 1)), CHUNK)
        pltpu.sync_copy(buf, out_o.at[pl.ds(dst, CHUNK)])


def _sc_gather_kernel(ug_t, ig_t, um_t, im_t, u_hbm, i_hbm, out_o,
                      uidx_v, iidx_v, buf, fb, sems):
    wid = lax.axis_index("s") * NC + lax.axis_index("c")
    base = wid * B_PER_W
    pltpu.sync_copy(u_hbm.at[pl.ds(base, B_PER_W)], uidx_v)
    pltpu.sync_copy(i_hbm.at[pl.ds(base, B_PER_W)], iidx_v)
    tabs = (ug_t, ig_t, um_t, im_t)
    iota = lax.iota(jnp.int32, 16)

    for l in range(DEPTH - 1):
        _issue_fetch(tabs, fb, l, _idx_at(uidx_v, l), _idx_at(iidx_v, l),
                     sems.at[l])

    @pl.loop(0, MAIN)
    def _(jj):
        j0 = jj * DEPTH
        jvec = jnp.minimum(j0 + iota, B_PER_W - 1)
        ua = plsc.load_gather(uidx_v, [jvec])
        ia = plsc.load_gather(iidx_v, [jvec])
        for l in range(DEPTH):
            j = j0 + l
            ja = j + DEPTH - 1

            @pl.when(ja < B_PER_W)
            def _():
                _issue_fetch(tabs, fb, (l + DEPTH - 1) % DEPTH,
                             ua[l + DEPTH - 1], ia[l + DEPTH - 1],
                             sems.at[(l + DEPTH - 1) % DEPTH])

            _drain_select_flush(out_o, fb, sems, buf, base, l, j,
                                ua[l], ia[l])

    for j in range(MAIN * DEPTH, B_PER_W):
        _drain_select_flush(out_o, fb, sems, buf, base, j % DEPTH, j,
                            _idx_at(uidx_v, j), _idx_at(iidx_v, j))


def _sc_gather(u_idx, i_idx, U_gmf_T, I_gmf_T, U_mlp_T, I_mlp_T):
    mesh = plsc.VectorSubcoreMesh(core_axis_name="c", subcore_axis_name="s")
    cp = pltpu.CompilerParams()
    if "needs_layout_passes" in pltpu.CompilerParams.__dataclass_fields__:
        cp = dataclasses.replace(cp, needs_layout_passes=False)
    k = pl.kernel(
        _sc_gather_kernel,
        mesh=mesh,
        compiler_params=cp,
        out_type=jax.ShapeDtypeStruct((B, 4 * EMB), jnp.float32),
        scratch_types=[
            pltpu.VMEM((B_PER_W,), jnp.int32),
            pltpu.VMEM((B_PER_W,), jnp.int32),
            pltpu.VMEM((CHUNK, 4 * EMB), jnp.float32),
            pltpu.VMEM((DEPTH, 4 * EMB, LANES), jnp.float32),
            pltpu.SemaphoreType.DMA((DEPTH,)),
        ],
    )
    return k(U_gmf_T, I_gmf_T, U_mlp_T, I_mlp_T, u_idx, i_idx)


def _tc_dense_kernel(x, w1, b1, w2, b2, w3, b3, out):
    xv = x[...]
    mul = xv[:, 0:EMB] * xv[:, EMB:2 * EMB]
    w1v = w1[...]
    h = jnp.dot(xv[:, 2 * EMB:3 * EMB], w1v[:EMB, :],
                preferred_element_type=jnp.float32)
    h += jnp.dot(xv[:, 3 * EMB:4 * EMB], w1v[EMB:, :],
                 preferred_element_type=jnp.float32)
    h = jnp.maximum(h + b1[...], 0.0)
    h2 = jnp.dot(h, w2[...], preferred_element_type=jnp.float32)
    h2 = jnp.maximum(h2 + b2[...], 0.0)
    w3v = w3[...]
    o = jnp.dot(mul, w3v[:EMB, :], preferred_element_type=jnp.float32)
    o += jnp.dot(h2, w3v[EMB:, :], preferred_element_type=jnp.float32)
    out[...] = o + b3[...]


def _tc_dense(packed, W1, b1, W2, b2, W3, b3):
    Bb = 2048
    grid = (B // Bb,)

    def full(shape):
        return pl.BlockSpec(shape, lambda i: tuple(0 for _ in shape))

    return pl.pallas_call(
        _tc_dense_kernel,
        grid=grid,
        in_specs=[
            pl.BlockSpec((Bb, 4 * EMB), lambda i: (i, 0)),
            full(W1.shape), full(b1.shape),
            full(W2.shape), full(b2.shape),
            full(W3.shape), full(b3.shape),
        ],
        out_specs=pl.BlockSpec((Bb, 1), lambda i: (i, 0)),
        out_shape=jax.ShapeDtypeStruct((B, 1), jnp.float32),
    )(packed, W1, b1, W2, b2, W3, b3)


def kernel(user, item, U_gmf, I_gmf, U_mlp, I_mlp, W1, b1, W2, b2, W3, b3):
    u_idx = user.reshape(B)
    i_idx = item.reshape(B)
    packed = _sc_gather(u_idx, i_idx, U_gmf.T, I_gmf.T, U_mlp.T, I_mlp.T)
    return _tc_dense(packed,
                     W1, b1.reshape(1, 64), W2, b2.reshape(1, 32),
                     W3, b3.reshape(1, 1))

# --- scband reference (transcript-rebuilt; emitter-appended) ---
"""Pipeline reference for scband-nmf-35313221108372 (READ-ONLY COPY).

The authoritative reference and input builder live on the scoring server;
editing this copy changes nothing except your own understanding.
"""

import jax, jax.numpy as jnp
import numpy as np

B = 16384
U_DIM = 1000000
I_DIM = 1000000
GMF = 32
MLP = 32


def setup_inputs(seed: int = 0) -> dict:
    key = jax.random.key(seed)
    ks = jax.random.split(key, 12)
    user = jax.random.randint(ks[0], (B, 1), 0, U_DIM, dtype=jnp.int32)
    item = jax.random.randint(ks[1], (B, 1), 0, I_DIM, dtype=jnp.int32)
    U_gmf = jax.random.normal(ks[2], (U_DIM, GMF), dtype=jnp.float32) * 0.05
    I_gmf = jax.random.normal(ks[3], (I_DIM, GMF), dtype=jnp.float32) * 0.05
    U_mlp = jax.random.normal(ks[4], (U_DIM, MLP), dtype=jnp.float32) * 0.05
    I_mlp = jax.random.normal(ks[5], (I_DIM, MLP), dtype=jnp.float32) * 0.05
    W1 = jax.random.normal(ks[6], (2 * MLP, 64), dtype=jnp.float32) * 0.05
    b1 = jnp.zeros((64,), dtype=jnp.float32)
    W2 = jax.random.normal(ks[7], (64, 32), dtype=jnp.float32) * 0.05
    b2 = jnp.zeros((32,), dtype=jnp.float32)
    W3 = jax.random.normal(ks[8], (GMF + 32, 1), dtype=jnp.float32) * 0.05
    b3 = jnp.zeros((1,), dtype=jnp.float32)
    return {"user": user, "item": item, "U_gmf": U_gmf, "I_gmf": I_gmf,
            "U_mlp": U_mlp, "I_mlp": I_mlp, "W1": W1, "b1": b1,
            "W2": W2, "b2": b2, "W3": W3, "b3": b3}


def reference(user, item, U_gmf, I_gmf, U_mlp, I_mlp, W1, b1, W2, b2, W3, b3):
    u_idx = user[:, 0]
    i_idx = item[:, 0]
    # Embedding lookups (Embedding + Flatten on input_length=1)
    u_emb_gmf = jnp.take(U_gmf, u_idx, axis=0)  # [B, GMF]
    i_emb_gmf = jnp.take(I_gmf, i_idx, axis=0)  # [B, GMF]
    u_emb_mlp = jnp.take(U_mlp, u_idx, axis=0)  # [B, MLP]
    i_emb_mlp = jnp.take(I_mlp, i_idx, axis=0)  # [B, MLP]
    # GMF branch: elementwise product
    mul = u_emb_gmf * i_emb_gmf
    # MLP branch (Dropout is identity at inference)
    concat = jnp.concatenate([u_emb_mlp, i_emb_mlp], axis=-1)
    h = jax.nn.relu(concat @ W1 + b1)
    h = jax.nn.relu(h @ W2 + b2)
    # Fuse and predict
    con = jnp.concatenate([mul, h], axis=-1)
    out = con @ W3 + b3  # [B, 1]
    return out

if __name__ == "__main__":
    import jax
    _d = setup_inputs()
    print(jax.jit(kernel)(*tuple(_d.values())))

</pallas_src>

<mosaic_0001>
#map = affine_map<(d0, d1) -> (0, 0)>
#map1 = affine_map<(d0, d1) -> (0)>
module attributes {stable_mosaic.version = 14 : i64} {
  func.func @_sc_gather_kernel(%arg0: i32, %arg1: i32, %arg2: memref<32x1000000xf32, #tpu.memory_space<hbm>>, %arg3: memref<32x1000000xf32, #tpu.memory_space<hbm>>, %arg4: memref<32x1000000xf32, #tpu.memory_space<hbm>>, %arg5: memref<32x1000000xf32, #tpu.memory_space<hbm>>, %arg6: memref<16384xi32, #tpu.memory_space<hbm>>, %arg7: memref<16384xi32, #tpu.memory_space<hbm>>, %arg8: memref<16384x128xf32, #tpu.memory_space<hbm>>, %arg9: memref<512xi32, #tpu.memory_space<vmem>>, %arg10: memref<512xi32, #tpu.memory_space<vmem>>, %arg11: memref<64x128xf32, #tpu.memory_space<vmem>>, %arg12: memref<6x128x128xf32, #tpu.memory_space<vmem>>, %arg13: memref<6x!tpu.dma_semaphore, #tpu.memory_space<semaphore_mem>>) attributes {dimension_semantics = [#tpu.dimension_semantics<core_parallel>, #tpu.dimension_semantics<subcore_parallel>], iteration_bounds = array<i64: 2, 16>, scalar_prefetch = 0 : i64, scratch_operands = 5 : i64, tpu.core_type = #tpu.core_type<sc_vector_subcore>, window_params = [{transform_indices = #map}, {transform_indices = #map}, {transform_indices = #map}, {transform_indices = #map}, {transform_indices = #map1}, {transform_indices = #map1}, {transform_indices = #map}]} {
    %mul3A = arith.constant 2 : i32
    %mul3A_0 = arith.muli %arg1, %mul3A : i32
    %add3A = arith.addi %mul3A_0, %arg0 : i32
    %mul3A_1 = arith.constant 512 : i32
    %mul3A_2 = arith.muli %add3A, %mul3A_1 : i32
    "tpu.region"() ({
      %run_scoped3A = tpu.sem_alloc : memref<!tpu.dma_semaphore, #tpu.memory_space<semaphore_mem>>
      %dma_start3A_692 = tpu.memref_slice %arg6[%mul3A_2] : memref<16384xi32, #tpu.memory_space<hbm>> -> memref<512xi32, #tpu.memory_space<hbm>>
      %dma_start3A_693 = tpu.memref_slice %arg6[%mul3A_2] : memref<16384xi32, #tpu.memory_space<hbm>> -> memref<512xi32, #tpu.memory_space<hbm>>
      tpu.enqueue_dma source(%dma_start3A_693 : memref<512xi32, #tpu.memory_space<hbm>>) target(%arg9 : memref<512xi32, #tpu.memory_space<vmem>>) target_semaphore(%run_scoped3A : memref<!tpu.dma_semaphore, #tpu.memory_space<semaphore_mem>>)
      %dma_wait3A_694 = tpu.memref_slice %arg6[%mul3A_2] : memref<16384xi32, #tpu.memory_space<hbm>> -> memref<512xi32, #tpu.memory_space<hbm>>
      %dma_wait3A_695 = tpu.memref_slice %arg6[%mul3A_2] : memref<16384xi32, #tpu.memory_space<hbm>> -> memref<512xi32, #tpu.memory_space<hbm>>
      tpu.wait_dma2 semaphore(%run_scoped3A : memref<!tpu.dma_semaphore, #tpu.memory_space<semaphore_mem>>) src(%dma_wait3A_695 : memref<512xi32, #tpu.memory_space<hbm>>) dst(%arg9 : memref<512xi32, #tpu.memory_space<vmem>>)
      tpu.yield
    }) : () -> ()
    "tpu.region"() ({
      %run_scoped3A = tpu.sem_alloc : memref<!tpu.dma_semaphore, #tpu.memory_space<semaphore_mem>>
      %dma_start3A_692 = tpu.memref_slice %arg7[%mul3A_2] : memref<16384xi32, #tpu.memory_space<hbm>> -> memref<512xi32, #tpu.memory_space<hbm>>
      %dma_start3A_693 = tpu.memref_slice %arg7[%mul3A_2] : memref<16384xi32, #tpu.memory_space<hbm>> -> memref<512xi32, #tpu.memory_space<hbm>>
      tpu.enqueue_dma source(%dma_start3A_693 : memref<512xi32, #tpu.memory_space<hbm>>) target(%arg10 : memref<512xi32, #tpu.memory_space<vmem>>) target_semaphore(%run_scoped3A : memref<!tpu.dma_semaphore, #tpu.memory_space<semaphore_mem>>)
      %dma_wait3A_694 = tpu.memref_slice %arg7[%mul3A_2] : memref<16384xi32, #tpu.memory_space<hbm>> -> memref<512xi32, #tpu.memory_space<hbm>>
      %dma_wait3A_695 = tpu.memref_slice %arg7[%mul3A_2] : memref<16384xi32, #tpu.memory_space<hbm>> -> memref<512xi32, #tpu.memory_space<hbm>>
      tpu.wait_dma2 semaphore(%run_scoped3A : memref<!tpu.dma_semaphore, #tpu.memory_space<semaphore_mem>>) src(%dma_wait3A_695 : memref<512xi32, #tpu.memory_space<hbm>>) dst(%arg10 : memref<512xi32, #tpu.memory_space<vmem>>)
      tpu.yield
    }) : () -> ()
    %iota3A = tpu.iota {dimensions = array<i32: 0>} : vector<16xi32>
    %broadcast_in_dim3A = arith.constant 0 : i32
    %broadcast_in_dim3A_3 = vector.broadcast %broadcast_in_dim3A : i32 to vector<16xi32>
    %gather3A = tpu.vector_load_idx %arg9[%broadcast_in_dim3A_3] : memref<512xi32, #tpu.memory_space<vmem>>[vector<16xi32>], vector<16xi32>,
    %slice3A = vector.extract_strided_slice %gather3A {offsets = [0], sizes = [1], strides = [1]} : vector<16xi32> to vector<1xi32>
    %squeeze3A = vector.extract %slice3A[0] : i32 from vector<1xi32>
    %broadcast_in_dim3A_4 = arith.constant 0 : i32
    %broadcast_in_dim3A_5 = vector.broadcast %broadcast_in_dim3A_4 : i32 to vector<16xi32>
    %gather3A_6 = tpu.vector_load_idx %arg10[%broadcast_in_dim3A_5] : memref<512xi32, #tpu.memory_space<vmem>>[vector<16xi32>], vector<16xi32>,
    %slice3A_7 = vector.extract_strided_slice %gather3A_6 {offsets = [0], sizes = [1], strides = [1]} : vector<16xi32> to vector<1xi32>
    %squeeze3A_8 = vector.extract %slice3A_7[0] : i32 from vector<1xi32>
    %rem3A = arith.constant 128 : i32
    %rem3A_9 = arith.remsi %squeeze3A, %rem3A : i32
    %sub3A = arith.subi %squeeze3A, %rem3A_9 : i32
    %multiple_of3A = tpu.assume_multiple %sub3A, 128 : i32
    %rem3A_10 = arith.constant 128 : i32
    %rem3A_11 = arith.remsi %squeeze3A_8, %rem3A_10 : i32
    %sub3A_12 = arith.subi %squeeze3A_8, %rem3A_11 : i32
    %multiple_of3A_13 = tpu.assume_multiple %sub3A_12, 128 : i32
    %dma_start3A = arith.constant 0 : i32
    %dma_start3A_14 = arith.constant 0 : i32
    %dma_start3A_15 = arith.constant 0 : i32
    %dma_start3A_16 = arith.constant 0 : i32
    %dma_start3A_17 = tpu.memref_slice %arg12[%dma_start3A, %dma_start3A_15, %dma_start3A_16] : memref<6x128x128xf32, #tpu.memory_space<vmem>> -> memref<1x32x128xf32, #tpu.memory_space<vmem>>
    %dma_start3A_18 = tpu.memref_squeeze %dma_start3A_17 : memref<1x32x128xf32, #tpu.memory_space<vmem>> -> memref<32x128xf32, #tpu.memory_space<vmem>>
    %dma_start3A_19 = arith.constant 0 : i32
    %dma_start3A_20 = tpu.memref_slice %arg2[%dma_start3A_19, %multiple_of3A] : memref<32x1000000xf32, #tpu.memory_space<hbm>> -> memref<32x128xf32, #tpu.memory_space<hbm>>
    %dma_start3A_21 = tpu.memref_slice %arg13[%dma_start3A_14] : memref<6x!tpu.dma_semaphore, #tpu.memory_space<semaphore_mem>> -> memref<1x!tpu.dma_semaphore, #tpu.memory_space<semaphore_mem>>
    %dma_start3A_22 = tpu.memref_squeeze %dma_start3A_21 : memref<1x!tpu.dma_semaphore, #tpu.memory_space<semaphore_mem>> -> memref<!tpu.dma_semaphore, #tpu.memory_space<semaphore_mem>>
    %dma_start3A_23 = arith.constant 0 : i32
    %dma_start3A_24 = arith.constant 0 : i32
    %dma_start3A_25 = tpu.memref_slice %arg12[%dma_start3A, %dma_start3A_23, %dma_start3A_24] : memref<6x128x128xf32, #tpu.memory_space<vmem>> -> memref<1x32x128xf32, #tpu.memory_space<vmem>>
    %dma_start3A_26 = tpu.memref_squeeze %dma_start3A_25 : memref<1x32x128xf32, #tpu.memory_space<vmem>> -> memref<32x128xf32, #tpu.memory_space<vmem>>
    %dma_start3A_27 = arith.constant 0 : i32
    %dma_start3A_28 = tpu.memref_slice %arg2[%dma_start3A_27, %multiple_of3A] : memref<32x1000000xf32, #tpu.memory_space<hbm>> -> memref<32x128xf32, #tpu.memory_space<hbm>>
    tpu.enqueue_dma source(%dma_start3A_28 : memref<32x128xf32, #tpu.memory_space<hbm>>) target(%dma_start3A_26 : memref<32x128xf32, #tpu.memory_space<vmem>>) target_semaphore(%dma_start3A_22 : memref<!tpu.dma_semaphore, #tpu.memory_space<semaphore_mem>>)
    %dma_start3A_29 = arith.constant 0 : i32
    %dma_start3A_30 = arith.constant 0 : i32
    %dma_start3A_31 = arith.constant 32 : i32
    %dma_start3A_32 = arith.constant 0 : i32
    %dma_start3A_33 = tpu.memref_slice %arg12[%dma_start3A_29, %dma_start3A_31, %dma_start3A_32] : memref<6x128x128xf32, #tpu.memory_space<vmem>> -> memref<1x32x128xf32, #tpu.memory_space<vmem>>
    %dma_start3A_34 = tpu.memref_squeeze %dma_start3A_33 : memref<1x32x128xf32, #tpu.memory_space<vmem>> -> memref<32x128xf32, #tpu.memory_space<vmem>>
    %dma_start3A_35 = arith.constant 0 : i32
    %dma_start3A_36 = tpu.memref_slice %arg3[%dma_start3A_35, %multiple_of3A_13] : memref<32x1000000xf32, #tpu.memory_space<hbm>> -> memref<32x128xf32, #tpu.memory_space<hbm>>
    %dma_start3A_37 = tpu.memref_slice %arg13[%dma_start3A_30] : memref<6x!tpu.dma_semaphore, #tpu.memory_space<semaphore_mem>> -> memref<1x!tpu.dma_semaphore, #tpu.memory_space<semaphore_mem>>
    %dma_start3A_38 = tpu.memref_squeeze %dma_start3A_37 : memref<1x!tpu.dma_semaphore, #tpu.memory_space<semaphore_mem>> -> memref<!tpu.dma_semaphore, #tpu.memory_space<semaphore_mem>>
    %dma_start3A_39 = arith.constant 32 : i32
    %dma_start3A_40 = arith.constant 0 : i32
    %dma_start3A_41 = tpu.memref_slice %arg12[%dma_start3A_29, %dma_start3A_39, %dma_start3A_40] : memref<6x128x128xf32, #tpu.memory_space<vmem>> -> memref<1x32x128xf32, #tpu.memory_space<vmem>>
    %dma_start3A_42 = tpu.memref_squeeze %dma_start3A_41 : memref<1x32x128xf32, #tpu.memory_space<vmem>> -> memref<32x128xf32, #tpu.memory_space<vmem>>
    %dma_start3A_43 = arith.constant 0 : i32
    %dma_start3A_44 = tpu.memref_slice %arg3[%dma_start3A_43, %multiple_of3A_13] : memref<32x1000000xf32, #tpu.memory_space<hbm>> -> memref<32x128xf32, #tpu.memory_space<hbm>>
    tpu.enqueue_dma source(%dma_start3A_44 : memref<32x128xf32, #tpu.memory_space<hbm>>) target(%dma_start3A_42 : memref<32x128xf32, #tpu.memory_space<vmem>>) target_semaphore(%dma_start3A_38 : memref<!tpu.dma_semaphore, #tpu.memory_space<semaphore_mem>>)
    %dma_start3A_45 = arith.constant 0 : i32
    %dma_start3A_46 = arith.constant 0 : i32
    %dma_start3A_47 = arith.constant 64 : i32
    %dma_start3A_48 = arith.constant 0 : i32
    %dma_start3A_49 = tpu.memref_slice %arg12[%dma_start3A_45, %dma_start3A_47, %dma_start3A_48] : memref<6x128x128xf32, #tpu.memory_space<vmem>> -> memref<1x32x128xf32, #tpu.memory_space<vmem>>
    %dma_start3A_50 = tpu.memref_squeeze %dma_start3A_49 : memref<1x32x128xf32, #tpu.memory_space<vmem>> -> memref<32x128xf32, #tpu.memory_space<vmem>>
    %dma_start3A_51 = arith.constant 0 : i32
    %dma_start3A_52 = tpu.memref_slice %arg4[%dma_start3A_51, %multiple_of3A] : memref<32x1000000xf32, #tpu.memory_space<hbm>> -> memref<32x128xf32, #tpu.memory_space<hbm>>
    %dma_start3A_53 = tpu.memref_slice %arg13[%dma_start3A_46] : memref<6x!tpu.dma_semaphore, #tpu.memory_space<semaphore_mem>> -> memref<1x!tpu.dma_semaphore, #tpu.memory_space<semaphore_mem>>
    %dma_start3A_54 = tpu.memref_squeeze %dma_start3A_53 : memref<1x!tpu.dma_semaphore, #tpu.memory_space<semaphore_mem>> -> memref<!tpu.dma_semaphore, #tpu.memory_space<semaphore_mem>>
    %dma_start3A_55 = arith.constant 64 : i32
    %dma_start3A_56 = arith.constant 0 : i32
    %dma_start3A_57 = tpu.memref_slice %arg12[%dma_start3A_45, %dma_start3A_55, %dma_start3A_56] : memref<6x128x128xf32, #tpu.memory_space<vmem>> -> memref<1x32x128xf32, #tpu.memory_space<vmem>>
    %dma_start3A_58 = tpu.memref_squeeze %dma_start3A_57 : memref<1x32x128xf32, #tpu.memory_space<vmem>> -> memref<32x128xf32, #tpu.memory_space<vmem>>
    %dma_start3A_59 = arith.constant 0 : i32
    %dma_start3A_60 = tpu.memref_slice %arg4[%dma_start3A_59, %multiple_of3A] : memref<32x1000000xf32, #tpu.memory_space<hbm>> -> memref<32x128xf32, #tpu.memory_space<hbm>>
    tpu.enqueue_dma source(%dma_start3A_60 : memref<32x128xf32, #tpu.memory_space<hbm>>) target(%dma_start3A_58 : memref<32x128xf32, #tpu.memory_space<vmem>>) target_semaphore(%dma_start3A_54 : memref<!tpu.dma_semaphore, #tpu.memory_space<semaphore_mem>>)
    %dma_start3A_61 = arith.constant 0 : i32
    %dma_start3A_62 = arith.constant 0 : i32
    %dma_start3A_63 = arith.constant 96 : i32
    %dma_start3A_64 = arith.constant 0 : i32
    %dma_start3A_65 = tpu.memref_slice %arg12[%dma_start3A_61, %dma_start3A_63, %dma_start3A_64] : memref<6x128x128xf32, #tpu.memory_space<vmem>> -> memref<1x32x128xf32, #tpu.memory_space<vmem>>
    %dma_start3A_66 = tpu.memref_squeeze %dma_start3A_65 : memref<1x32x128xf32, #tpu.memory_space<vmem>> -> memref<32x128xf32, #tpu.memory_space<vmem>>
    %dma_start3A_67 = arith.constant 0 : i32
    %dma_start3A_68 = tpu.memref_slice %arg5[%dma_start3A_67, %multiple_of3A_13] : memref<32x1000000xf32, #tpu.memory_space<hbm>> -> memref<32x128xf32, #tpu.memory_space<hbm>>
    %dma_start3A_69 = tpu.memref_slice %arg13[%dma_start3A_62] : memref<6x!tpu.dma_semaphore, #tpu.memory_space<semaphore_mem>> -> memref<1x!tpu.dma_semaphore, #tpu.memory_space<semaphore_mem>>
    %dma_start3A_70 = tpu.memref_squeeze %dma_start3A_69 : memref<1x!tpu.dma_semaphore, #tpu.memory_space<semaphore_mem>> -> memref<!tpu.dma_semaphore, #tpu.memory_space<semaphore_mem>>
    %dma_start3A_71 = arith.constant 96 : i32
    %dma_start3A_72 = arith.constant 0 : i32
    %dma_start3A_73 = tpu.memref_slice %arg12[%dma_start3A_61, %dma_start3A_71, %dma_start3A_72] : memref<6x128x128xf32, #tpu.memory_space<vmem>> -> memref<1x32x128xf32, #tpu.memory_space<vmem>>
    %dma_start3A_74 = tpu.memref_squeeze %dma_start3A_73 : memref<1x32x128xf32, #tpu.memory_space<vmem>> -> memref<32x128xf32, #tpu.memory_space<vmem>>
    %dma_start3A_75 = arith.constant 0 : i32
    %dma_start3A_76 = tpu.memref_slice %arg5[%dma_start3A_75, %multiple_of3A_13] : memref<32x1000000xf32, #tpu.memory_space<hbm>> -> memref<32x128xf32, #tpu.memory_space<hbm>>
    tpu.enqueue_dma source(%dma_start3A_76 : memref<32x128xf32, #tpu.memory_space<hbm>>) target(%dma_start3A_74 : memref<32x128xf32, #tpu.memory_space<vmem>>) target_semaphore(%dma_start3A_70 : memref<!tpu.dma_semaphore, #tpu.memory_space<semaphore_mem>>)
    %broadcast_in_dim3A_77 = arith.constant 1 : i32
    %broadcast_in_dim3A_78 = vector.broadcast %broadcast_in_dim3A_77 : i32 to vector<16xi32>
    %gather3A_79 = tpu.vector_load_idx %arg9[%broadcast_in_dim3A_78] : memref<512xi32, #tpu.memory_space<vmem>>[vector<16xi32>], vector<16xi32>,
    %slice3A_80 = vector.extract_strided_slice %gather3A_79 {offsets = [0], sizes = [1], strides = [1]} : vector<16xi32> to vector<1xi32>
    %squeeze3A_81 = vector.extract %slice3A_80[0] : i32 from vector<1xi32>
    %broadcast_in_dim3A_82 = arith.constant 1 : i32
    %broadcast_in_dim3A_83 = vector.broadcast %broadcast_in_dim3A_82 : i32 to vector<16xi32>
    %gather3A_84 = tpu.vector_load_idx %arg10[%broadcast_in_dim3A_83] : memref<512xi32, #tpu.memory_space<vmem>>[vector<16xi32>], vector<16xi32>,
    %slice3A_85 = vector.extract_strided_slice %gather3A_84 {offsets = [0], sizes = [1], strides = [1]} : vector<16xi32> to vector<1xi32>
    %squeeze3A_86 = vector.extract %slice3A_85[0] : i32 from vector<1xi32>
    %rem3A_87 = arith.constant 128 : i32
    %rem3A_88 = arith.remsi %squeeze3A_81, %rem3A_87 : i32
    %sub3A_89 = arith.subi %squeeze3A_81, %rem3A_88 : i32
    %multiple_of3A_90 = tpu.assume_multiple %sub3A_89, 128 : i32
    %rem3A_91 = arith.constant 128 : i32
    %rem3A_92 = arith.remsi %squeeze3A_86, %rem3A_91 : i32
    %sub3A_93 = arith.subi %squeeze3A_86, %rem3A_92 : i32
    %multiple_of3A_94 = tpu.assume_multiple %sub3A_93, 128 : i32
    %dma_start3A_95 = arith.constant 1 : i32
    %dma_start3A_96 = arith.constant 1 : i32
    %dma_start3A_97 = arith.constant 0 : i32
    %dma_start3A_98 = arith.constant 0 : i32
    %dma_start3A_99 = tpu.memref_slice %arg12[%dma_start3A_95, %dma_start3A_97, %dma_start3A_98] : memref<6x128x128xf32, #tpu.memory_space<vmem>> -> memref<1x32x128xf32, #tpu.memory_space<vmem>>
    %dma_start3A_100 = tpu.memref_squeeze %dma_start3A_99 : memref<1x32x128xf32, #tpu.memory_space<vmem>> -> memref<32x128xf32, #tpu.memory_space<vmem>>
    %dma_start3A_101 = arith.constant 0 : i32
    %dma_start3A_102 = tpu.memref_slice %arg2[%dma_start3A_101, %multiple_of3A_90] : memref<32x1000000xf32, #tpu.memory_space<hbm>> -> memref<32x128xf32, #tpu.memory_space<hbm>>
    %dma_start3A_103 = tpu.memref_slice %arg13[%dma_start3A_96] : memref<6x!tpu.dma_semaphore, #tpu.memory_space<semaphore_mem>> -> memref<1x!tpu.dma_semaphore, #tpu.memory_space<semaphore_mem>>
    %dma_start3A_104 = tpu.memref_squeeze %dma_start3A_103 : memref<1x!tpu.dma_semaphore, #tpu.memory_space<semaphore_mem>> -> memref<!tpu.dma_semaphore, #tpu.memory_space<semaphore_mem>>
    %dma_start3A_105 = arith.constant 0 : i32
    %dma_start3A_106 = arith.constant 0 : i32
    %dma_start3A_107 = tpu.memref_slice %arg12[%dma_start3A_95, %dma_start3A_105, %dma_start3A_106] : memref<6x128x128xf32, #tpu.memory_space<vmem>> -> memref<1x32x128xf32, #tpu.memory_space<vmem>>
    %dma_start3A_108 = tpu.memref_squeeze %dma_start3A_107 : memref<1x32x128xf32, #tpu.memory_space<vmem>> -> memref<32x128xf32, #tpu.memory_space<vmem>>
    %dma_start3A_109 = arith.constant 0 : i32
    %dma_start3A_110 = tpu.memref_slice %arg2[%dma_start3A_109, %multiple_of3A_90] : memref<32x1000000xf32, #tpu.memory_space<hbm>> -> memref<32x128xf32, #tpu.memory_space<hbm>>
    tpu.enqueue_dma source(%dma_start3A_110 : memref<32x128xf32, #tpu.memory_space<hbm>>) target(%dma_start3A_108 : memref<32x128xf32, #tpu.memory_space<vmem>>) target_semaphore(%dma_start3A_104 : memref<!tpu.dma_semaphore, #tpu.memory_space<semaphore_mem>>)
    %dma_start3A_111 = arith.constant 1 : i32
    %dma_start3A_112 = arith.constant 1 : i32
    %dma_start3A_113 = arith.constant 32 : i32
    %dma_start3A_114 = arith.constant 0 : i32
    %dma_start3A_115 = tpu.memref_slice %arg12[%dma_start3A_111, %dma_start3A_113, %dma_start3A_114] : memref<6x128x128xf32, #tpu.memory_space<vmem>> -> memref<1x32x128xf32, #tpu.memory_space<vmem>>
    %dma_start3A_116 = tpu.memref_squeeze %dma_start3A_115 : memref<1x32x128xf32, #tpu.memory_space<vmem>> -> memref<32x128xf32, #tpu.memory_space<vmem>>
    %dma_start3A_117 = arith.constant 0 : i32
    %dma_start3A_118 = tpu.memref_slice %arg3[%dma_start3A_117, %multiple_of3A_94] : memref<32x1000000xf32, #tpu.memory_space<hbm>> -> memref<32x128xf32, #tpu.memory_space<hbm>>
    %dma_start3A_119 = tpu.memref_slice %arg13[%dma_start3A_112] : memref<6x!tpu.dma_semaphore, #tpu.memory_space<semaphore_mem>> -> memref<1x!tpu.dma_semaphore, #tpu.memory_space<semaphore_mem>>
    %dma_start3A_120 = tpu.memref_squeeze %dma_start3A_119 : memref<1x!tpu.dma_semaphore, #tpu.memory_space<semaphore_mem>> -> memref<!tpu.dma_semaphore, #tpu.memory_space<semaphore_mem>>
    %dma_start3A_121 = arith.constant 32 : i32
    %dma_start3A_122 = arith.constant 0 : i32
    %dma_start3A_123 = tpu.memref_slice %arg12[%dma_start3A_111, %dma_start3A_121, %dma_start3A_122] : memref<6x128x128xf32, #tpu.memory_space<vmem>> -> memref<1x32x128xf32, #tpu.memory_space<vmem>>
    %dma_start3A_124 = tpu.memref_squeeze %dma_start3A_123 : memref<1x32x128xf32, #tpu.memory_space<vmem>> -> memref<32x128xf32, #tpu.memory_space<vmem>>
    %dma_start3A_125 = arith.constant 0 : i32
    %dma_start3A_126 = tpu.memref_slice %arg3[%dma_start3A_125, %multiple_of3A_94] : memref<32x1000000xf32, #tpu.memory_space<hbm>> -> memref<32x128xf32, #tpu.memory_space<hbm>>
    tpu.enqueue_dma source(%dma_start3A_126 : memref<32x128xf32, #tpu.memory_space<hbm>>) target(%dma_start3A_124 : memref<32x128xf32, #tpu.memory_space<vmem>>) target_semaphore(%dma_start3A_120 : memref<!tpu.dma_semaphore, #tpu.memory_space<semaphore_mem>>)
    %dma_start3A_127 = arith.constant 1 : i32
    %dma_start3A_128 = arith.constant 1 : i32
    %dma_start3A_129 = arith.constant 64 : i32
    %dma_start3A_130 = arith.constant 0 : i32
    %dma_start3A_131 = tpu.memref_slice %arg12[%dma_start3A_127, %dma_start3A_129, %dma_start3A_130] : memref<6x128x128xf32, #tpu.memory_space<vmem>> -> memref<1x32x128xf32, #tpu.memory_space<vmem>>
    %dma_start3A_132 = tpu.memref_squeeze %dma_start3A_131 : memref<1x32x128xf32, #tpu.memory_space<vmem>> -> memref<32x128xf32, #tpu.memory_space<vmem>>
    %dma_start3A_133 = arith.constant 0 : i32
    %dma_start3A_134 = tpu.memref_slice %arg4[%dma_start3A_133, %multiple_of3A_90] : memref<32x1000000xf32, #tpu.memory_space<hbm>> -> memref<32x128xf32, #tpu.memory_space<hbm>>
    %dma_start3A_135 = tpu.memref_slice %arg13[%dma_start3A_128] : memref<6x!tpu.dma_semaphore, #tpu.memory_space<semaphore_mem>> -> memref<1x!tpu.dma_semaphore, #tpu.memory_space<semaphore_mem>>
    %dma_start3A_136 = tpu.memref_squeeze %dma_start3A_135 : memref<1x!tpu.dma_semaphore, #tpu.memory_space<semaphore_mem>> -> memref<!tpu.dma_semaphore, #tpu.memory_space<semaphore_mem>>
    %dma_start3A_137 = arith.constant 64 : i32
    %dma_start3A_138 = arith.constant 0 : i32
    %dma_start3A_139 = tpu.memref_slice %arg12[%dma_start3A_127, %dma_start3A_137, %dma_start3A_138] : memref<6x128x128xf32, #tpu.memory_space<vmem>> -> memref<1x32x128xf32, #tpu.memory_space<vmem>>
    %dma_start3A_140 = tpu.memref_squeeze %dma_start3A_139 : memref<1x32x128xf32, #tpu.memory_space<vmem>> -> memref<32x128xf32, #tpu.memory_space<vmem>>
    %dma_start3A_141 = arith.constant 0 : i32
    %dma_start3A_142 = tpu.memref_slice %arg4[%dma_start3A_141, %multiple_of3A_90] : memref<32x1000000xf32, #tpu.memory_space<hbm>> -> memref<32x128xf32, #tpu.memory_space<hbm>>
    tpu.enqueue_dma source(%dma_start3A_142 : memref<32x128xf32, #tpu.memory_space<hbm>>) target(%dma_start3A_140 : memref<32x128xf32, #tpu.memory_space<vmem>>) target_semaphore(%dma_start3A_136 : memref<!tpu.dma_semaphore, #tpu.memory_space<semaphore_mem>>)
    %dma_start3A_143 = arith.constant 1 : i32
    %dma_start3A_144 = arith.constant 1 : i32
    %dma_start3A_145 = arith.constant 96 : i32
    %dma_start3A_146 = arith.constant 0 : i32
    %dma_start3A_147 = tpu.memref_slice %arg12[%dma_start3A_143, %dma_start3A_145, %dma_start3A_146] : memref<6x128x128xf32, #tpu.memory_space<vmem>> -> memref<1x32x128xf32, #tpu.memory_space<vmem>>
    %dma_start3A_148 = tpu.memref_squeeze %dma_start3A_147 : memref<1x32x128xf32, #tpu.memory_space<vmem>> -> memref<32x128xf32, #tpu.memory_space<vmem>>
    %dma_start3A_149 = arith.constant 0 : i32
    %dma_start3A_150 = tpu.memref_slice %arg5[%dma_start3A_149, %multiple_of3A_94] : memref<32x1000000xf32, #tpu.memory_space<hbm>> -> memref<32x128xf32, #tpu.memory_space<hbm>>
    %dma_start3A_151 = tpu.memref_slice %arg13[%dma_start3A_144] : memref<6x!tpu.dma_semaphore, #tpu.memory_space<semaphore_mem>> -> memref<1x!tpu.dma_semaphore, #tpu.memory_space<semaphore_mem>>
    %dma_start3A_152 = tpu.memref_squeeze %dma_start3A_151 : memref<1x!tpu.dma_semaphore, #tpu.memory_space<semaphore_mem>> -> memref<!tpu.dma_semaphore, #tpu.memory_space<semaphore_mem>>
    %dma_start3A_153 = arith.constant 96 : i32
    %dma_start3A_154 = arith.constant 0 : i32
    %dma_start3A_155 = tpu.memref_slice %arg12[%dma_start3A_143, %dma_start3A_153, %dma_start3A_154] : memref<6x128x128xf32, #tpu.memory_space<vmem>> -> memref<1x32x128xf32, #tpu.memory_space<vmem>>
    %dma_start3A_156 = tpu.memref_squeeze %dma_start3A_155 : memref<1x32x128xf32, #tpu.memory_space<vmem>> -> memref<32x128xf32, #tpu.memory_space<vmem>>
    %dma_start3A_157 = arith.constant 0 : i32
    %dma_start3A_158 = tpu.memref_slice %arg5[%dma_start3A_157, %multiple_of3A_94] : memref<32x1000000xf32, #tpu.memory_space<hbm>> -> memref<32x128xf32, #tpu.memory_space<hbm>>
    tpu.enqueue_dma source(%dma_start3A_158 : memref<32x128xf32, #tpu.memory_space<hbm>>) target(%dma_start3A_156 : memref<32x128xf32, #tpu.memory_space<vmem>>) target_semaphore(%dma_start3A_152 : memref<!tpu.dma_semaphore, #tpu.memory_space<semaphore_mem>>)
    %broadcast_in_dim3A_159 = arith.constant 2 : i32
    %broadcast_in_dim3A_160 = vector.broadcast %broadcast_in_dim3A_159 : i32 to vector<16xi32>
    %gather3A_161 = tpu.vector_load_idx %arg9[%broadcast_in_dim3A_160] : memref<512xi32, #tpu.memory_space<vmem>>[vector<16xi32>], vector<16xi32>,
    %slice3A_162 = vector.extract_strided_slice %gather3A_161 {offsets = [0], sizes = [1], strides = [1]} : vector<16xi32> to vector<1xi32>
    %squeeze3A_163 = vector.extract %slice3A_162[0] : i32 from vector<1xi32>
    %broadcast_in_dim3A_164 = arith.constant 2 : i32
    %broadcast_in_dim3A_165 = vector.broadcast %broadcast_in_dim3A_164 : i32 to vector<16xi32>
    %gather3A_166 = tpu.vector_load_idx %arg10[%broadcast_in_dim3A_165] : memref<512xi32, #tpu.memory_space<vmem>>[vector<16xi32>], vector<16xi32>,
    %slice3A_167 = vector.extract_strided_slice %gather3A_166 {offsets = [0], sizes = [1], strides = [1]} : vector<16xi32> to vector<1xi32>
    %squeeze3A_168 = vector.extract %slice3A_167[0] : i32 from vector<1xi32>
    %rem3A_169 = arith.constant 128 : i32
    %rem3A_170 = arith.remsi %squeeze3A_163, %rem3A_169 : i32
    %sub3A_171 = arith.subi %squeeze3A_163, %rem3A_170 : i32
    %multiple_of3A_172 = tpu.assume_multiple %sub3A_171, 128 : i32
    %rem3A_173 = arith.constant 128 : i32
    %rem3A_174 = arith.remsi %squeeze3A_168, %rem3A_173 : i32
    %sub3A_175 = arith.subi %squeeze3A_168, %rem3A_174 : i32
    %multiple_of3A_176 = tpu.assume_multiple %sub3A_175, 128 : i32
    %dma_start3A_177 = arith.constant 2 : i32
    %dma_start3A_178 = arith.constant 2 : i32
    %dma_start3A_179 = arith.constant 0 : i32
    %dma_start3A_180 = arith.constant 0 : i32
    %dma_start3A_181 = tpu.memref_slice %arg12[%dma_start3A_177, %dma_start3A_179, %dma_start3A_180] : memref<6x128x128xf32, #tpu.memory_space<vmem>> -> memref<1x32x128xf32, #tpu.memory_space<vmem>>
    %dma_start3A_182 = tpu.memref_squeeze %dma_start3A_181 : memref<1x32x128xf32, #tpu.memory_space<vmem>> -> memref<32x128xf32, #tpu.memory_space<vmem>>
    %dma_start3A_183 = arith.constant 0 : i32
    %dma_start3A_184 = tpu.memref_slice %arg2[%dma_start3A_183, %multiple_of3A_172] : memref<32x1000000xf32, #tpu.memory_space<hbm>> -> memref<32x128xf32, #tpu.memory_space<hbm>>
    %dma_start3A_185 = tpu.memref_slice %arg13[%dma_start3A_178] : memref<6x!tpu.dma_semaphore, #tpu.memory_space<semaphore_mem>> -> memref<1x!tpu.dma_semaphore, #tpu.memory_space<semaphore_mem>>
    %dma_start3A_186 = tpu.memref_squeeze %dma_start3A_185 : memref<1x!tpu.dma_semaphore, #tpu.memory_space<semaphore_mem>> -> memref<!tpu.dma_semaphore, #tpu.memory_space<semaphore_mem>>
    %dma_start3A_187 = arith.constant 0 : i32
    %dma_start3A_188 = arith.constant 0 : i32
    %dma_start3A_189 = tpu.memref_slice %arg12[%dma_start3A_177, %dma_start3A_187, %dma_start3A_188] : memref<6x128x128xf32, #tpu.memory_space<vmem>> -> memref<1x32x128xf32, #tpu.memory_space<vmem>>
    %dma_start3A_190 = tpu.memref_squeeze %dma_start3A_189 : memref<1x32x128xf32, #tpu.memory_space<vmem>> -> memref<32x128xf32, #tpu.memory_space<vmem>>
    %dma_start3A_191 = arith.constant 0 : i32
    %dma_start3A_192 = tpu.memref_slice %arg2[%dma_start3A_191, %multiple_of3A_172] : memref<32x1000000xf32, #tpu.memory_space<hbm>> -> memref<32x128xf32, #tpu.memory_space<hbm>>
    tpu.enqueue_dma source(%dma_start3A_192 : memref<32x128xf32, #tpu.memory_space<hbm>>) target(%dma_start3A_190 : memref<32x128xf32, #tpu.memory_space<vmem>>) target_semaphore(%dma_start3A_186 : memref<!tpu.dma_semaphore, #tpu.memory_space<semaphore_mem>>)
    %dma_start3A_193 = arith.constant 2 : i32
    %dma_start3A_194 = arith.constant 2 : i32
    %dma_start3A_195 = arith.constant 32 : i32
    %dma_start3A_196 = arith.constant 0 : i32
    %dma_start3A_197 = tpu.memref_slice %arg12[%dma_start3A_193, %dma_start3A_195, %dma_start3A_196] : memref<6x128x128xf32, #tpu.memory_space<vmem>> -> memref<1x32x128xf32, #tpu.memory_space<vmem>>
    %dma_start3A_198 = tpu.memref_squeeze %dma_start3A_197 : memref<1x32x128xf32, #tpu.memory_space<vmem>> -> memref<32x128xf32, #tpu.memory_space<vmem>>
    %dma_start3A_199 = arith.constant 0 : i32
    %dma_start3A_200 = tpu.memref_slice %arg3[%dma_start3A_199, %multiple_of3A_176] : memref<32x1000000xf32, #tpu.memory_space<hbm>> -> memref<32x128xf32, #tpu.memory_space<hbm>>
    %dma_start3A_201 = tpu.memref_slice %arg13[%dma_start3A_194] : memref<6x!tpu.dma_semaphore, #tpu.memory_space<semaphore_mem>> -> memref<1x!tpu.dma_semaphore, #tpu.memory_space<semaphore_mem>>
    %dma_start3A_202 = tpu.memref_squeeze %dma_start3A_201 : memref<1x!tpu.dma_semaphore, #tpu.memory_space<semaphore_mem>> -> memref<!tpu.dma_semaphore, #tpu.memory_space<semaphore_mem>>
    %dma_start3A_203 = arith.constant 32 : i32
    %dma_start3A_204 = arith.constant 0 : i32
    %dma_start3A_205 = tpu.memref_slice %arg12[%dma_start3A_193, %dma_start3A_203, %dma_start3A_204] : memref<6x128x128xf32, #tpu.memory_space<vmem>> -> memref<1x32x128xf32, #tpu.memory_space<vmem>>
    %dma_start3A_206 = tpu.memref_squeeze %dma_start3A_205 : memref<1x32x128xf32, #tpu.memory_space<vmem>> -> memref<32x128xf32, #tpu.memory_space<vmem>>
    %dma_start3A_207 = arith.constant 0 : i32
    %dma_start3A_208 = tpu.memref_slice %arg3[%dma_start3A_207, %multiple_of3A_176] : memref<32x1000000xf32, #tpu.memory_space<hbm>> -> memref<32x128xf32, #tpu.memory_space<hbm>>
    tpu.enqueue_dma source(%dma_start3A_208 : memref<32x128xf32, #tpu.memory_space<hbm>>) target(%dma_start3A_206 : memref<32x128xf32, #tpu.memory_space<vmem>>) target_semaphore(%dma_start3A_202 : memref<!tpu.dma_semaphore, #tpu.memory_space<semaphore_mem>>)
    %dma_start3A_209 = arith.constant 2 : i32
    %dma_start3A_210 = arith.constant 2 : i32
    %dma_start3A_211 = arith.constant 64 : i32
    %dma_start3A_212 = arith.constant 0 : i32
    %dma_start3A_213 = tpu.memref_slice %arg12[%dma_start3A_209, %dma_start3A_211, %dma_start3A_212] : memref<6x128x128xf32, #tpu.memory_space<vmem>> -> memref<1x32x128xf32, #tpu.memory_space<vmem>>
    %dma_start3A_214 = tpu.memref_squeeze %dma_start3A_213 : memref<1x32x128xf32, #tpu.memory_space<vmem>> -> memref<32x128xf32, #tpu.memory_space<vmem>>
    %dma_start3A_215 = arith.constant 0 : i32
    %dma_start3A_216 = tpu.memref_slice %arg4[%dma_start3A_215, %multiple_of3A_172] : memref<32x1000000xf32, #tpu.memory_space<hbm>> -> memref<32x128xf32, #tpu.memory_space<hbm>>
    %dma_start3A_217 = tpu.memref_slice %arg13[%dma_start3A_210] : memref<6x!tpu.dma_semaphore, #tpu.memory_space<semaphore_mem>> -> memref<1x!tpu.dma_semaphore, #tpu.memory_space<semaphore_mem>>
    %dma_start3A_218 = tpu.memref_squeeze %dma_start3A_217 : memref<1x!tpu.dma_semaphore, #tpu.memory_space<semaphore_mem>> -> memref<!tpu.dma_semaphore, #tpu.memory_space<semaphore_mem>>
    %dma_start3A_219 = arith.constant 64 : i32
    %dma_start3A_220 = arith.constant 0 : i32
    %dma_start3A_221 = tpu.memref_slice %arg12[%dma_start3A_209, %dma_start3A_219, %dma_start3A_220] : memref<6x128x128xf32, #tpu.memory_space<vmem>> -> memref<1x32x128xf32, #tpu.memory_space<vmem>>
    %dma_start3A_222 = tpu.memref_squeeze %dma_start3A_221 : memref<1x32x128xf32, #tpu.memory_space<vmem>> -> memref<32x128xf32, #tpu.memory_space<vmem>>
    %dma_start3A_223 = arith.constant 0 : i32
    %dma_start3A_224 = tpu.memref_slice %arg4[%dma_start3A_223, %multiple_of3A_172] : memref<32x1000000xf32, #tpu.memory_space<hbm>> -> memref<32x128xf32, #tpu.memory_space<hbm>>
    tpu.enqueue_dma source(%dma_start3A_224 : memref<32x128xf32, #tpu.memory_space<hbm>>) target(%dma_start3A_222 : memref<32x128xf32, #tpu.memory_space<vmem>>) target_semaphore(%dma_start3A_218 : memref<!tpu.dma_semaphore, #tpu.memory_space<semaphore_mem>>)
    %dma_start3A_225 = arith.constant 2 : i32
    %dma_start3A_226 = arith.constant 2 : i32
    %dma_start3A_227 = arith.constant 96 : i32
    %dma_start3A_228 = arith.constant 0 : i32
    %dma_start3A_229 = tpu.memref_slice %arg12[%dma_start3A_225, %dma_start3A_227, %dma_start3A_228] : memref<6x128x128xf32, #tpu.memory_space<vmem>> -> memref<1x32x128xf32, #tpu.memory_space<vmem>>
    %dma_start3A_230 = tpu.memref_squeeze %dma_start3A_229 : memref<1x32x128xf32, #tpu.memory_space<vmem>> -> memref<32x128xf32, #tpu.memory_space<vmem>>
    %dma_start3A_231 = arith.constant 0 : i32
    %dma_start3A_232 = tpu.memref_slice %arg5[%dma_start3A_231, %multiple_of3A_176] : memref<32x1000000xf32, #tpu.memory_space<hbm>> -> memref<32x128xf32, #tpu.memory_space<hbm>>
    %dma_start3A_233 = tpu.memref_slice %arg13[%dma_start3A_226] : memref<6x!tpu.dma_semaphore, #tpu.memory_space<semaphore_mem>> -> memref<1x!tpu.dma_semaphore, #tpu.memory_space<semaphore_mem>>
    %dma_start3A_234 = tpu.memref_squeeze %dma_start3A_233 : memref<1x!tpu.dma_semaphore, #tpu.memory_space<semaphore_mem>> -> memref<!tpu.dma_semaphore, #tpu.memory_space<semaphore_mem>>
    %dma_start3A_235 = arith.constant 96 : i32
    %dma_start3A_236 = arith.constant 0 : i32
    %dma_start3A_237 = tpu.memref_slice %arg12[%dma_start3A_225, %dma_start3A_235, %dma_start3A_236] : memref<6x128x128xf32, #tpu.memory_space<vmem>> -> memref<1x32x128xf32, #tpu.memory_space<vmem>>
    %dma_start3A_238 = tpu.memref_squeeze %dma_start3A_237 : memref<1x32x128xf32, #tpu.memory_space<vmem>> -> memref<32x128xf32, #tpu.memory_space<vmem>>
    %dma_start3A_239 = arith.constant 0 : i32
    %dma_start3A_240 = tpu.memref_slice %arg5[%dma_start3A_239, %multiple_of3A_176] : memref<32x1000000xf32, #tpu.memory_space<hbm>> -> memref<32x128xf32, #tpu.memory_space<hbm>>
    tpu.enqueue_dma source(%dma_start3A_240 : memref<32x128xf32, #tpu.memory_space<hbm>>) target(%dma_start3A_238 : memref<32x128xf32, #tpu.memory_space<vmem>>) target_semaphore(%dma_start3A_234 : memref<!tpu.dma_semaphore, #tpu.memory_space<semaphore_mem>>)
    %broadcast_in_dim3A_241 = arith.constant 3 : i32
    %broadcast_in_dim3A_242 = vector.broadcast %broadcast_in_dim3A_241 : i32 to vector<16xi32>
    %gather3A_243 = tpu.vector_load_idx %arg9[%broadcast_in_dim3A_242] : memref<512xi32, #tpu.memory_space<vmem>>[vector<16xi32>], vector<16xi32>,
    %slice3A_244 = vector.extract_strided_slice %gather3A_243 {offsets = [0], sizes = [1], strides = [1]} : vector<16xi32> to vector<1xi32>
    %squeeze3A_245 = vector.extract %slice3A_244[0] : i32 from vector<1xi32>
    %broadcast_in_dim3A_246 = arith.constant 3 : i32
    %broadcast_in_dim3A_247 = vector.broadcast %broadcast_in_dim3A_246 : i32 to vector<16xi32>
    %gather3A_248 = tpu.vector_load_idx %arg10[%broadcast_in_dim3A_247] : memref<512xi32, #tpu.memory_space<vmem>>[vector<16xi32>], vector<16xi32>,
    %slice3A_249 = vector.extract_strided_slice %gather3A_248 {offsets = [0], sizes = [1], strides = [1]} : vector<16xi32> to vector<1xi32>
    %squeeze3A_250 = vector.extract %slice3A_249[0] : i32 from vector<1xi32>
    %rem3A_251 = arith.constant 128 : i32
    %rem3A_252 = arith.remsi %squeeze3A_245, %rem3A_251 : i32
    %sub3A_253 = arith.subi %squeeze3A_245, %rem3A_252 : i32
    %multiple_of3A_254 = tpu.assume_multiple %sub3A_253, 128 : i32
    %rem3A_255 = arith.constant 128 : i32
    %rem3A_256 = arith.remsi %squeeze3A_250, %rem3A_255 : i32
    %sub3A_257 = arith.subi %squeeze3A_250, %rem3A_256 : i32
    %multiple_of3A_258 = tpu.assume_multiple %sub3A_257, 128 : i32
    %dma_start3A_259 = arith.constant 3 : i32
    %dma_start3A_260 = arith.constant 3 : i32
    %dma_start3A_261 = arith.constant 0 : i32
    %dma_start3A_262 = arith.constant 0 : i32
    %dma_start3A_263 = tpu.memref_slice %arg12[%dma_start3A_259, %dma_start3A_261, %dma_start3A_262] : memref<6x128x128xf32, #tpu.memory_space<vmem>> -> memref<1x32x128xf32, #tpu.memory_space<vmem>>
    %dma_start3A_264 = tpu.memref_squeeze %dma_start3A_263 : memref<1x32x128xf32, #tpu.memory_space<vmem>> -> memref<32x128xf32, #tpu.memory_space<vmem>>
    %dma_start3A_265 = arith.constant 0 : i32
    %dma_start3A_266 = tpu.memref_slice %arg2[%dma_start3A_265, %multiple_of3A_254] : memref<32x1000000xf32, #tpu.memory_space<hbm>> -> memref<32x128xf32, #tpu.memory_space<hbm>>
    %dma_start3A_267 = tpu.memref_slice %arg13[%dma_start3A_260] : memref<6x!tpu.dma_semaphore, #tpu.memory_space<semaphore_mem>> -> memref<1x!tpu.dma_semaphore, #tpu.memory_space<semaphore_mem>>
    %dma_start3A_268 = tpu.memref_squeeze %dma_start3A_267 : memref<1x!tpu.dma_semaphore, #tpu.memory_space<semaphore_mem>> -> memref<!tpu.dma_semaphore, #tpu.memory_space<semaphore_mem>>
    %dma_start3A_269 = arith.constant 0 : i32
    %dma_start3A_270 = arith.constant 0 : i32
    %dma_start3A_271 = tpu.memref_slice %arg12[%dma_start3A_259, %dma_start3A_269, %dma_start3A_270] : memref<6x128x128xf32, #tpu.memory_space<vmem>> -> memref<1x32x128xf32, #tpu.memory_space<vmem>>
    %dma_start3A_272 = tpu.memref_squeeze %dma_start3A_271 : memref<1x32x128xf32, #tpu.memory_space<vmem>> -> memref<32x128xf32, #tpu.memory_space<vmem>>
    %dma_start3A_273 = arith.constant 0 : i32
    %dma_start3A_274 = tpu.memref_slice %arg2[%dma_start3A_273, %multiple_of3A_254] : memref<32x1000000xf32, #tpu.memory_space<hbm>> -> memref<32x128xf32, #tpu.memory_space<hbm>>
    tpu.enqueue_dma source(%dma_start3A_274 : memref<32x128xf32, #tpu.memory_space<hbm>>) target(%dma_start3A_272 : memref<32x128xf32, #tpu.memory_space<vmem>>) target_semaphore(%dma_start3A_268 : memref<!tpu.dma_semaphore, #tpu.memory_space<semaphore_mem>>)
    %dma_start3A_275 = arith.constant 3 : i32
    %dma_start3A_276 = arith.constant 3 : i32
    %dma_start3A_277 = arith.constant 32 : i32
    %dma_start3A_278 = arith.constant 0 : i32
    %dma_start3A_279 = tpu.memref_slice %arg12[%dma_start3A_275, %dma_start3A_277, %dma_start3A_278] : memref<6x128x128xf32, #tpu.memory_space<vmem>> -> memref<1x32x128xf32, #tpu.memory_space<vmem>>
    %dma_start3A_280 = tpu.memref_squeeze %dma_start3A_279 : memref<1x32x128xf32, #tpu.memory_space<vmem>> -> memref<32x128xf32, #tpu.memory_space<vmem>>
    %dma_start3A_281 = arith.constant 0 : i32
    %dma_start3A_282 = tpu.memref_slice %arg3[%dma_start3A_281, %multiple_of3A_258] : memref<32x1000000xf32, #tpu.memory_space<hbm>> -> memref<32x128xf32, #tpu.memory_space<hbm>>
    %dma_start3A_283 = tpu.memref_slice %arg13[%dma_start3A_276] : memref<6x!tpu.dma_semaphore, #tpu.memory_space<semaphore_mem>> -> memref<1x!tpu.dma_semaphore, #tpu.memory_space<semaphore_mem>>
    %dma_start3A_284 = tpu.memref_squeeze %dma_start3A_283 : memref<1x!tpu.dma_semaphore, #tpu.memory_space<semaphore_mem>> -> memref<!tpu.dma_semaphore, #tpu.memory_space<semaphore_mem>>
    %dma_start3A_285 = arith.constant 32 : i32
    %dma_start3A_286 = arith.constant 0 : i32
    %dma_start3A_287 = tpu.memref_slice %arg12[%dma_start3A_275, %dma_start3A_285, %dma_start3A_286] : memref<6x128x128xf32, #tpu.memory_space<vmem>> -> memref<1x32x128xf32, #tpu.memory_space<vmem>>
    %dma_start3A_288 = tpu.memref_squeeze %dma_start3A_287 : memref<1x32x128xf32, #tpu.memory_space<vmem>> -> memref<32x128xf32, #tpu.memory_space<vmem>>
    %dma_start3A_289 = arith.constant 0 : i32
    %dma_start3A_290 = tpu.memref_slice %arg3[%dma_start3A_289, %multiple_of3A_258] : memref<32x1000000xf32, #tpu.memory_space<hbm>> -> memref<32x128xf32, #tpu.memory_space<hbm>>
    tpu.enqueue_dma source(%dma_start3A_290 : memref<32x128xf32, #tpu.memory_space<hbm>>) target(%dma_start3A_288 : memref<32x128xf32, #tpu.memory_space<vmem>>) target_semaphore(%dma_start3A_284 : memref<!tpu.dma_semaphore, #tpu.memory_space<semaphore_mem>>)
    %dma_start3A_291 = arith.constant 3 : i32
    %dma_start3A_292 = arith.constant 3 : i32
    %dma_start3A_293 = arith.constant 64 : i32
    %dma_start3A_294 = arith.constant 0 : i32
    %dma_start3A_295 = tpu.memref_slice %arg12[%dma_start3A_291, %dma_start3A_293, %dma_start3A_294] : memref<6x128x128xf32, #tpu.memory_space<vmem>> -> memref<1x32x128xf32, #tpu.memory_space<vmem>>
    %dma_start3A_296 = tpu.memref_squeeze %dma_start3A_295 : memref<1x32x128xf32, #tpu.memory_space<vmem>> -> memref<32x128xf32, #tpu.memory_space<vmem>>
    %dma_start3A_297 = arith.constant 0 : i32
    %dma_start3A_298 = tpu.memref_slice %arg4[%dma_start3A_297, %multiple_of3A_254] : memref<32x1000000xf32, #tpu.memory_space<hbm>> -> memref<32x128xf32, #tpu.memory_space<hbm>>
    %dma_start3A_299 = tpu.memref_slice %arg13[%dma_start3A_292] : memref<6x!tpu.dma_semaphore, #tpu.memory_space<semaphore_mem>> -> memref<1x!tpu.dma_semaphore, #tpu.memory_space<semaphore_mem>>
    %dma_start3A_300 = tpu.memref_squeeze %dma_start3A_299 : memref<1x!tpu.dma_semaphore, #tpu.memory_space<semaphore_mem>> -> memref<!tpu.dma_semaphore, #tpu.memory_space<semaphore_mem>>
    %dma_start3A_301 = arith.constant 64 : i32
    %dma_start3A_302 = arith.constant 0 : i32
    %dma_start3A_303 = tpu.memref_slice %arg12[%dma_start3A_291, %dma_start3A_301, %dma_start3A_302] : memref<6x128x128xf32, #tpu.memory_space<vmem>> -> memref<1x32x128xf32, #tpu.memory_space<vmem>>
    %dma_start3A_304 = tpu.memref_squeeze %dma_start3A_303 : memref<1x32x128xf32, #tpu.memory_space<vmem>> -> memref<32x128xf32, #tpu.memory_space<vmem>>
    %dma_start3A_305 = arith.constant 0 : i32
    %dma_start3A_306 = tpu.memref_slice %arg4[%dma_start3A_305, %multiple_of3A_254] : memref<32x1000000xf32, #tpu.memory_space<hbm>> -> memref<32x128xf32, #tpu.memory_space<hbm>>
    tpu.enqueue_dma source(%dma_start3A_306 : memref<32x128xf32, #tpu.memory_space<hbm>>) target(%dma_start3A_304 : memref<32x128xf32, #tpu.memory_space<vmem>>) target_semaphore(%dma_start3A_300 : memref<!tpu.dma_semaphore, #tpu.memory_space<semaphore_mem>>)
    %dma_start3A_307 = arith.constant 3 : i32
    %dma_start3A_308 = arith.constant 3 : i32
    %dma_start3A_309 = arith.constant 96 : i32
    %dma_start3A_310 = arith.constant 0 : i32
    %dma_start3A_311 = tpu.memref_slice %arg12[%dma_start3A_307, %dma_start3A_309, %dma_start3A_310] : memref<6x128x128xf32, #tpu.memory_space<vmem>> -> memref<1x32x128xf32, #tpu.memory_space<vmem>>
    %dma_start3A_312 = tpu.memref_squeeze %dma_start3A_311 : memref<1x32x128xf32, #tpu.memory_space<vmem>> -> memref<32x128xf32, #tpu.memory_space<vmem>>
    %dma_start3A_313 = arith.constant 0 : i32
    %dma_start3A_314 = tpu.memref_slice %arg5[%dma_start3A_313, %multiple_of3A_258] : memref<32x1000000xf32, #tpu.memory_space<hbm>> -> memref<32x128xf32, #tpu.memory_space<hbm>>
    %dma_start3A_315 = tpu.memref_slice %arg13[%dma_start3A_308] : memref<6x!tpu.dma_semaphore, #tpu.memory_space<semaphore_mem>> -> memref<1x!tpu.dma_semaphore, #tpu.memory_space<semaphore_mem>>
    %dma_start3A_316 = tpu.memref_squeeze %dma_start3A_315 : memref<1x!tpu.dma_semaphore, #tpu.memory_space<semaphore_mem>> -> memref<!tpu.dma_semaphore, #tpu.memory_space<semaphore_mem>>
    %dma_start3A_317 = arith.constant 96 : i32
    %dma_start3A_318 = arith.constant 0 : i32
    %dma_start3A_319 = tpu.memref_slice %arg12[%dma_start3A_307, %dma_start3A_317, %dma_start3A_318] : memref<6x128x128xf32, #tpu.memory_space<vmem>> -> memref<1x32x128xf32, #tpu.memory_space<vmem>>
    %dma_start3A_320 = tpu.memref_squeeze %dma_start3A_319 : memref<1x32x128xf32, #tpu.memory_space<vmem>> -> memref<32x128xf32, #tpu.memory_space<vmem>>
    %dma_start3A_321 = arith.constant 0 : i32
    %dma_start3A_322 = tpu.memref_slice %arg5[%dma_start3A_321, %multiple_of3A_258] : memref<32x1000000xf32, #tpu.memory_space<hbm>> -> memref<32x128xf32, #tpu.memory_space<hbm>>
    tpu.enqueue_dma source(%dma_start3A_322 : memref<32x128xf32, #tpu.memory_space<hbm>>) target(%dma_start3A_320 : memref<32x128xf32, #tpu.memory_space<vmem>>) target_semaphore(%dma_start3A_316 : memref<!tpu.dma_semaphore, #tpu.memory_space<semaphore_mem>>)
    %broadcast_in_dim3A_323 = arith.constant 4 : i32
    %broadcast_in_dim3A_324 = vector.broadcast %broadcast_in_dim3A_323 : i32 to vector<16xi32>
    %gather3A_325 = tpu.vector_load_idx %arg9[%broadcast_in_dim3A_324] : memref<512xi32, #tpu.memory_space<vmem>>[vector<16xi32>], vector<16xi32>,
    %slice3A_326 = vector.extract_strided_slice %gather3A_325 {offsets = [0], sizes = [1], strides = [1]} : vector<16xi32> to vector<1xi32>
    %squeeze3A_327 = vector.extract %slice3A_326[0] : i32 from vector<1xi32>
    %broadcast_in_dim3A_328 = arith.constant 4 : i32
    %broadcast_in_dim3A_329 = vector.broadcast %broadcast_in_dim3A_328 : i32 to vector<16xi32>
    %gather3A_330 = tpu.vector_load_idx %arg10[%broadcast_in_dim3A_329] : memref<512xi32, #tpu.memory_space<vmem>>[vector<16xi32>], vector<16xi32>,
    %slice3A_331 = vector.extract_strided_slice %gather3A_330 {offsets = [0], sizes = [1], strides = [1]} : vector<16xi32> to vector<1xi32>
    %squeeze3A_332 = vector.extract %slice3A_331[0] : i32 from vector<1xi32>
    %rem3A_333 = arith.constant 128 : i32
    %rem3A_334 = arith.remsi %squeeze3A_327, %rem3A_333 : i32
    %sub3A_335 = arith.subi %squeeze3A_327, %rem3A_334 : i32
    %multiple_of3A_336 = tpu.assume_multiple %sub3A_335, 128 : i32
    %rem3A_337 = arith.constant 128 : i32
    %rem3A_338 = arith.remsi %squeeze3A_332, %rem3A_337 : i32
    %sub3A_339 = arith.subi %squeeze3A_332, %rem3A_338 : i32
    %multiple_of3A_340 = tpu.assume_multiple %sub3A_339, 128 : i32
    %dma_start3A_341 = arith.constant 4 : i32
    %dma_start3A_342 = arith.constant 4 : i32
    %dma_start3A_343 = arith.constant 0 : i32
    %dma_start3A_344 = arith.constant 0 : i32
    %dma_start3A_345 = tpu.memref_slice %arg12[%dma_start3A_341, %dma_start3A_343, %dma_start3A_344] : memref<6x128x128xf32, #tpu.memory_space<vmem>> -> memref<1x32x128xf32, #tpu.memory_space<vmem>>
    %dma_start3A_346 = tpu.memref_squeeze %dma_start3A_345 : memref<1x32x128xf32, #tpu.memory_space<vmem>> -> memref<32x128xf32, #tpu.memory_space<vmem>>
    %dma_start3A_347 = arith.constant 0 : i32
    %dma_start3A_348 = tpu.memref_slice %arg2[%dma_start3A_347, %multiple_of3A_336] : memref<32x1000000xf32, #tpu.memory_space<hbm>> -> memref<32x128xf32, #tpu.memory_space<hbm>>
    %dma_start3A_349 = tpu.memref_slice %arg13[%dma_start3A_342] : memref<6x!tpu.dma_semaphore, #tpu.memory_space<semaphore_mem>> -> memref<1x!tpu.dma_semaphore, #tpu.memory_space<semaphore_mem>>
    %dma_start3A_350 = tpu.memref_squeeze %dma_start3A_349 : memref<1x!tpu.dma_semaphore, #tpu.memory_space<semaphore_mem>> -> memref<!tpu.dma_semaphore, #tpu.memory_space<semaphore_mem>>
    %dma_start3A_351 = arith.constant 0 : i32
    %dma_start3A_352 = arith.constant 0 : i32
    %dma_start3A_353 = tpu.memref_slice %arg12[%dma_start3A_341, %dma_start3A_351, %dma_start3A_352] : memref<6x128x128xf32, #tpu.memory_space<vmem>> -> memref<1x32x128xf32, #tpu.memory_space<vmem>>
    %dma_start3A_354 = tpu.memref_squeeze %dma_start3A_353 : memref<1x32x128xf32, #tpu.memory_space<vmem>> -> memref<32x128xf32, #tpu.memory_space<vmem>>
    %dma_start3A_355 = arith.constant 0 : i32
    %dma_start3A_356 = tpu.memref_slice %arg2[%dma_start3A_355, %multiple_of3A_336] : memref<32x1000000xf32, #tpu.memory_space<hbm>> -> memref<32x128xf32, #tpu.memory_space<hbm>>
    tpu.enqueue_dma source(%dma_start3A_356 : memref<32x128xf32, #tpu.memory_space<hbm>>) target(%dma_start3A_354 : memref<32x128xf32, #tpu.memory_space<vmem>>) target_semaphore(%dma_start3A_350 : memref<!tpu.dma_semaphore, #tpu.memory_space<semaphore_mem>>)
    %dma_start3A_357 = arith.constant 4 : i32
    %dma_start3A_358 = arith.constant 4 : i32
    %dma_start3A_359 = arith.constant 32 : i32
    %dma_start3A_360 = arith.constant 0 : i32
    %dma_start3A_361 = tpu.memref_slice %arg12[%dma_start3A_357, %dma_start3A_359, %dma_start3A_360] : memref<6x128x128xf32, #tpu.memory_space<vmem>> -> memref<1x32x128xf32, #tpu.memory_space<vmem>>
    %dma_start3A_362 = tpu.memref_squeeze %dma_start3A_361 : memref<1x32x128xf32, #tpu.memory_space<vmem>> -> memref<32x128xf32, #tpu.memory_space<vmem>>
    %dma_start3A_363 = arith.constant 0 : i32
    %dma_start3A_364 = tpu.memref_slice %arg3[%dma_start3A_363, %multiple_of3A_340] : memref<32x1000000xf32, #tpu.memory_space<hbm>> -> memref<32x128xf32, #tpu.memory_space<hbm>>
    %dma_start3A_365 = tpu.memref_slice %arg13[%dma_start3A_358] : memref<6x!tpu.dma_semaphore, #tpu.memory_space<semaphore_mem>> -> memref<1x!tpu.dma_semaphore, #tpu.memory_space<semaphore_mem>>
    %dma_start3A_366 = tpu.memref_squeeze %dma_start3A_365 : memref<1x!tpu.dma_semaphore, #tpu.memory_space<semaphore_mem>> -> memref<!tpu.dma_semaphore, #tpu.memory_space<semaphore_mem>>
    %dma_start3A_367 = arith.constant 32 : i32
    %dma_start3A_368 = arith.constant 0 : i32
    %dma_start3A_369 = tpu.memref_slice %arg12[%dma_start3A_357, %dma_start3A_367, %dma_start3A_368] : memref<6x128x128xf32, #tpu.memory_space<vmem>> -> memref<1x32x128xf32, #tpu.memory_space<vmem>>
    %dma_start3A_370 = tpu.memref_squeeze %dma_start3A_369 : memref<1x32x128xf32, #tpu.memory_space<vmem>> -> memref<32x128xf32, #tpu.memory_space<vmem>>
    %dma_start3A_371 = arith.constant 0 : i32
    %dma_start3A_372 = tpu.memref_slice %arg3[%dma_start3A_371, %multiple_of3A_340] : memref<32x1000000xf32, #tpu.memory_space<hbm>> -> memref<32x128xf32, #tpu.memory_space<hbm>>
    tpu.enqueue_dma source(%dma_start3A_372 : memref<32x128xf32, #tpu.memory_space<hbm>>) target(%dma_start3A_370 : memref<32x128xf32, #tpu.memory_space<vmem>>) target_semaphore(%dma_start3A_366 : memref<!tpu.dma_semaphore, #tpu.memory_space<semaphore_mem>>)
    %dma_start3A_373 = arith.constant 4 : i32
    %dma_start3A_374 = arith.constant 4 : i32
    %dma_start3A_375 = arith.constant 64 : i32
    %dma_start3A_376 = arith.constant 0 : i32
    %dma_start3A_377 = tpu.memref_slice %arg12[%dma_start3A_373, %dma_start3A_375, %dma_start3A_376] : memref<6x128x128xf32, #tpu.memory_space<vmem>> -> memref<1x32x128xf32, #tpu.memory_space<vmem>>
    %dma_start3A_378 = tpu.memref_squeeze %dma_start3A_377 : memref<1x32x128xf32, #tpu.memory_space<vmem>> -> memref<32x128xf32, #tpu.memory_space<vmem>>
    %dma_start3A_379 = arith.constant 0 : i32
    %dma_start3A_380 = tpu.memref_slice %arg4[%dma_start3A_379, %multiple_of3A_336] : memref<32x1000000xf32, #tpu.memory_space<hbm>> -> memref<32x128xf32, #tpu.memory_space<hbm>>
    %dma_start3A_381 = tpu.memref_slice %arg13[%dma_start3A_374] : memref<6x!tpu.dma_semaphore, #tpu.memory_space<semaphore_mem>> -> memref<1x!tpu.dma_semaphore, #tpu.memory_space<semaphore_mem>>
    %dma_start3A_382 = tpu.memref_squeeze %dma_start3A_381 : memref<1x!tpu.dma_semaphore, #tpu.memory_space<semaphore_mem>> -> memref<!tpu.dma_semaphore, #tpu.memory_space<semaphore_mem>>
    %dma_start3A_383 = arith.constant 64 : i32
    %dma_start3A_384 = arith.constant 0 : i32
    %dma_start3A_385 = tpu.memref_slice %arg12[%dma_start3A_373, %dma_start3A_383, %dma_start3A_384] : memref<6x128x128xf32, #tpu.memory_space<vmem>> -> memref<1x32x128xf32, #tpu.memory_space<vmem>>
    %dma_start3A_386 = tpu.memref_squeeze %dma_start3A_385 : memref<1x32x128xf32, #tpu.memory_space<vmem>> -> memref<32x128xf32, #tpu.memory_space<vmem>>
    %dma_start3A_387 = arith.constant 0 : i32
    %dma_start3A_388 = tpu.memref_slice %arg4[%dma_start3A_387, %multiple_of3A_336] : memref<32x1000000xf32, #tpu.memory_space<hbm>> -> memref<32x128xf32, #tpu.memory_space<hbm>>
    tpu.enqueue_dma source(%dma_start3A_388 : memref<32x128xf32, #tpu.memory_space<hbm>>) target(%dma_start3A_386 : memref<32x128xf32, #tpu.memory_space<vmem>>) target_semaphore(%dma_start3A_382 : memref<!tpu.dma_semaphore, #tpu.memory_space<semaphore_mem>>)
    %dma_start3A_389 = arith.constant 4 : i32
    %dma_start3A_390 = arith.constant 4 : i32
    %dma_start3A_391 = arith.constant 96 : i32
    %dma_start3A_392 = arith.constant 0 : i32
    %dma_start3A_393 = tpu.memref_slice %arg12[%dma_start3A_389, %dma_start3A_391, %dma_start3A_392] : memref<6x128x128xf32, #tpu.memory_space<vmem>> -> memref<1x32x128xf32, #tpu.memory_space<vmem>>
    %dma_start3A_394 = tpu.memref_squeeze %dma_start3A_393 : memref<1x32x128xf32, #tpu.memory_space<vmem>> -> memref<32x128xf32, #tpu.memory_space<vmem>>
    %dma_start3A_395 = arith.constant 0 : i32
    %dma_start3A_396 = tpu.memref_slice %arg5[%dma_start3A_395, %multiple_of3A_340] : memref<32x1000000xf32, #tpu.memory_space<hbm>> -> memref<32x128xf32, #tpu.memory_space<hbm>>
    %dma_start3A_397 = tpu.memref_slice %arg13[%dma_start3A_390] : memref<6x!tpu.dma_semaphore, #tpu.memory_space<semaphore_mem>> -> memref<1x!tpu.dma_semaphore, #tpu.memory_space<semaphore_mem>>
    %dma_start3A_398 = tpu.memref_squeeze %dma_start3A_397 : memref<1x!tpu.dma_semaphore, #tpu.memory_space<semaphore_mem>> -> memref<!tpu.dma_semaphore, #tpu.memory_space<semaphore_mem>>
    %dma_start3A_399 = arith.constant 96 : i32
    %dma_start3A_400 = arith.constant 0 : i32
    %dma_start3A_401 = tpu.memref_slice %arg12[%dma_start3A_389, %dma_start3A_399, %dma_start3A_400] : memref<6x128x128xf32, #tpu.memory_space<vmem>> -> memref<1x32x128xf32, #tpu.memory_space<vmem>>
    %dma_start3A_402 = tpu.memref_squeeze %dma_start3A_401 : memref<1x32x128xf32, #tpu.memory_space<vmem>> -> memref<32x128xf32, #tpu.memory_space<vmem>>
    %dma_start3A_403 = arith.constant 0 : i32
    %dma_start3A_404 = tpu.memref_slice %arg5[%dma_start3A_403, %multiple_of3A_340] : memref<32x1000000xf32, #tpu.memory_space<hbm>> -> memref<32x128xf32, #tpu.memory_space<hbm>>
    tpu.enqueue_dma source(%dma_start3A_404 : memref<32x128xf32, #tpu.memory_space<hbm>>) target(%dma_start3A_402 : memref<32x128xf32, #tpu.memory_space<vmem>>) target_semaphore(%dma_start3A_398 : memref<!tpu.dma_semaphore, #tpu.memory_space<semaphore_mem>>)
    %scan3A = arith.constant 0 : i32
    %scan3A_405 = arith.constant 85 : i32
    %scan3A_406 = arith.addi %scan3A, %scan3A_405 : i32
    %scan3A_407 = arith.constant 1 : i32
    scf.for %scan3A_692 = %scan3A to %scan3A_406 step %scan3A_407  : i32 {
      %mul3A_693 = arith.constant 1 : i32
      %mul3A_694 = arith.muli %scan3A_692, %mul3A_693 : i32
      %add3A_695 = arith.constant 0 : i32
      %add3A_696 = arith.addi %add3A_695, %mul3A_694 : i32
      %mul3A_697 = arith.constant 6 : i32
      %mul3A_698 = arith.muli %add3A_696, %mul3A_697 : i32
      %add3A_699 = vector.broadcast %mul3A_698 : i32 to vector<16xi32>
      %add3A_700 = arith.addi %add3A_699, %iota3A : vector<16xi32>
      %min3A = arith.constant 511 : i32
      %min3A_701 = vector.broadcast %min3A : i32 to vector<16xi32>
      %min3A_702 = arith.minsi %add3A_700, %min3A_701 : vector<16xi32>
      %gather3A_703 = tpu.vector_load_idx %arg9[%min3A_702] : memref<512xi32, #tpu.memory_space<vmem>>[vector<16xi32>], vector<16xi32>,
      %gather3A_704 = tpu.vector_load_idx %arg10[%min3A_702] : memref<512xi32, #tpu.memory_space<vmem>>[vector<16xi32>], vector<16xi32>,
      %add3A_705 = arith.constant 0 : i32
      %add3A_706 = arith.addi %mul3A_698, %add3A_705 : i32
      %add3A_707 = arith.constant 6 : i32
      %add3A_708 = arith.addi %add3A_706, %add3A_707 : i32
      %sub3A_709 = arith.constant 1 : i32
      %sub3A_710 = arith.subi %add3A_708, %sub3A_709 : i32
      %lt3A = arith.constant 512 : i32
      %lt3A_711 = arith.cmpi slt, %sub3A_710, %lt3A : i32
      %convert_element_type3A_712 = arith.extui %lt3A_711 : i1 to i32
      %cond3A_713 = arith.constant 0 : i32
      %cond3A_714 = arith.cmpi ne, %convert_element_type3A_712, %cond3A_713 : i32
      scf.if %cond3A_714 {
        %slice3A_1586 = vector.extract_strided_slice %gather3A_703 {offsets = [5], sizes = [1], strides = [1]} : vector<16xi32> to vector<1xi32>
        %squeeze3A_1587 = vector.extract %slice3A_1586[0] : i32 from vector<1xi32>
        %slice3A_1588 = vector.extract_strided_slice %gather3A_704 {offsets = [5], sizes = [1], strides = [1]} : vector<16xi32> to vector<1xi32>
        %squeeze3A_1589 = vector.extract %slice3A_1588[0] : i32 from vector<1xi32>
        %rem3A_1590 = arith.constant 128 : i32
        %rem3A_1591 = arith.remsi %squeeze3A_1587, %rem3A_1590 : i32
        %sub3A_1592 = arith.subi %squeeze3A_1587, %rem3A_1591 : i32
        %multiple_of3A_1593 = tpu.assume_multiple %sub3A_1592, 128 : i32
        %rem3A_1594 = arith.constant 128 : i32
        %rem3A_1595 = arith.remsi %squeeze3A_1589, %rem3A_1594 : i32
        %sub3A_1596 = arith.subi %squeeze3A_1589, %rem3A_1595 : i32
        %multiple_of3A_1597 = tpu.assume_multiple %sub3A_1596, 128 : i32
        %dma_start3A_1598 = arith.constant 5 : i32
        %dma_start3A_1599 = arith.constant 5 : i32
        %dma_start3A_1600 = arith.constant 0 : i32
        %dma_start3A_1601 = arith.constant 0 : i32
        %dma_start3A_1602 = tpu.memref_slice %arg12[%dma_start3A_1598, %dma_start3A_1600, %dma_start3A_1601] : memref<6x128x128xf32, #tpu.memory_space<vmem>> -> memref<1x32x128xf32, #tpu.memory_space<vmem>>
        %dma_start3A_1603 = tpu.memref_squeeze %dma_start3A_1602 : memref<1x32x128xf32, #tpu.memory_space<vmem>> -> memref<32x128xf32, #tpu.memory_space<vmem>>
        %dma_start3A_1604 = arith.constant 0 : i32
        %dma_start3A_1605 = tpu.memref_slice %arg2[%dma_start3A_1604, %multiple_of3A_1593] : memref<32x1000000xf32, #tpu.memory_space<hbm>> -> memref<32x128xf32, #tpu.memory_space<hbm>>
        %dma_start3A_1606 = tpu.memref_slice %arg13[%dma_start3A_1599] : memref<6x!tpu.dma_semaphore, #tpu.memory_space<semaphore_mem>> -> memref<1x!tpu.dma_semaphore, #tpu.memory_space<semaphore_mem>>
        %dma_start3A_1607 = tpu.memref_squeeze %dma_start3A_1606 : memref<1x!tpu.dma_semaphore, #tpu.memory_space<semaphore_mem>> -> memref<!tpu.dma_semaphore, #tpu.memory_space<semaphore_mem>>
        %dma_start3A_1608 = arith.constant 0 : i32
        %dma_start3A_1609 = arith.constant 0 : i32
        %dma_start3A_1610 = tpu.memref_slice %arg12[%dma_start3A_1598, %dma_start3A_1608, %dma_start3A_1609] : memref<6x128x128xf32, #tpu.memory_space<vmem>> -> memref<1x32x128xf32, #tpu.memory_space<vmem>>
        %dma_start3A_1611 = tpu.memref_squeeze %dma_start3A_1610 : memref<1x32x128xf32, #tpu.memory_space<vmem>> -> memref<32x128xf32, #tpu.memory_space<vmem>>
        %dma_start3A_1612 = arith.constant 0 : i32
        %dma_start3A_1613 = tpu.memref_slice %arg2[%dma_start3A_1612, %multiple_of3A_1593] : memref<32x1000000xf32, #tpu.memory_space<hbm>> -> memref<32x128xf32, #tpu.memory_space<hbm>>
        tpu.enqueue_dma source(%dma_start3A_1613 : memref<32x128xf32, #tpu.memory_space<hbm>>) target(%dma_start3A_1611 : memref<32x128xf32, #tpu.memory_space<vmem>>) target_semaphore(%dma_start3A_1607 : memref<!tpu.dma_semaphore, #tpu.memory_space<semaphore_mem>>)
        %dma_start3A_1614 = arith.constant 5 : i32
        %dma_start3A_1615 = arith.constant 5 : i32
        %dma_start3A_1616 = arith.constant 32 : i32
        %dma_start3A_1617 = arith.constant 0 : i32
        %dma_start3A_1618 = tpu.memref_slice %arg12[%dma_start3A_1614, %dma_start3A_1616, %dma_start3A_1617] : memref<6x128x128xf32, #tpu.memory_space<vmem>> -> memref<1x32x128xf32, #tpu.memory_space<vmem>>
        %dma_start3A_1619 = tpu.memref_squeeze %dma_start3A_1618 : memref<1x32x128xf32, #tpu.memory_space<vmem>> -> memref<32x128xf32, #tpu.memory_space<vmem>>
        %dma_start3A_1620 = arith.constant 0 : i32
        %dma_start3A_1621 = tpu.memref_slice %arg3[%dma_start3A_1620, %multiple_of3A_1597] : memref<32x1000000xf32, #tpu.memory_space<hbm>> -> memref<32x128xf32, #tpu.memory_space<hbm>>
        %dma_start3A_1622 = tpu.memref_slice %arg13[%dma_start3A_1615] : memref<6x!tpu.dma_semaphore, #tpu.memory_space<semaphore_mem>> -> memref<1x!tpu.dma_semaphore, #tpu.memory_space<semaphore_mem>>
        %dma_start3A_1623 = tpu.memref_squeeze %dma_start3A_1622 : memref<1x!tpu.dma_semaphore, #tpu.memory_space<semaphore_mem>> -> memref<!tpu.dma_semaphore, #tpu.memory_space<semaphore_mem>>
        %dma_start3A_1624 = arith.constant 32 : i32
        %dma_start3A_1625 = arith.constant 0 : i32
        %dma_start3A_1626 = tpu.memref_slice %arg12[%dma_start3A_1614, %dma_start3A_1624, %dma_start3A_1625] : memref<6x128x128xf32, #tpu.memory_space<vmem>> -> memref<1x32x128xf32, #tpu.memory_space<vmem>>
        %dma_start3A_1627 = tpu.memref_squeeze %dma_start3A_1626 : memref<1x32x128xf32, #tpu.memory_space<vmem>> -> memref<32x128xf32, #tpu.memory_space<vmem>>
        %dma_start3A_1628 = arith.constant 0 : i32
        %dma_start3A_1629 = tpu.memref_slice %arg3[%dma_start3A_1628, %multiple_of3A_1597] : memref<32x1000000xf32, #tpu.memory_space<hbm>> -> memref<32x128xf32, #tpu.memory_space<hbm>>
        tpu.enqueue_dma source(%dma_start3A_1629 : memref<32x128xf32, #tpu.memory_space<hbm>>) target(%dma_start3A_1627 : memref<32x128xf32, #tpu.memory_space<vmem>>) target_semaphore(%dma_start3A_1623 : memref<!tpu.dma_semaphore, #tpu.memory_space<semaphore_mem>>)
        %dma_start3A_1630 = arith.constant 5 : i32
        %dma_start3A_1631 = arith.constant 5 : i32
        %dma_start3A_1632 = arith.constant 64 : i32
        %dma_start3A_1633 = arith.constant 0 : i32
        %dma_start3A_1634 = tpu.memref_slice %arg12[%dma_start3A_1630, %dma_start3A_1632, %dma_start3A_1633] : memref<6x128x128xf32, #tpu.memory_space<vmem>> -> memref<1x32x128xf32, #tpu.memory_space<vmem>>
        %dma_start3A_1635 = tpu.memref_squeeze %dma_start3A_1634 : memref<1x32x128xf32, #tpu.memory_space<vmem>> -> memref<32x128xf32, #tpu.memory_space<vmem>>
        %dma_start3A_1636 = arith.constant 0 : i32
        %dma_start3A_1637 = tpu.memref_slice %arg4[%dma_start3A_1636, %multiple_of3A_1593] : memref<32x1000000xf32, #tpu.memory_space<hbm>> -> memref<32x128xf32, #tpu.memory_space<hbm>>
        %dma_start3A_1638 = tpu.memref_slice %arg13[%dma_start3A_1631] : memref<6x!tpu.dma_semaphore, #tpu.memory_space<semaphore_mem>> -> memref<1x!tpu.dma_semaphore, #tpu.memory_space<semaphore_mem>>
        %dma_start3A_1639 = tpu.memref_squeeze %dma_start3A_1638 : memref<1x!tpu.dma_semaphore, #tpu.memory_space<semaphore_mem>> -> memref<!tpu.dma_semaphore, #tpu.memory_space<semaphore_mem>>
        %dma_start3A_1640 = arith.constant 64 : i32
        %dma_start3A_1641 = arith.constant 0 : i32
        %dma_start3A_1642 = tpu.memref_slice %arg12[%dma_start3A_1630, %dma_start3A_1640, %dma_start3A_1641] : memref<6x128x128xf32, #tpu.memory_space<vmem>> -> memref<1x32x128xf32, #tpu.memory_space<vmem>>
        %dma_start3A_1643 = tpu.memref_squeeze %dma_start3A_1642 : memref<1x32x128xf32, #tpu.memory_space<vmem>> -> memref<32x128xf32, #tpu.memory_space<vmem>>
        %dma_start3A_1644 = arith.constant 0 : i32
        %dma_start3A_1645 = tpu.memref_slice %arg4[%dma_start3A_1644, %multiple_of3A_1593] : memref<32x1000000xf32, #tpu.memory_space<hbm>> -> memref<32x128xf32, #tpu.memory_space<hbm>>
        tpu.enqueue_dma source(%dma_start3A_1645 : memref<32x128xf32, #tpu.memory_space<hbm>>) target(%dma_start3A_1643 : memref<32x128xf32, #tpu.memory_space<vmem>>) target_semaphore(%dma_start3A_1639 : memref<!tpu.dma_semaphore, #tpu.memory_space<semaphore_mem>>)
        %dma_start3A_1646 = arith.constant 5 : i32
        %dma_start3A_1647 = arith.constant 5 : i32
        %dma_start3A_1648 = arith.constant 96 : i32
        %dma_start3A_1649 = arith.constant 0 : i32
        %dma_start3A_1650 = tpu.memref_slice %arg12[%dma_start3A_1646, %dma_start3A_1648, %dma_start3A_1649] : memref<6x128x128xf32, #tpu.memory_space<vmem>> -> memref<1x32x128xf32, #tpu.memory_space<vmem>>
        %dma_start3A_1651 = tpu.memref_squeeze %dma_start3A_1650 : memref<1x32x128xf32, #tpu.memory_space<vmem>> -> memref<32x128xf32, #tpu.memory_space<vmem>>
        %dma_start3A_1652 = arith.constant 0 : i32
        %dma_start3A_1653 = tpu.memref_slice %arg5[%dma_start3A_1652, %multiple_of3A_1597] : memref<32x1000000xf32, #tpu.memory_space<hbm>> -> memref<32x128xf32, #tpu.memory_space<hbm>>
        %dma_start3A_1654 = tpu.memref_slice %arg13[%dma_start3A_1647] : memref<6x!tpu.dma_semaphore, #tpu.memory_space<semaphore_mem>> -> memref<1x!tpu.dma_semaphore, #tpu.memory_space<semaphore_mem>>
        %dma_start3A_1655 = tpu.memref_squeeze %dma_start3A_1654 : memref<1x!tpu.dma_semaphore, #tpu.memory_space<semaphore_mem>> -> memref<!tpu.dma_semaphore, #tpu.memory_space<semaphore_mem>>
        %dma_start3A_1656 = arith.constant 96 : i32
        %dma_start3A_1657 = arith.constant 0 : i32
        %dma_start3A_1658 = tpu.memref_slice %arg12[%dma_start3A_1646, %dma_start3A_1656, %dma_start3A_1657] : memref<6x128x128xf32, #tpu.memory_space<vmem>> -> memref<1x32x128xf32, #tpu.memory_space<vmem>>
        %dma_start3A_1659 = tpu.memref_squeeze %dma_start3A_1658 : memref<1x32x128xf32, #tpu.memory_space<vmem>> -> memref<32x128xf32, #tpu.memory_space<vmem>>
        %dma_start3A_1660 = arith.constant 0 : i32
        %dma_start3A_1661 = tpu.memref_slice %arg5[%dma_start3A_1660, %multiple_of3A_1597] : memref<32x1000000xf32, #tpu.memory_space<hbm>> -> memref<32x128xf32, #tpu.memory_space<hbm>>
        tpu.enqueue_dma source(%dma_start3A_1661 : memref<32x128xf32, #tpu.memory_space<hbm>>) target(%dma_start3A_1659 : memref<32x128xf32, #tpu.memory_space<vmem>>) target_semaphore(%dma_start3A_1655 : memref<!tpu.dma_semaphore, #tpu.memory_space<semaphore_mem>>)
      } else {
      }
      %slice3A_715 = vector.extract_strided_slice %gather3A_703 {offsets = [0], sizes = [1], strides = [1]} : vector<16xi32> to vector<1xi32>
      %squeeze3A_716 = vector.extract %slice3A_715[0] : i32 from vector<1xi32>
      %slice3A_717 = vector.extract_strided_slice %gather3A_704 {offsets = [0], sizes = [1], strides = [1]} : vector<16xi32> to vector<1xi32>
      %squeeze3A_718 = vector.extract %slice3A_717[0] : i32 from vector<1xi32>
      %dma_wait3A_719 = arith.constant 0 : i32
      %dma_wait3A_720 = arith.constant 0 : i32
      %dma_wait3A_721 = arith.constant 0 : i32
      %dma_wait3A_722 = arith.constant 0 : i32
      %dma_wait3A_723 = tpu.memref_slice %arg12[%dma_wait3A_719, %dma_wait3A_721, %dma_wait3A_722] : memref<6x128x128xf32, #tpu.memory_space<vmem>> -> memref<1x128x128xf32, #tpu.memory_space<vmem>>
      %dma_wait3A_724 = tpu.memref_squeeze %dma_wait3A_723 : memref<1x128x128xf32, #tpu.memory_space<vmem>> -> memref<128x128xf32, #tpu.memory_space<vmem>>
      %dma_wait3A_725 = arith.constant 0 : i32
      %dma_wait3A_726 = arith.constant 0 : i32
      %dma_wait3A_727 = tpu.memref_slice %arg8[%dma_wait3A_725, %dma_wait3A_726] : memref<16384x128xf32, #tpu.memory_space<hbm>> -> memref<128x128xf32, #tpu.memory_space<hbm>>
      %dma_wait3A_728 = tpu.memref_slice %arg13[%dma_wait3A_720] : memref<6x!tpu.dma_semaphore, #tpu.memory_space<semaphore_mem>> -> memref<1x!tpu.dma_semaphore, #tpu.memory_space<semaphore_mem>>
      %dma_wait3A_729 = tpu.memref_squeeze %dma_wait3A_728 : memref<1x!tpu.dma_semaphore, #tpu.memory_space<semaphore_mem>> -> memref<!tpu.dma_semaphore, #tpu.memory_space<semaphore_mem>>
      %dma_wait3A_730 = arith.constant 0 : i32
      %dma_wait3A_731 = arith.constant 0 : i32
      %dma_wait3A_732 = tpu.memref_slice %arg12[%dma_wait3A_719, %dma_wait3A_730, %dma_wait3A_731] : memref<6x128x128xf32, #tpu.memory_space<vmem>> -> memref<1x128x128xf32, #tpu.memory_space<vmem>>
      %dma_wait3A_733 = tpu.memref_squeeze %dma_wait3A_732 : memref<1x128x128xf32, #tpu.memory_space<vmem>> -> memref<128x128xf32, #tpu.memory_space<vmem>>
      %dma_wait3A_734 = arith.constant 0 : i32
      %dma_wait3A_735 = arith.constant 0 : i32
      %dma_wait3A_736 = tpu.memref_slice %arg8[%dma_wait3A_734, %dma_wait3A_735] : memref<16384x128xf32, #tpu.memory_space<hbm>> -> memref<128x128xf32, #tpu.memory_space<hbm>>
      tpu.wait_dma2 semaphore(%dma_wait3A_729 : memref<!tpu.dma_semaphore, #tpu.memory_space<semaphore_mem>>) src(%dma_wait3A_736 : memref<128x128xf32, #tpu.memory_space<hbm>>) dst(%dma_wait3A_733 : memref<128x128xf32, #tpu.memory_space<vmem>>)
      %rem3A_737 = arith.constant 64 : i32
      %rem3A_738 = arith.remsi %add3A_706, %rem3A_737 : i32
      %rem3A_739 = arith.constant 128 : i32
      %rem3A_740 = arith.remsi %squeeze3A_716, %rem3A_739 : i32
      %rem3A_741 = arith.constant 128 : i32
      %rem3A_742 = arith.remsi %squeeze3A_718, %rem3A_741 : i32
      %iota3A_743 = tpu.iota {dimensions = array<i32: 0>} : vector<16xi32>
      %broadcast_in_dim3A_744 = vector.broadcast %rem3A_740 : i32 to vector<16xi32>
      %add3A_745 = arith.constant 0 : i32
      %add3A_746 = vector.broadcast %add3A_745 : i32 to vector<16xi32>
      %add3A_747 = arith.addi %iota3A_743, %add3A_746 : vector<16xi32>
      %gather3A_748 = arith.constant 0 : i32
      %gather3A_749 = arith.constant 0 : i32
      %gather3A_750 = arith.constant 0 : i32
      %gather3A_751 = tpu.memref_slice %arg12[%gather3A_748, %gather3A_749, %gather3A_750] : memref<6x128x128xf32, #tpu.memory_space<vmem>> -> memref<1x128x128xf32, #tpu.memory_space<vmem>>
      %gather3A_752 = tpu.memref_squeeze %gather3A_751 : memref<1x128x128xf32, #tpu.memory_space<vmem>> -> memref<128x128xf32, #tpu.memory_space<vmem>>
      %gather3A_753 = tpu.vector_load_idx %gather3A_752[%add3A_747, %broadcast_in_dim3A_744] : memref<128x128xf32, #tpu.memory_space<vmem>>[vector<16xi32>, vector<16xi32>], vector<16xf32>,
      %swap3A_754 = arith.index_cast %rem3A_738 : i32 to index
      %swap3A_755 = arith.constant 0 : index
      %swap3A_756 = tpu.vector_load %arg11[%swap3A_754, %swap3A_755] {strides = array<i32>} : memref<64x128xf32, #tpu.memory_space<vmem>>, vector<16xf32>,
      tpu.vector_store %arg11[%swap3A_754, %swap3A_755], %gather3A_753 {strides = array<i32>} : memref<64x128xf32, #tpu.memory_space<vmem>>, vector<16xf32>,
      %add3A_757 = arith.constant 16 : i32
      %add3A_758 = vector.broadcast %add3A_757 : i32 to vector<16xi32>
      %add3A_759 = arith.addi %iota3A_743, %add3A_758 : vector<16xi32>
      %gather3A_760 = arith.constant 0 : i32
      %gather3A_761 = arith.constant 0 : i32
      %gather3A_762 = arith.constant 0 : i32
      %gather3A_763 = tpu.memref_slice %arg12[%gather3A_760, %gather3A_761, %gather3A_762] : memref<6x128x128xf32, #tpu.memory_space<vmem>> -> memref<1x128x128xf32, #tpu.memory_space<vmem>>
      %gather3A_764 = tpu.memref_squeeze %gather3A_763 : memref<1x128x128xf32, #tpu.memory_space<vmem>> -> memref<128x128xf32, #tpu.memory_space<vmem>>
      %gather3A_765 = tpu.vector_load_idx %gather3A_764[%add3A_759, %broadcast_in_dim3A_744] : memref<128x128xf32, #tpu.memory_space<vmem>>[vector<16xi32>, vector<16xi32>], vector<16xf32>,
      %swap3A_766 = arith.index_cast %rem3A_738 : i32 to index
      %swap3A_767 = arith.constant 16 : index
      %swap3A_768 = tpu.vector_load %arg11[%swap3A_766, %swap3A_767] {strides = array<i32>} : memref<64x128xf32, #tpu.memory_space<vmem>>, vector<16xf32>,
      tpu.vector_store %arg11[%swap3A_766, %swap3A_767], %gather3A_765 {strides = array<i32>} : memref<64x128xf32, #tpu.memory_space<vmem>>, vector<16xf32>,
      %broadcast_in_dim3A_769 = vector.broadcast %rem3A_742 : i32 to vector<16xi32>
      %add3A_770 = arith.constant 32 : i32
      %add3A_771 = vector.broadcast %add3A_770 : i32 to vector<16xi32>
      %add3A_772 = arith.addi %iota3A_743, %add3A_771 : vector<16xi32>
      %gather3A_773 = arith.constant 0 : i32
      %gather3A_774 = arith.constant 0 : i32
      %gather3A_775 = arith.constant 0 : i32
      %gather3A_776 = tpu.memref_slice %arg12[%gather3A_773, %gather3A_774, %gather3A_775] : memref<6x128x128xf32, #tpu.memory_space<vmem>> -> memref<1x128x128xf32, #tpu.memory_space<vmem>>
      %gather3A_777 = tpu.memref_squeeze %gather3A_776 : memref<1x128x128xf32, #tpu.memory_space<vmem>> -> memref<128x128xf32, #tpu.memory_space<vmem>>
      %gather3A_778 = tpu.vector_load_idx %gather3A_777[%add3A_772, %broadcast_in_dim3A_769] : memref<128x128xf32, #tpu.memory_space<vmem>>[vector<16xi32>, vector<16xi32>], vector<16xf32>,
      %swap3A_779 = arith.index_cast %rem3A_738 : i32 to index
      %swap3A_780 = arith.constant 32 : index
      %swap3A_781 = tpu.vector_load %arg11[%swap3A_779, %swap3A_780] {strides = array<i32>} : memref<64x128xf32, #tpu.memory_space<vmem>>, vector<16xf32>,
      tpu.vector_store %arg11[%swap3A_779, %swap3A_780], %gather3A_778 {strides = array<i32>} : memref<64x128xf32, #tpu.memory_space<vmem>>, vector<16xf32>,
      %add3A_782 = arith.constant 48 : i32
      %add3A_783 = vector.broadcast %add3A_782 : i32 to vector<16xi32>
      %add3A_784 = arith.addi %iota3A_743, %add3A_783 : vector<16xi32>
      %gather3A_785 = arith.constant 0 : i32
      %gather3A_786 = arith.constant 0 : i32
      %gather3A_787 = arith.constant 0 : i32
      %gather3A_788 = tpu.memref_slice %arg12[%gather3A_785, %gather3A_786, %gather3A_787] : memref<6x128x128xf32, #tpu.memory_space<vmem>> -> memref<1x128x128xf32, #tpu.memory_space<vmem>>
      %gather3A_789 = tpu.memref_squeeze %gather3A_788 : memref<1x128x128xf32, #tpu.memory_space<vmem>> -> memref<128x128xf32, #tpu.memory_space<vmem>>
      %gather3A_790 = tpu.vector_load_idx %gather3A_789[%add3A_784, %broadcast_in_dim3A_769] : memref<128x128xf32, #tpu.memory_space<vmem>>[vector<16xi32>, vector<16xi32>], vector<16xf32>,
      %swap3A_791 = arith.index_cast %rem3A_738 : i32 to index
      %swap3A_792 = arith.constant 48 : index
      %swap3A_793 = tpu.vector_load %arg11[%swap3A_791, %swap3A_792] {strides = array<i32>} : memref<64x128xf32, #tpu.memory_space<vmem>>, vector<16xf32>,
      tpu.vector_store %arg11[%swap3A_791, %swap3A_792], %gather3A_790 {strides = array<i32>} : memref<64x128xf32, #tpu.memory_space<vmem>>, vector<16xf32>,
      %broadcast_in_dim3A_794 = vector.broadcast %rem3A_740 : i32 to vector<16xi32>
      %add3A_795 = arith.constant 64 : i32
      %add3A_796 = vector.broadcast %add3A_795 : i32 to vector<16xi32>
      %add3A_797 = arith.addi %iota3A_743, %add3A_796 : vector<16xi32>
      %gather3A_798 = arith.constant 0 : i32
      %gather3A_799 = arith.constant 0 : i32
      %gather3A_800 = arith.constant 0 : i32
      %gather3A_801 = tpu.memref_slice %arg12[%gather3A_798, %gather3A_799, %gather3A_800] : memref<6x128x128xf32, #tpu.memory_space<vmem>> -> memref<1x128x128xf32, #tpu.memory_space<vmem>>
      %gather3A_802 = tpu.memref_squeeze %gather3A_801 : memref<1x128x128xf32, #tpu.memory_space<vmem>> -> memref<128x128xf32, #tpu.memory_space<vmem>>
      %gather3A_803 = tpu.vector_load_idx %gather3A_802[%add3A_797, %broadcast_in_dim3A_794] : memref<128x128xf32, #tpu.memory_space<vmem>>[vector<16xi32>, vector<16xi32>], vector<16xf32>,
      %swap3A_804 = arith.index_cast %rem3A_738 : i32 to index
      %swap3A_805 = arith.constant 64 : index
      %swap3A_806 = tpu.vector_load %arg11[%swap3A_804, %swap3A_805] {strides = array<i32>} : memref<64x128xf32, #tpu.memory_space<vmem>>, vector<16xf32>,
      tpu.vector_store %arg11[%swap3A_804, %swap3A_805], %gather3A_803 {strides = array<i32>} : memref<64x128xf32, #tpu.memory_space<vmem>>, vector<16xf32>,
      %add3A_807 = arith.constant 80 : i32
      %add3A_808 = vector.broadcast %add3A_807 : i32 to vector<16xi32>
      %add3A_809 = arith.addi %iota3A_743, %add3A_808 : vector<16xi32>
      %gather3A_810 = arith.constant 0 : i32
      %gather3A_811 = arith.constant 0 : i32
      %gather3A_812 = arith.constant 0 : i32
      %gather3A_813 = tpu.memref_slice %arg12[%gather3A_810, %gather3A_811, %gather3A_812] : memref<6x128x128xf32, #tpu.memory_space<vmem>> -> memref<1x128x128xf32, #tpu.memory_space<vmem>>
      %gather3A_814 = tpu.memref_squeeze %gather3A_813 : memref<1x128x128xf32, #tpu.memory_space<vmem>> -> memref<128x128xf32, #tpu.memory_space<vmem>>
      %gather3A_815 = tpu.vector_load_idx %gather3A_814[%add3A_809, %broadcast_in_dim3A_794] : memref<128x128xf32, #tpu.memory_space<vmem>>[vector<16xi32>, vector<16xi32>], vector<16xf32>,
      %swap3A_816 = arith.index_cast %rem3A_738 : i32 to index
      %swap3A_817 = arith.constant 80 : index
      %swap3A_818 = tpu.vector_load %arg11[%swap3A_816, %swap3A_817] {strides = array<i32>} : memref<64x128xf32, #tpu.memory_space<vmem>>, vector<16xf32>,
      tpu.vector_store %arg11[%swap3A_816, %swap3A_817], %gather3A_815 {strides = array<i32>} : memref<64x128xf32, #tpu.memory_space<vmem>>, vector<16xf32>,
      %broadcast_in_dim3A_819 = vector.broadcast %rem3A_742 : i32 to vector<16xi32>
      %add3A_820 = arith.constant 96 : i32
      %add3A_821 = vector.broadcast %add3A_820 : i32 to vector<16xi32>
      %add3A_822 = arith.addi %iota3A_743, %add3A_821 : vector<16xi32>
      %gather3A_823 = arith.constant 0 : i32
      %gather3A_824 = arith.constant 0 : i32
      %gather3A_825 = arith.constant 0 : i32
      %gather3A_826 = tpu.memref_slice %arg12[%gather3A_823, %gather3A_824, %gather3A_825] : memref<6x128x128xf32, #tpu.memory_space<vmem>> -> memref<1x128x128xf32, #tpu.memory_space<vmem>>
      %gather3A_827 = tpu.memref_squeeze %gather3A_826 : memref<1x128x128xf32, #tpu.memory_space<vmem>> -> memref<128x128xf32, #tpu.memory_space<vmem>>
      %gather3A_828 = tpu.vector_load_idx %gather3A_827[%add3A_822, %broadcast_in_dim3A_819] : memref<128x128xf32, #tpu.memory_space<vmem>>[vector<16xi32>, vector<16xi32>], vector<16xf32>,
      %swap3A_829 = arith.index_cast %rem3A_738 : i32 to index
      %swap3A_830 = arith.constant 96 : index
      %swap3A_831 = tpu.vector_load %arg11[%swap3A_829, %swap3A_830] {strides = array<i32>} : memref<64x128xf32, #tpu.memory_space<vmem>>, vector<16xf32>,
      tpu.vector_store %arg11[%swap3A_829, %swap3A_830], %gather3A_828 {strides = array<i32>} : memref<64x128xf32, #tpu.memory_space<vmem>>, vector<16xf32>,
      %add3A_832 = arith.constant 112 : i32
      %add3A_833 = vector.broadcast %add3A_832 : i32 to vector<16xi32>
      %add3A_834 = arith.addi %iota3A_743, %add3A_833 : vector<16xi32>
      %gather3A_835 = arith.constant 0 : i32
      %gather3A_836 = arith.constant 0 : i32
      %gather3A_837 = arith.constant 0 : i32
      %gather3A_838 = tpu.memref_slice %arg12[%gather3A_835, %gather3A_836, %gather3A_837] : memref<6x128x128xf32, #tpu.memory_space<vmem>> -> memref<1x128x128xf32, #tpu.memory_space<vmem>>
      %gather3A_839 = tpu.memref_squeeze %gather3A_838 : memref<1x128x128xf32, #tpu.memory_space<vmem>> -> memref<128x128xf32, #tpu.memory_space<vmem>>
      %gather3A_840 = tpu.vector_load_idx %gather3A_839[%add3A_834, %broadcast_in_dim3A_819] : memref<128x128xf32, #tpu.memory_space<vmem>>[vector<16xi32>, vector<16xi32>], vector<16xf32>,
      %swap3A_841 = arith.index_cast %rem3A_738 : i32 to index
      %swap3A_842 = arith.constant 112 : index
      %swap3A_843 = tpu.vector_load %arg11[%swap3A_841, %swap3A_842] {strides = array<i32>} : memref<64x128xf32, #tpu.memory_space<vmem>>, vector<16xf32>,
      tpu.vector_store %arg11[%swap3A_841, %swap3A_842], %gather3A_840 {strides = array<i32>} : memref<64x128xf32, #tpu.memory_space<vmem>>, vector<16xf32>,
      %rem3A_844 = arith.constant 64 : i32
      %rem3A_845 = arith.remsi %add3A_706, %rem3A_844 : i32
      %eq3A_846 = arith.constant 63 : i32
      %eq3A_847 = arith.cmpi eq, %rem3A_845, %eq3A_846 : i32
      %convert_element_type3A_848 = arith.extui %eq3A_847 : i1 to i32
      %cond3A_849 = arith.constant 0 : i32
      %cond3A_850 = arith.cmpi ne, %convert_element_type3A_848, %cond3A_849 : i32
      scf.if %cond3A_850 {
        %sub3A_1586 = arith.constant 63 : i32
        %sub3A_1587 = arith.subi %add3A_706, %sub3A_1586 : i32
        %add3A_1588 = arith.addi %mul3A_2, %sub3A_1587 : i32
        %multiple_of3A_1589 = tpu.assume_multiple %add3A_1588, 64 : i32
        "tpu.region"() ({
          %run_scoped3A = tpu.sem_alloc : memref<!tpu.dma_semaphore, #tpu.memory_space<semaphore_mem>>
          %dma_start3A_1590 = arith.constant 0 : i32
          %dma_start3A_1591 = tpu.memref_slice %arg8[%multiple_of3A_1589, %dma_start3A_1590] : memref<16384x128xf32, #tpu.memory_space<hbm>> -> memref<64x128xf32, #tpu.memory_space<hbm>>
          %dma_start3A_1592 = arith.constant 0 : i32
          %dma_start3A_1593 = tpu.memref_slice %arg8[%multiple_of3A_1589, %dma_start3A_1592] : memref<16384x128xf32, #tpu.memory_space<hbm>> -> memref<64x128xf32, #tpu.memory_space<hbm>>
          tpu.enqueue_dma source(%arg11 : memref<64x128xf32, #tpu.memory_space<vmem>>) target(%dma_start3A_1593 : memref<64x128xf32, #tpu.memory_space<hbm>>) target_semaphore(%run_scoped3A : memref<!tpu.dma_semaphore, #tpu.memory_space<semaphore_mem>>)
          %dma_wait3A_1594 = arith.constant 0 : i32
          %dma_wait3A_1595 = tpu.memref_slice %arg8[%multiple_of3A_1589, %dma_wait3A_1594] : memref<16384x128xf32, #tpu.memory_space<hbm>> -> memref<64x128xf32, #tpu.memory_space<hbm>>
          %dma_wait3A_1596 = arith.constant 0 : i32
          %dma_wait3A_1597 = tpu.memref_slice %arg8[%multiple_of3A_1589, %dma_wait3A_1596] : memref<16384x128xf32, #tpu.memory_space<hbm>> -> memref<64x128xf32, #tpu.memory_space<hbm>>
          tpu.wait_dma2 semaphore(%run_scoped3A : memref<!tpu.dma_semaphore, #tpu.memory_space<semaphore_mem>>) src(%arg11 : memref<64x128xf32, #tpu.memory_space<vmem>>) dst(%dma_wait3A_1597 : memref<64x128xf32, #tpu.memory_space<hbm>>)
          tpu.yield
        }) : () -> ()
      } else {
      }
      %add3A_851 = arith.constant 1 : i32
      %add3A_852 = arith.addi %mul3A_698, %add3A_851 : i32
      %add3A_853 = arith.constant 6 : i32
      %add3A_854 = arith.addi %add3A_852, %add3A_853 : i32
      %sub3A_855 = arith.constant 1 : i32
      %sub3A_856 = arith.subi %add3A_854, %sub3A_855 : i32
      %lt3A_857 = arith.constant 512 : i32
      %lt3A_858 = arith.cmpi slt, %sub3A_856, %lt3A_857 : i32
      %convert_element_type3A_859 = arith.extui %lt3A_858 : i1 to i32
      %cond3A_860 = arith.constant 0 : i32
      %cond3A_861 = arith.cmpi ne, %convert_element_type3A_859, %cond3A_860 : i32
      scf.if %cond3A_861 {
        %slice3A_1586 = vector.extract_strided_slice %gather3A_703 {offsets = [6], sizes = [1], strides = [1]} : vector<16xi32> to vector<1xi32>
        %squeeze3A_1587 = vector.extract %slice3A_1586[0] : i32 from vector<1xi32>
        %slice3A_1588 = vector.extract_strided_slice %gather3A_704 {offsets = [6], sizes = [1], strides = [1]} : vector<16xi32> to vector<1xi32>
        %squeeze3A_1589 = vector.extract %slice3A_1588[0] : i32 from vector<1xi32>
        %rem3A_1590 = arith.constant 128 : i32
        %rem3A_1591 = arith.remsi %squeeze3A_1587, %rem3A_1590 : i32
        %sub3A_1592 = arith.subi %squeeze3A_1587, %rem3A_1591 : i32
        %multiple_of3A_1593 = tpu.assume_multiple %sub3A_1592, 128 : i32
        %rem3A_1594 = arith.constant 128 : i32
        %rem3A_1595 = arith.remsi %squeeze3A_1589, %rem3A_1594 : i32
        %sub3A_1596 = arith.subi %squeeze3A_1589, %rem3A_1595 : i32
        %multiple_of3A_1597 = tpu.assume_multiple %sub3A_1596, 128 : i32
        %dma_start3A_1598 = arith.constant 0 : i32
        %dma_start3A_1599 = arith.constant 0 : i32
        %dma_start3A_1600 = arith.constant 0 : i32
        %dma_start3A_1601 = arith.constant 0 : i32
        %dma_start3A_1602 = tpu.memref_slice %arg12[%dma_start3A_1598, %dma_start3A_1600, %dma_start3A_1601] : memref<6x128x128xf32, #tpu.memory_space<vmem>> -> memref<1x32x128xf32, #tpu.memory_space<vmem>>
        %dma_start3A_1603 = tpu.memref_squeeze %dma_start3A_1602 : memref<1x32x128xf32, #tpu.memory_space<vmem>> -> memref<32x128xf32, #tpu.memory_space<vmem>>
        %dma_start3A_1604 = arith.constant 0 : i32
        %dma_start3A_1605 = tpu.memref_slice %arg2[%dma_start3A_1604, %multiple_of3A_1593] : memref<32x1000000xf32, #tpu.memory_space<hbm>> -> memref<32x128xf32, #tpu.memory_space<hbm>>
        %dma_start3A_1606 = tpu.memref_slice %arg13[%dma_start3A_1599] : memref<6x!tpu.dma_semaphore, #tpu.memory_space<semaphore_mem>> -> memref<1x!tpu.dma_semaphore, #tpu.memory_space<semaphore_mem>>
        %dma_start3A_1607 = tpu.memref_squeeze %dma_start3A_1606 : memref<1x!tpu.dma_semaphore, #tpu.memory_space<semaphore_mem>> -> memref<!tpu.dma_semaphore, #tpu.memory_space<semaphore_mem>>
        %dma_start3A_1608 = arith.constant 0 : i32
        %dma_start3A_1609 = arith.constant 0 : i32
        %dma_start3A_1610 = tpu.memref_slice %arg12[%dma_start3A_1598, %dma_start3A_1608, %dma_start3A_1609] : memref<6x128x128xf32, #tpu.memory_space<vmem>> -> memref<1x32x128xf32, #tpu.memory_space<vmem>>
        %dma_start3A_1611 = tpu.memref_squeeze %dma_start3A_1610 : memref<1x32x128xf32, #tpu.memory_space<vmem>> -> memref<32x128xf32, #tpu.memory_space<vmem>>
        %dma_start3A_1612 = arith.constant 0 : i32
        %dma_start3A_1613 = tpu.memref_slice %arg2[%dma_start3A_1612, %multiple_of3A_1593] : memref<32x1000000xf32, #tpu.memory_space<hbm>> -> memref<32x128xf32, #tpu.memory_space<hbm>>
        tpu.enqueue_dma source(%dma_start3A_1613 : memref<32x128xf32, #tpu.memory_space<hbm>>) target(%dma_start3A_1611 : memref<32x128xf32, #tpu.memory_space<vmem>>) target_semaphore(%dma_start3A_1607 : memref<!tpu.dma_semaphore, #tpu.memory_space<semaphore_mem>>)
        %dma_start3A_1614 = arith.constant 0 : i32
        %dma_start3A_1615 = arith.constant 0 : i32
        %dma_start3A_1616 = arith.constant 32 : i32
        %dma_start3A_1617 = arith.constant 0 : i32
        %dma_start3A_1618 = tpu.memref_slice %arg12[%dma_start3A_1614, %dma_start3A_1616, %dma_start3A_1617] : memref<6x128x128xf32, #tpu.memory_space<vmem>> -> memref<1x32x128xf32, #tpu.memory_space<vmem>>
        %dma_start3A_1619 = tpu.memref_squeeze %dma_start3A_1618 : memref<1x32x128xf32, #tpu.memory_space<vmem>> -> memref<32x128xf32, #tpu.memory_space<vmem>>
        %dma_start3A_1620 = arith.constant 0 : i32
        %dma_start3A_1621 = tpu.memref_slice %arg3[%dma_start3A_1620, %multiple_of3A_1597] : memref<32x1000000xf32, #tpu.memory_space<hbm>> -> memref<32x128xf32, #tpu.memory_space<hbm>>
        %dma_start3A_1622 = tpu.memref_slice %arg13[%dma_start3A_1615] : memref<6x!tpu.dma_semaphore, #tpu.memory_space<semaphore_mem>> -> memref<1x!tpu.dma_semaphore, #tpu.memory_space<semaphore_mem>>
        %dma_start3A_1623 = tpu.memref_squeeze %dma_start3A_1622 : memref<1x!tpu.dma_semaphore, #tpu.memory_space<semaphore_mem>> -> memref<!tpu.dma_semaphore, #tpu.memory_space<semaphore_mem>>
        %dma_start3A_1624 = arith.constant 32 : i32
        %dma_start3A_1625 = arith.constant 0 : i32
        %dma_start3A_1626 = tpu.memref_slice %arg12[%dma_start3A_1614, %dma_start3A_1624, %dma_start3A_1625] : memref<6x128x128xf32, #tpu.memory_space<vmem>> -> memref<1x32x128xf32, #tpu.memory_space<vmem>>
        %dma_start3A_1627 = tpu.memref_squeeze %dma_start3A_1626 : memref<1x32x128xf32, #tpu.memory_space<vmem>> -> memref<32x128xf32, #tpu.memory_space<vmem>>
        %dma_start3A_1628 = arith.constant 0 : i32
        %dma_start3A_1629 = tpu.memref_slice %arg3[%dma_start3A_1628, %multiple_of3A_1597] : memref<32x1000000xf32, #tpu.memory_space<hbm>> -> memref<32x128xf32, #tpu.memory_space<hbm>>
        tpu.enqueue_dma source(%dma_start3A_1629 : memref<32x128xf32, #tpu.memory_space<hbm>>) target(%dma_start3A_1627 : memref<32x128xf32, #tpu.memory_space<vmem>>) target_semaphore(%dma_start3A_1623 : memref<!tpu.dma_semaphore, #tpu.memory_space<semaphore_mem>>)
        %dma_start3A_1630 = arith.constant 0 : i32
        %dma_start3A_1631 = arith.constant 0 : i32
        %dma_start3A_1632 = arith.constant 64 : i32
        %dma_start3A_1633 = arith.constant 0 : i32
        %dma_start3A_1634 = tpu.memref_slice %arg12[%dma_start3A_1630, %dma_start3A_1632, %dma_start3A_1633] : memref<6x128x128xf32, #tpu.memory_space<vmem>> -> memref<1x32x128xf32, #tpu.memory_space<vmem>>
        %dma_start3A_1635 = tpu.memref_squeeze %dma_start3A_1634 : memref<1x32x128xf32, #tpu.memory_space<vmem>> -> memref<32x128xf32, #tpu.memory_space<vmem>>
        %dma_start3A_1636 = arith.constant 0 : i32
        %dma_start3A_1637 = tpu.memref_slice %arg4[%dma_start3A_1636, %multiple_of3A_1593] : memref<32x1000000xf32, #tpu.memory_space<hbm>> -> memref<32x128xf32, #tpu.memory_space<hbm>>
        %dma_start3A_1638 = tpu.memref_slice %arg13[%dma_start3A_1631] : memref<6x!tpu.dma_semaphore, #tpu.memory_space<semaphore_mem>> -> memref<1x!tpu.dma_semaphore, #tpu.memory_space<semaphore_mem>>
        %dma_start3A_1639 = tpu.memref_squeeze %dma_start3A_1638 : memref<1x!tpu.dma_semaphore, #tpu.memory_space<semaphore_mem>> -> memref<!tpu.dma_semaphore, #tpu.memory_space<semaphore_mem>>
        %dma_start3A_1640 = arith.constant 64 : i32
        %dma_start3A_1641 = arith.constant 0 : i32
        %dma_start3A_1642 = tpu.memref_slice %arg12[%dma_start3A_1630, %dma_start3A_1640, %dma_start3A_1641] : memref<6x128x128xf32, #tpu.memory_space<vmem>> -> memref<1x32x128xf32, #tpu.memory_space<vmem>>
        %dma_start3A_1643 = tpu.memref_squeeze %dma_start3A_1642 : memref<1x32x128xf32, #tpu.memory_space<vmem>> -> memref<32x128xf32, #tpu.memory_space<vmem>>
        %dma_start3A_1644 = arith.constant 0 : i32
        %dma_start3A_1645 = tpu.memref_slice %arg4[%dma_start3A_1644, %multiple_of3A_1593] : memref<32x1000000xf32, #tpu.memory_space<hbm>> -> memref<32x128xf32, #tpu.memory_space<hbm>>
        tpu.enqueue_dma source(%dma_start3A_1645 : memref<32x128xf32, #tpu.memory_space<hbm>>) target(%dma_start3A_1643 : memref<32x128xf32, #tpu.memory_space<vmem>>) target_semaphore(%dma_start3A_1639 : memref<!tpu.dma_semaphore, #tpu.memory_space<semaphore_mem>>)
        %dma_start3A_1646 = arith.constant 0 : i32
        %dma_start3A_1647 = arith.constant 0 : i32
        %dma_start3A_1648 = arith.constant 96 : i32
        %dma_start3A_1649 = arith.constant 0 : i32
        %dma_start3A_1650 = tpu.memref_slice %arg12[%dma_start3A_1646, %dma_start3A_1648, %dma_start3A_1649] : memref<6x128x128xf32, #tpu.memory_space<vmem>> -> memref<1x32x128xf32, #tpu.memory_space<vmem>>
        %dma_start3A_1651 = tpu.memref_squeeze %dma_start3A_1650 : memref<1x32x128xf32, #tpu.memory_space<vmem>> -> memref<32x128xf32, #tpu.memory_space<vmem>>
        %dma_start3A_1652 = arith.constant 0 : i32
        %dma_start3A_1653 = tpu.memref_slice %arg5[%dma_start3A_1652, %multiple_of3A_1597] : memref<32x1000000xf32, #tpu.memory_space<hbm>> -> memref<32x128xf32, #tpu.memory_space<hbm>>
        %dma_start3A_1654 = tpu.memref_slice %arg13[%dma_start3A_1647] : memref<6x!tpu.dma_semaphore, #tpu.memory_space<semaphore_mem>> -> memref<1x!tpu.dma_semaphore, #tpu.memory_space<semaphore_mem>>
        %dma_start3A_1655 = tpu.memref_squeeze %dma_start3A_1654 : memref<1x!tpu.dma_semaphore, #tpu.memory_space<semaphore_mem>> -> memref<!tpu.dma_semaphore, #tpu.memory_space<semaphore_mem>>
        %dma_start3A_1656 = arith.constant 96 : i32
        %dma_start3A_1657 = arith.constant 0 : i32
        %dma_start3A_1658 = tpu.memref_slice %arg12[%dma_start3A_1646, %dma_start3A_1656, %dma_start3A_1657] : memref<6x128x128xf32, #tpu.memory_space<vmem>> -> memref<1x32x128xf32, #tpu.memory_space<vmem>>
        %dma_start3A_1659 = tpu.memref_squeeze %dma_start3A_1658 : memref<1x32x128xf32, #tpu.memory_space<vmem>> -> memref<32x128xf32, #tpu.memory_space<vmem>>
        %dma_start3A_1660 = arith.constant 0 : i32
        %dma_start3A_1661 = tpu.memref_slice %arg5[%dma_start3A_1660, %multiple_of3A_1597] : memref<32x1000000xf32, #tpu.memory_space<hbm>> -> memref<32x128xf32, #tpu.memory_space<hbm>>
        tpu.enqueue_dma source(%dma_start3A_1661 : memref<32x128xf32, #tpu.memory_space<hbm>>) target(%dma_start3A_1659 : memref<32x128xf32, #tpu.memory_space<vmem>>) target_semaphore(%dma_start3A_1655 : memref<!tpu.dma_semaphore, #tpu.memory_space<semaphore_mem>>)
      } else {
      }
      %slice3A_862 = vector.extract_strided_slice %gather3A_703 {offsets = [1], sizes = [1], strides = [1]} : vector<16xi32> to vector<1xi32>
      %squeeze3A_863 = vector.extract %slice3A_862[0] : i32 from vector<1xi32>
      %slice3A_864 = vector.extract_strided_slice %gather3A_704 {offsets = [1], sizes = [1], strides = [1]} : vector<16xi32> to vector<1xi32>
      %squeeze3A_865 = vector.extract %slice3A_864[0] : i32 from vector<1xi32>
      %dma_wait3A_866 = arith.constant 1 : i32
      %dma_wait3A_867 = arith.constant 1 : i32
      %dma_wait3A_868 = arith.constant 0 : i32
      %dma_wait3A_869 = arith.constant 0 : i32
      %dma_wait3A_870 = tpu.memref_slice %arg12[%dma_wait3A_866, %dma_wait3A_868, %dma_wait3A_869] : memref<6x128x128xf32, #tpu.memory_space<vmem>> -> memref<1x128x128xf32, #tpu.memory_space<vmem>>
      %dma_wait3A_871 = tpu.memref_squeeze %dma_wait3A_870 : memref<1x128x128xf32, #tpu.memory_space<vmem>> -> memref<128x128xf32, #tpu.memory_space<vmem>>
      %dma_wait3A_872 = arith.constant 0 : i32
      %dma_wait3A_873 = arith.constant 0 : i32
      %dma_wait3A_874 = tpu.memref_slice %arg8[%dma_wait3A_872, %dma_wait3A_873] : memref<16384x128xf32, #tpu.memory_space<hbm>> -> memref<128x128xf32, #tpu.memory_space<hbm>>
      %dma_wait3A_875 = tpu.memref_slice %arg13[%dma_wait3A_867] : memref<6x!tpu.dma_semaphore, #tpu.memory_space<semaphore_mem>> -> memref<1x!tpu.dma_semaphore, #tpu.memory_space<semaphore_mem>>
      %dma_wait3A_876 = tpu.memref_squeeze %dma_wait3A_875 : memref<1x!tpu.dma_semaphore, #tpu.memory_space<semaphore_mem>> -> memref<!tpu.dma_semaphore, #tpu.memory_space<semaphore_mem>>
      %dma_wait3A_877 = arith.constant 0 : i32
      %dma_wait3A_878 = arith.constant 0 : i32
      %dma_wait3A_879 = tpu.memref_slice %arg12[%dma_wait3A_866, %dma_wait3A_877, %dma_wait3A_878] : memref<6x128x128xf32, #tpu.memory_space<vmem>> -> memref<1x128x128xf32, #tpu.memory_space<vmem>>
      %dma_wait3A_880 = tpu.memref_squeeze %dma_wait3A_879 : memref<1x128x128xf32, #tpu.memory_space<vmem>> -> memref<128x128xf32, #tpu.memory_space<vmem>>
      %dma_wait3A_881 = arith.constant 0 : i32
      %dma_wait3A_882 = arith.constant 0 : i32
      %dma_wait3A_883 = tpu.memref_slice %arg8[%dma_wait3A_881, %dma_wait3A_882] : memref<16384x128xf32, #tpu.memory_space<hbm>> -> memref<128x128xf32, #tpu.memory_space<hbm>>
      tpu.wait_dma2 semaphore(%dma_wait3A_876 : memref<!tpu.dma_semaphore, #tpu.memory_space<semaphore_mem>>) src(%dma_wait3A_883 : memref<128x128xf32, #tpu.memory_space<hbm>>) dst(%dma_wait3A_880 : memref<128x128xf32, #tpu.memory_space<vmem>>)
      %rem3A_884 = arith.constant 64 : i32
      %rem3A_885 = arith.remsi %add3A_852, %rem3A_884 : i32
      %rem3A_886 = arith.constant 128 : i32
      %rem3A_887 = arith.remsi %squeeze3A_863, %rem3A_886 : i32
      %rem3A_888 = arith.constant 128 : i32
      %rem3A_889 = arith.remsi %squeeze3A_865, %rem3A_888 : i32
      %iota3A_890 = tpu.iota {dimensions = array<i32: 0>} : vector<16xi32>
      %broadcast_in_dim3A_891 = vector.broadcast %rem3A_887 : i32 to vector<16xi32>
      %add3A_892 = arith.constant 0 : i32
      %add3A_893 = vector.broadcast %add3A_892 : i32 to vector<16xi32>
      %add3A_894 = arith.addi %iota3A_890, %add3A_893 : vector<16xi32>
      %gather3A_895 = arith.constant 1 : i32
      %gather3A_896 = arith.constant 0 : i32
      %gather3A_897 = arith.constant 0 : i32
      %gather3A_898 = tpu.memref_slice %arg12[%gather3A_895, %gather3A_896, %gather3A_897] : memref<6x128x128xf32, #tpu.memory_space<vmem>> -> memref<1x128x128xf32, #tpu.memory_space<vmem>>
      %gather3A_899 = tpu.memref_squeeze %gather3A_898 : memref<1x128x128xf32, #tpu.memory_space<vmem>> -> memref<128x128xf32, #tpu.memory_space<vmem>>
      %gather3A_900 = tpu.vector_load_idx %gather3A_899[%add3A_894, %broadcast_in_dim3A_891] : memref<128x128xf32, #tpu.memory_space<vmem>>[vector<16xi32>, vector<16xi32>], vector<16xf32>,
      %swap3A_901 = arith.index_cast %rem3A_885 : i32 to index
      %swap3A_902 = arith.constant 0 : index
      %swap3A_903 = tpu.vector_load %arg11[%swap3A_901, %swap3A_902] {strides = array<i32>} : memref<64x128xf32, #tpu.memory_space<vmem>>, vector<16xf32>,
      tpu.vector_store %arg11[%swap3A_901, %swap3A_902], %gather3A_900 {strides = array<i32>} : memref<64x128xf32, #tpu.memory_space<vmem>>, vector<16xf32>,
      %add3A_904 = arith.constant 16 : i32
      %add3A_905 = vector.broadcast %add3A_904 : i32 to vector<16xi32>
      %add3A_906 = arith.addi %iota3A_890, %add3A_905 : vector<16xi32>
      %gather3A_907 = arith.constant 1 : i32
      %gather3A_908 = arith.constant 0 : i32
      %gather3A_909 = arith.constant 0 : i32
      %gather3A_910 = tpu.memref_slice %arg12[%gather3A_907, %gather3A_908, %gather3A_909] : memref<6x128x128xf32, #tpu.memory_space<vmem>> -> memref<1x128x128xf32, #tpu.memory_space<vmem>>
      %gather3A_911 = tpu.memref_squeeze %gather3A_910 : memref<1x128x128xf32, #tpu.memory_space<vmem>> -> memref<128x128xf32, #tpu.memory_space<vmem>>
      %gather3A_912 = tpu.vector_load_idx %gather3A_911[%add3A_906, %broadcast_in_dim3A_891] : memref<128x128xf32, #tpu.memory_space<vmem>>[vector<16xi32>, vector<16xi32>], vector<16xf32>,
      %swap3A_913 = arith.index_cast %rem3A_885 : i32 to index
      %swap3A_914 = arith.constant 16 : index
      %swap3A_915 = tpu.vector_load %arg11[%swap3A_913, %swap3A_914] {strides = array<i32>} : memref<64x128xf32, #tpu.memory_space<vmem>>, vector<16xf32>,
      tpu.vector_store %arg11[%swap3A_913, %swap3A_914], %gather3A_912 {strides = array<i32>} : memref<64x128xf32, #tpu.memory_space<vmem>>, vector<16xf32>,
      %broadcast_in_dim3A_916 = vector.broadcast %rem3A_889 : i32 to vector<16xi32>
      %add3A_917 = arith.constant 32 : i32
      %add3A_918 = vector.broadcast %add3A_917 : i32 to vector<16xi32>
      %add3A_919 = arith.addi %iota3A_890, %add3A_918 : vector<16xi32>
      %gather3A_920 = arith.constant 1 : i32
      %gather3A_921 = arith.constant 0 : i32
      %gather3A_922 = arith.constant 0 : i32
      %gather3A_923 = tpu.memref_slice %arg12[%gather3A_920, %gather3A_921, %gather3A_922] : memref<6x128x128xf32, #tpu.memory_space<vmem>> -> memref<1x128x128xf32, #tpu.memory_space<vmem>>
      %gather3A_924 = tpu.memref_squeeze %gather3A_923 : memref<1x128x128xf32, #tpu.memory_space<vmem>> -> memref<128x128xf32, #tpu.memory_space<vmem>>
      %gather3A_925 = tpu.vector_load_idx %gather3A_924[%add3A_919, %broadcast_in_dim3A_916] : memref<128x128xf32, #tpu.memory_space<vmem>>[vector<16xi32>, vector<16xi32>], vector<16xf32>,
      %swap3A_926 = arith.index_cast %rem3A_885 : i32 to index
      %swap3A_927 = arith.constant 32 : index
      %swap3A_928 = tpu.vector_load %arg11[%swap3A_926, %swap3A_927] {strides = array<i32>} : memref<64x128xf32, #tpu.memory_space<vmem>>, vector<16xf32>,
      tpu.vector_store %arg11[%swap3A_926, %swap3A_927], %gather3A_925 {strides = array<i32>} : memref<64x128xf32, #tpu.memory_space<vmem>>, vector<16xf32>,
      %add3A_929 = arith.constant 48 : i32
      %add3A_930 = vector.broadcast %add3A_929 : i32 to vector<16xi32>
      %add3A_931 = arith.addi %iota3A_890, %add3A_930 : vector<16xi32>
      %gather3A_932 = arith.constant 1 : i32
      %gather3A_933 = arith.constant 0 : i32
      %gather3A_934 = arith.constant 0 : i32
      %gather3A_935 = tpu.memref_slice %arg12[%gather3A_932, %gather3A_933, %gather3A_934] : memref<6x128x128xf32, #tpu.memory_space<vmem>> -> memref<1x128x128xf32, #tpu.memory_space<vmem>>
      %gather3A_936 = tpu.memref_squeeze %gather3A_935 : memref<1x128x128xf32, #tpu.memory_space<vmem>> -> memref<128x128xf32, #tpu.memory_space<vmem>>
      %gather3A_937 = tpu.vector_load_idx %gather3A_936[%add3A_931, %broadcast_in_dim3A_916] : memref<128x128xf32, #tpu.memory_space<vmem>>[vector<16xi32>, vector<16xi32>], vector<16xf32>,
      %swap3A_938 = arith.index_cast %rem3A_885 : i32 to index
      %swap3A_939 = arith.constant 48 : index
      %swap3A_940 = tpu.vector_load %arg11[%swap3A_938, %swap3A_939] {strides = array<i32>} : memref<64x128xf32, #tpu.memory_space<vmem>>, vector<16xf32>,
      tpu.vector_store %arg11[%swap3A_938, %swap3A_939], %gather3A_937 {strides = array<i32>} : memref<64x128xf32, #tpu.memory_space<vmem>>, vector<16xf32>,
      %broadcast_in_dim3A_941 = vector.broadcast %rem3A_887 : i32 to vector<16xi32>
      %add3A_942 = arith.constant 64 : i32
      %add3A_943 = vector.broadcast %add3A_942 : i32 to vector<16xi32>
      %add3A_944 = arith.addi %iota3A_890, %add3A_943 : vector<16xi32>
      %gather3A_945 = arith.constant 1 : i32
      %gather3A_946 = arith.constant 0 : i32
      %gather3A_947 = arith.constant 0 : i32
      %gather3A_948 = tpu.memref_slice %arg12[%gather3A_945, %gather3A_946, %gather3A_947] : memref<6x128x128xf32, #tpu.memory_space<vmem>> -> memref<1x128x128xf32, #tpu.memory_space<vmem>>
      %gather3A_949 = tpu.memref_squeeze %gather3A_948 : memref<1x128x128xf32, #tpu.memory_space<vmem>> -> memref<128x128xf32, #tpu.memory_space<vmem>>
      %gather3A_950 = tpu.vector_load_idx %gather3A_949[%add3A_944, %broadcast_in_dim3A_941] : memref<128x128xf32, #tpu.memory_space<vmem>>[vector<16xi32>, vector<16xi32>], vector<16xf32>,
      %swap3A_951 = arith.index_cast %rem3A_885 : i32 to index
      %swap3A_952 = arith.constant 64 : index
      %swap3A_953 = tpu.vector_load %arg11[%swap3A_951, %swap3A_952] {strides = array<i32>} : memref<64x128xf32, #tpu.memory_space<vmem>>, vector<16xf32>,
      tpu.vector_store %arg11[%swap3A_951, %swap3A_952], %gather3A_950 {strides = array<i32>} : memref<64x128xf32, #tpu.memory_space<vmem>>, vector<16xf32>,
      %add3A_954 = arith.constant 80 : i32
      %add3A_955 = vector.broadcast %add3A_954 : i32 to vector<16xi32>
      %add3A_956 = arith.addi %iota3A_890, %add3A_955 : vector<16xi32>
      %gather3A_957 = arith.constant 1 : i32
      %gather3A_958 = arith.constant 0 : i32
      %gather3A_959 = arith.constant 0 : i32
      %gather3A_960 = tpu.memref_slice %arg12[%gather3A_957, %gather3A_958, %gather3A_959] : memref<6x128x128xf32, #tpu.memory_space<vmem>> -> memref<1x128x128xf32, #tpu.memory_space<vmem>>
      %gather3A_961 = tpu.memref_squeeze %gather3A_960 : memref<1x128x128xf32, #tpu.memory_space<vmem>> -> memref<128x128xf32, #tpu.memory_space<vmem>>
      %gather3A_962 = tpu.vector_load_idx %gather3A_961[%add3A_956, %broadcast_in_dim3A_941] : memref<128x128xf32, #tpu.memory_space<vmem>>[vector<16xi32>, vector<16xi32>], vector<16xf32>,
      %swap3A_963 = arith.index_cast %rem3A_885 : i32 to index
      %swap3A_964 = arith.constant 80 : index
      %swap3A_965 = tpu.vector_load %arg11[%swap3A_963, %swap3A_964] {strides = array<i32>} : memref<64x128xf32, #tpu.memory_space<vmem>>, vector<16xf32>,
      tpu.vector_store %arg11[%swap3A_963, %swap3A_964], %gather3A_962 {strides = array<i32>} : memref<64x128xf32, #tpu.memory_space<vmem>>, vector<16xf32>,
      %broadcast_in_dim3A_966 = vector.broadcast %rem3A_889 : i32 to vector<16xi32>
      %add3A_967 = arith.constant 96 : i32
      %add3A_968 = vector.broadcast %add3A_967 : i32 to vector<16xi32>
      %add3A_969 = arith.addi %iota3A_890, %add3A_968 : vector<16xi32>
      %gather3A_970 = arith.constant 1 : i32
      %gather3A_971 = arith.constant 0 : i32
      %gather3A_972 = arith.constant 0 : i32
      %gather3A_973 = tpu.memref_slice %arg12[%gather3A_970, %gather3A_971, %gather3A_972] : memref<6x128x128xf32, #tpu.memory_space<vmem>> -> memref<1x128x128xf32, #tpu.memory_space<vmem>>
      %gather3A_974 = tpu.memref_squeeze %gather3A_973 : memref<1x128x128xf32, #tpu.memory_space<vmem>> -> memref<128x128xf32, #tpu.memory_space<vmem>>
      %gather3A_975 = tpu.vector_load_idx %gather3A_974[%add3A_969, %broadcast_in_dim3A_966] : memref<128x128xf32, #tpu.memory_space<vmem>>[vector<16xi32>, vector<16xi32>], vector<16xf32>,
      %swap3A_976 = arith.index_cast %rem3A_885 : i32 to index
      %swap3A_977 = arith.constant 96 : index
      %swap3A_978 = tpu.vector_load %arg11[%swap3A_976, %swap3A_977] {strides = array<i32>} : memref<64x128xf32, #tpu.memory_space<vmem>>, vector<16xf32>,
      tpu.vector_store %arg11[%swap3A_976, %swap3A_977], %gather3A_975 {strides = array<i32>} : memref<64x128xf32, #tpu.memory_space<vmem>>, vector<16xf32>,
      %add3A_979 = arith.constant 112 : i32
      %add3A_980 = vector.broadcast %add3A_979 : i32 to vector<16xi32>
      %add3A_981 = arith.addi %iota3A_890, %add3A_980 : vector<16xi32>
      %gather3A_982 = arith.constant 1 : i32
      %gather3A_983 = arith.constant 0 : i32
      %gather3A_984 = arith.constant 0 : i32
      %gather3A_985 = tpu.memref_slice %arg12[%gather3A_982, %gather3A_983, %gather3A_984] : memref<6x128x128xf32, #tpu.memory_space<vmem>> -> memref<1x128x128xf32, #tpu.memory_space<vmem>>
      %gather3A_986 = tpu.memref_squeeze %gather3A_985 : memref<1x128x128xf32, #tpu.memory_space<vmem>> -> memref<128x128xf32, #tpu.memory_space<vmem>>
      %gather3A_987 = tpu.vector_load_idx %gather3A_986[%add3A_981, %broadcast_in_dim3A_966] : memref<128x128xf32, #tpu.memory_space<vmem>>[vector<16xi32>, vector<16xi32>], vector<16xf32>,
      %swap3A_988 = arith.index_cast %rem3A_885 : i32 to index
      %swap3A_989 = arith.constant 112 : index
      %swap3A_990 = tpu.vector_load %arg11[%swap3A_988, %swap3A_989] {strides = array<i32>} : memref<64x128xf32, #tpu.memory_space<vmem>>, vector<16xf32>,
      tpu.vector_store %arg11[%swap3A_988, %swap3A_989], %gather3A_987 {strides = array<i32>} : memref<64x128xf32, #tpu.memory_space<vmem>>, vector<16xf32>,
      %rem3A_991 = arith.constant 64 : i32
      %rem3A_992 = arith.remsi %add3A_852, %rem3A_991 : i32
      %eq3A_993 = arith.constant 63 : i32
      %eq3A_994 = arith.cmpi eq, %rem3A_992, %eq3A_993 : i32
      %convert_element_type3A_995 = arith.extui %eq3A_994 : i1 to i32
      %cond3A_996 = arith.constant 0 : i32
      %cond3A_997 = arith.cmpi ne, %convert_element_type3A_995, %cond3A_996 : i32
      scf.if %cond3A_997 {
        %sub3A_1586 = arith.constant 63 : i32
        %sub3A_1587 = arith.subi %add3A_852, %sub3A_1586 : i32
        %add3A_1588 = arith.addi %mul3A_2, %sub3A_1587 : i32
        %multiple_of3A_1589 = tpu.assume_multiple %add3A_1588, 64 : i32
        "tpu.region"() ({
          %run_scoped3A = tpu.sem_alloc : memref<!tpu.dma_semaphore, #tpu.memory_space<semaphore_mem>>
          %dma_start3A_1590 = arith.constant 0 : i32
          %dma_start3A_1591 = tpu.memref_slice %arg8[%multiple_of3A_1589, %dma_start3A_1590] : memref<16384x128xf32, #tpu.memory_space<hbm>> -> memref<64x128xf32, #tpu.memory_space<hbm>>
          %dma_start3A_1592 = arith.constant 0 : i32
          %dma_start3A_1593 = tpu.memref_slice %arg8[%multiple_of3A_1589, %dma_start3A_1592] : memref<16384x128xf32, #tpu.memory_space<hbm>> -> memref<64x128xf32, #tpu.memory_space<hbm>>
          tpu.enqueue_dma source(%arg11 : memref<64x128xf32, #tpu.memory_space<vmem>>) target(%dma_start3A_1593 : memref<64x128xf32, #tpu.memory_space<hbm>>) target_semaphore(%run_scoped3A : memref<!tpu.dma_semaphore, #tpu.memory_space<semaphore_mem>>)
          %dma_wait3A_1594 = arith.constant 0 : i32
          %dma_wait3A_1595 = tpu.memref_slice %arg8[%multiple_of3A_1589, %dma_wait3A_1594] : memref<16384x128xf32, #tpu.memory_space<hbm>> -> memref<64x128xf32, #tpu.memory_space<hbm>>
          %dma_wait3A_1596 = arith.constant 0 : i32
          %dma_wait3A_1597 = tpu.memref_slice %arg8[%multiple_of3A_1589, %dma_wait3A_1596] : memref<16384x128xf32, #tpu.memory_space<hbm>> -> memref<64x128xf32, #tpu.memory_space<hbm>>
          tpu.wait_dma2 semaphore(%run_scoped3A : memref<!tpu.dma_semaphore, #tpu.memory_space<semaphore_mem>>) src(%arg11 : memref<64x128xf32, #tpu.memory_space<vmem>>) dst(%dma_wait3A_1597 : memref<64x128xf32, #tpu.memory_space<hbm>>)
          tpu.yield
        }) : () -> ()
      } else {
      }
      %add3A_998 = arith.constant 2 : i32
      %add3A_999 = arith.addi %mul3A_698, %add3A_998 : i32
      %add3A_1000 = arith.constant 6 : i32
      %add3A_1001 = arith.addi %add3A_999, %add3A_1000 : i32
      %sub3A_1002 = arith.constant 1 : i32
      %sub3A_1003 = arith.subi %add3A_1001, %sub3A_1002 : i32
      %lt3A_1004 = arith.constant 512 : i32
      %lt3A_1005 = arith.cmpi slt, %sub3A_1003, %lt3A_1004 : i32
      %convert_element_type3A_1006 = arith.extui %lt3A_1005 : i1 to i32
      %cond3A_1007 = arith.constant 0 : i32
      %cond3A_1008 = arith.cmpi ne, %convert_element_type3A_1006, %cond3A_1007 : i32
      scf.if %cond3A_1008 {
        %slice3A_1586 = vector.extract_strided_slice %gather3A_703 {offsets = [7], sizes = [1], strides = [1]} : vector<16xi32> to vector<1xi32>
        %squeeze3A_1587 = vector.extract %slice3A_1586[0] : i32 from vector<1xi32>
        %slice3A_1588 = vector.extract_strided_slice %gather3A_704 {offsets = [7], sizes = [1], strides = [1]} : vector<16xi32> to vector<1xi32>
        %squeeze3A_1589 = vector.extract %slice3A_1588[0] : i32 from vector<1xi32>
        %rem3A_1590 = arith.constant 128 : i32
        %rem3A_1591 = arith.remsi %squeeze3A_1587, %rem3A_1590 : i32
        %sub3A_1592 = arith.subi %squeeze3A_1587, %rem3A_1591 : i32
        %multiple_of3A_1593 = tpu.assume_multiple %sub3A_1592, 128 : i32
        %rem3A_1594 = arith.constant 128 : i32
        %rem3A_1595 = arith.remsi %squeeze3A_1589, %rem3A_1594 : i32
        %sub3A_1596 = arith.subi %squeeze3A_1589, %rem3A_1595 : i32
        %multiple_of3A_1597 = tpu.assume_multiple %sub3A_1596, 128 : i32
        %dma_start3A_1598 = arith.constant 1 : i32
        %dma_start3A_1599 = arith.constant 1 : i32
        %dma_start3A_1600 = arith.constant 0 : i32
        %dma_start3A_1601 = arith.constant 0 : i32
        %dma_start3A_1602 = tpu.memref_slice %arg12[%dma_start3A_1598, %dma_start3A_1600, %dma_start3A_1601] : memref<6x128x128xf32, #tpu.memory_space<vmem>> -> memref<1x32x128xf32, #tpu.memory_space<vmem>>
        %dma_start3A_1603 = tpu.memref_squeeze %dma_start3A_1602 : memref<1x32x128xf32, #tpu.memory_space<vmem>> -> memref<32x128xf32, #tpu.memory_space<vmem>>
        %dma_start3A_1604 = arith.constant 0 : i32
        %dma_start3A_1605 = tpu.memref_slice %arg2[%dma_start3A_1604, %multiple_of3A_1593] : memref<32x1000000xf32, #tpu.memory_space<hbm>> -> memref<32x128xf32, #tpu.memory_space<hbm>>
        %dma_start3A_1606 = tpu.memref_slice %arg13[%dma_start3A_1599] : memref<6x!tpu.dma_semaphore, #tpu.memory_space<semaphore_mem>> -> memref<1x!tpu.dma_semaphore, #tpu.memory_space<semaphore_mem>>
        %dma_start3A_1607 = tpu.memref_squeeze %dma_start3A_1606 : memref<1x!tpu.dma_semaphore, #tpu.memory_space<semaphore_mem>> -> memref<!tpu.dma_semaphore, #tpu.memory_space<semaphore_mem>>
        %dma_start3A_1608 = arith.constant 0 : i32
        %dma_start3A_1609 = arith.constant 0 : i32
        %dma_start3A_1610 = tpu.memref_slice %arg12[%dma_start3A_1598, %dma_start3A_1608, %dma_start3A_1609] : memref<6x128x128xf32, #tpu.memory_space<vmem>> -> memref<1x32x128xf32, #tpu.memory_space<vmem>>
        %dma_start3A_1611 = tpu.memref_squeeze %dma_start3A_1610 : memref<1x32x128xf32, #tpu.memory_space<vmem>> -> memref<32x128xf32, #tpu.memory_space<vmem>>
        %dma_start3A_1612 = arith.constant 0 : i32
        %dma_start3A_1613 = tpu.memref_slice %arg2[%dma_start3A_1612, %multiple_of3A_1593] : memref<32x1000000xf32, #tpu.memory_space<hbm>> -> memref<32x128xf32, #tpu.memory_space<hbm>>
        tpu.enqueue_dma source(%dma_start3A_1613 : memref<32x128xf32, #tpu.memory_space<hbm>>) target(%dma_start3A_1611 : memref<32x128xf32, #tpu.memory_space<vmem>>) target_semaphore(%dma_start3A_1607 : memref<!tpu.dma_semaphore, #tpu.memory_space<semaphore_mem>>)
        %dma_start3A_1614 = arith.constant 1 : i32
        %dma_start3A_1615 = arith.constant 1 : i32
        %dma_start3A_1616 = arith.constant 32 : i32
        %dma_start3A_1617 = arith.constant 0 : i32
        %dma_start3A_1618 = tpu.memref_slice %arg12[%dma_start3A_1614, %dma_start3A_1616, %dma_start3A_1617] : memref<6x128x128xf32, #tpu.memory_space<vmem>> -> memref<1x32x128xf32, #tpu.memory_space<vmem>>
        %dma_start3A_1619 = tpu.memref_squeeze %dma_start3A_1618 : memref<1x32x128xf32, #tpu.memory_space<vmem>> -> memref<32x128xf32, #tpu.memory_space<vmem>>
        %dma_start3A_1620 = arith.constant 0 : i32
        %dma_start3A_1621 = tpu.memref_slice %arg3[%dma_start3A_1620, %multiple_of3A_1597] : memref<32x1000000xf32, #tpu.memory_space<hbm>> -> memref<32x128xf32, #tpu.memory_space<hbm>>
        %dma_start3A_1622 = tpu.memref_slice %arg13[%dma_start3A_1615] : memref<6x!tpu.dma_semaphore, #tpu.memory_space<semaphore_mem>> -> memref<1x!tpu.dma_semaphore, #tpu.memory_space<semaphore_mem>>
        %dma_start3A_1623 = tpu.memref_squeeze %dma_start3A_1622 : memref<1x!tpu.dma_semaphore, #tpu.memory_space<semaphore_mem>> -> memref<!tpu.dma_semaphore, #tpu.memory_space<semaphore_mem>>
        %dma_start3A_1624 = arith.constant 32 : i32
        %dma_start3A_1625 = arith.constant 0 : i32
        %dma_start3A_1626 = tpu.memref_slice %arg12[%dma_start3A_1614, %dma_start3A_1624, %dma_start3A_1625] : memref<6x128x128xf32, #tpu.memory_space<vmem>> -> memref<1x32x128xf32, #tpu.memory_space<vmem>>
        %dma_start3A_1627 = tpu.memref_squeeze %dma_start3A_1626 : memref<1x32x128xf32, #tpu.memory_space<vmem>> -> memref<32x128xf32, #tpu.memory_space<vmem>>
        %dma_start3A_1628 = arith.constant 0 : i32
        %dma_start3A_1629 = tpu.memref_slice %arg3[%dma_start3A_1628, %multiple_of3A_1597] : memref<32x1000000xf32, #tpu.memory_space<hbm>> -> memref<32x128xf32, #tpu.memory_space<hbm>>
        tpu.enqueue_dma source(%dma_start3A_1629 : memref<32x128xf32, #tpu.memory_space<hbm>>) target(%dma_start3A_1627 : memref<32x128xf32, #tpu.memory_space<vmem>>) target_semaphore(%dma_start3A_1623 : memref<!tpu.dma_semaphore, #tpu.memory_space<semaphore_mem>>)
        %dma_start3A_1630 = arith.constant 1 : i32
        %dma_start3A_1631 = arith.constant 1 : i32
        %dma_start3A_1632 = arith.constant 64 : i32
        %dma_start3A_1633 = arith.constant 0 : i32
        %dma_start3A_1634 = tpu.memref_slice %arg12[%dma_start3A_1630, %dma_start3A_1632, %dma_start3A_1633] : memref<6x128x128xf32, #tpu.memory_space<vmem>> -> memref<1x32x128xf32, #tpu.memory_space<vmem>>
        %dma_start3A_1635 = tpu.memref_squeeze %dma_start3A_1634 : memref<1x32x128xf32, #tpu.memory_space<vmem>> -> memref<32x128xf32, #tpu.memory_space<vmem>>
        %dma_start3A_1636 = arith.constant 0 : i32
        %dma_start3A_1637 = tpu.memref_slice %arg4[%dma_start3A_1636, %multiple_of3A_1593] : memref<32x1000000xf32, #tpu.memory_space<hbm>> -> memref<32x128xf32, #tpu.memory_space<hbm>>
        %dma_start3A_1638 = tpu.memref_slice %arg13[%dma_start3A_1631] : memref<6x!tpu.dma_semaphore, #tpu.memory_space<semaphore_mem>> -> memref<1x!tpu.dma_semaphore, #tpu.memory_space<semaphore_mem>>
        %dma_start3A_1639 = tpu.memref_squeeze %dma_start3A_1638 : memref<1x!tpu.dma_semaphore, #tpu.memory_space<semaphore_mem>> -> memref<!tpu.dma_semaphore, #tpu.memory_space<semaphore_mem>>
        %dma_start3A_1640 = arith.constant 64 : i32
        %dma_start3A_1641 = arith.constant 0 : i32
        %dma_start3A_1642 = tpu.memref_slice %arg12[%dma_start3A_1630, %dma_start3A_1640, %dma_start3A_1641] : memref<6x128x128xf32, #tpu.memory_space<vmem>> -> memref<1x32x128xf32, #tpu.memory_space<vmem>>
        %dma_start3A_1643 = tpu.memref_squeeze %dma_start3A_1642 : memref<1x32x128xf32, #tpu.memory_space<vmem>> -> memref<32x128xf32, #tpu.memory_space<vmem>>
        %dma_start3A_1644 = arith.constant 0 : i32
        %dma_start3A_1645 = tpu.memref_slice %arg4[%dma_start3A_1644, %multiple_of3A_1593] : memref<32x1000000xf32, #tpu.memory_space<hbm>> -> memref<32x128xf32, #tpu.memory_space<hbm>>
        tpu.enqueue_dma source(%dma_start3A_1645 : memref<32x128xf32, #tpu.memory_space<hbm>>) target(%dma_start3A_1643 : memref<32x128xf32, #tpu.memory_space<vmem>>) target_semaphore(%dma_start3A_1639 : memref<!tpu.dma_semaphore, #tpu.memory_space<semaphore_mem>>)
        %dma_start3A_1646 = arith.constant 1 : i32
        %dma_start3A_1647 = arith.constant 1 : i32
        %dma_start3A_1648 = arith.constant 96 : i32
        %dma_start3A_1649 = arith.constant 0 : i32
        %dma_start3A_1650 = tpu.memref_slice %arg12[%dma_start3A_1646, %dma_start3A_1648, %dma_start3A_1649] : memref<6x128x128xf32, #tpu.memory_space<vmem>> -> memref<1x32x128xf32, #tpu.memory_space<vmem>>
        %dma_start3A_1651 = tpu.memref_squeeze %dma_start3A_1650 : memref<1x32x128xf32, #tpu.memory_space<vmem>> -> memref<32x128xf32, #tpu.memory_space<vmem>>
        %dma_start3A_1652 = arith.constant 0 : i32
        %dma_start3A_1653 = tpu.memref_slice %arg5[%dma_start3A_1652, %multiple_of3A_1597] : memref<32x1000000xf32, #tpu.memory_space<hbm>> -> memref<32x128xf32, #tpu.memory_space<hbm>>
        %dma_start3A_1654 = tpu.memref_slice %arg13[%dma_start3A_1647] : memref<6x!tpu.dma_semaphore, #tpu.memory_space<semaphore_mem>> -> memref<1x!tpu.dma_semaphore, #tpu.memory_space<semaphore_mem>>
        %dma_start3A_1655 = tpu.memref_squeeze %dma_start3A_1654 : memref<1x!tpu.dma_semaphore, #tpu.memory_space<semaphore_mem>> -> memref<!tpu.dma_semaphore, #tpu.memory_space<semaphore_mem>>
        %dma_start3A_1656 = arith.constant 96 : i32
        %dma_start3A_1657 = arith.constant 0 : i32
        %dma_start3A_1658 = tpu.memref_slice %arg12[%dma_start3A_1646, %dma_start3A_1656, %dma_start3A_1657] : memref<6x128x128xf32, #tpu.memory_space<vmem>> -> memref<1x32x128xf32, #tpu.memory_space<vmem>>
        %dma_start3A_1659 = tpu.memref_squeeze %dma_start3A_1658 : memref<1x32x128xf32, #tpu.memory_space<vmem>> -> memref<32x128xf32, #tpu.memory_space<vmem>>
        %dma_start3A_1660 = arith.constant 0 : i32
        %dma_start3A_1661 = tpu.memref_slice %arg5[%dma_start3A_1660, %multiple_of3A_1597] : memref<32x1000000xf32, #tpu.memory_space<hbm>> -> memref<32x128xf32, #tpu.memory_space<hbm>>
        tpu.enqueue_dma source(%dma_start3A_1661 : memref<32x128xf32, #tpu.memory_space<hbm>>) target(%dma_start3A_1659 : memref<32x128xf32, #tpu.memory_space<vmem>>) target_semaphore(%dma_start3A_1655 : memref<!tpu.dma_semaphore, #tpu.memory_space<semaphore_mem>>)
      } else {
      }
      %slice3A_1009 = vector.extract_strided_slice %gather3A_703 {offsets = [2], sizes = [1], strides = [1]} : vector<16xi32> to vector<1xi32>
      %squeeze3A_1010 = vector.extract %slice3A_1009[0] : i32 from vector<1xi32>
      %slice3A_1011 = vector.extract_strided_slice %gather3A_704 {offsets = [2], sizes = [1], strides = [1]} : vector<16xi32> to vector<1xi32>
      %squeeze3A_1012 = vector.extract %slice3A_1011[0] : i32 from vector<1xi32>
      %dma_wait3A_1013 = arith.constant 2 : i32
      %dma_wait3A_1014 = arith.constant 2 : i32
      %dma_wait3A_1015 = arith.constant 0 : i32
      %dma_wait3A_1016 = arith.constant 0 : i32
      %dma_wait3A_1017 = tpu.memref_slice %arg12[%dma_wait3A_1013, %dma_wait3A_1015, %dma_wait3A_1016] : memref<6x128x128xf32, #tpu.memory_space<vmem>> -> memref<1x128x128xf32, #tpu.memory_space<vmem>>
      %dma_wait3A_1018 = tpu.memref_squeeze %dma_wait3A_1017 : memref<1x128x128xf32, #tpu.memory_space<vmem>> -> memref<128x128xf32, #tpu.memory_space<vmem>>
      %dma_wait3A_1019 = arith.constant 0 : i32
      %dma_wait3A_1020 = arith.constant 0 : i32
      %dma_wait3A_1021 = tpu.memref_slice %arg8[%dma_wait3A_1019, %dma_wait3A_1020] : memref<16384x128xf32, #tpu.memory_space<hbm>> -> memref<128x128xf32, #tpu.memory_space<hbm>>
      %dma_wait3A_1022 = tpu.memref_slice %arg13[%dma_wait3A_1014] : memref<6x!tpu.dma_semaphore, #tpu.memory_space<semaphore_mem>> -> memref<1x!tpu.dma_semaphore, #tpu.memory_space<semaphore_mem>>
      %dma_wait3A_1023 = tpu.memref_squeeze %dma_wait3A_1022 : memref<1x!tpu.dma_semaphore, #tpu.memory_space<semaphore_mem>> -> memref<!tpu.dma_semaphore, #tpu.memory_space<semaphore_mem>>
      %dma_wait3A_1024 = arith.constant 0 : i32
      %dma_wait3A_1025 = arith.constant 0 : i32
      %dma_wait3A_1026 = tpu.memref_slice %arg12[%dma_wait3A_1013, %dma_wait3A_1024, %dma_wait3A_1025] : memref<6x128x128xf32, #tpu.memory_space<vmem>> -> memref<1x128x128xf32, #tpu.memory_space<vmem>>
      %dma_wait3A_1027 = tpu.memref_squeeze %dma_wait3A_1026 : memref<1x128x128xf32, #tpu.memory_space<vmem>> -> memref<128x128xf32, #tpu.memory_space<vmem>>
      %dma_wait3A_1028 = arith.constant 0 : i32
      %dma_wait3A_1029 = arith.constant 0 : i32
      %dma_wait3A_1030 = tpu.memref_slice %arg8[%dma_wait3A_1028, %dma_wait3A_1029] : memref<16384x128xf32, #tpu.memory_space<hbm>> -> memref<128x128xf32, #tpu.memory_space<hbm>>
      tpu.wait_dma2 semaphore(%dma_wait3A_1023 : memref<!tpu.dma_semaphore, #tpu.memory_space<semaphore_mem>>) src(%dma_wait3A_1030 : memref<128x128xf32, #tpu.memory_space<hbm>>) dst(%dma_wait3A_1027 : memref<128x128xf32, #tpu.memory_space<vmem>>)
      %rem3A_1031 = arith.constant 64 : i32
      %rem3A_1032 = arith.remsi %add3A_999, %rem3A_1031 : i32
      %rem3A_1033 = arith.constant 128 : i32
      %rem3A_1034 = arith.remsi %squeeze3A_1010, %rem3A_1033 : i32
      %rem3A_1035 = arith.constant 128 : i32
      %rem3A_1036 = arith.remsi %squeeze3A_1012, %rem3A_1035 : i32
      %iota3A_1037 = tpu.iota {dimensions = array<i32: 0>} : vector<16xi32>
      %broadcast_in_dim3A_1038 = vector.broadcast %rem3A_1034 : i32 to vector<16xi32>
      %add3A_1039 = arith.constant 0 : i32
      %add3A_1040 = vector.broadcast %add3A_1039 : i32 to vector<16xi32>
      %add3A_1041 = arith.addi %iota3A_1037, %add3A_1040 : vector<16xi32>
      %gather3A_1042 = arith.constant 2 : i32
      %gather3A_1043 = arith.constant 0 : i32
      %gather3A_1044 = arith.constant 0 : i32
      %gather3A_1045 = tpu.memref_slice %arg12[%gather3A_1042, %gather3A_1043, %gather3A_1044] : memref<6x128x128xf32, #tpu.memory_space<vmem>> -> memref<1x128x128xf32, #tpu.memory_space<vmem>>
      %gather3A_1046 = tpu.memref_squeeze %gather3A_1045 : memref<1x128x128xf32, #tpu.memory_space<vmem>> -> memref<128x128xf32, #tpu.memory_space<vmem>>
      %gather3A_1047 = tpu.vector_load_idx %gather3A_1046[%add3A_1041, %broadcast_in_dim3A_1038] : memref<128x128xf32, #tpu.memory_space<vmem>>[vector<16xi32>, vector<16xi32>], vector<16xf32>,
      %swap3A_1048 = arith.index_cast %rem3A_1032 : i32 to index
      %swap3A_1049 = arith.constant 0 : index
      %swap3A_1050 = tpu.vector_load %arg11[%swap3A_1048, %swap3A_1049] {strides = array<i32>} : memref<64x128xf32, #tpu.memory_space<vmem>>, vector<16xf32>,
      tpu.vector_store %arg11[%swap3A_1048, %swap3A_1049], %gather3A_1047 {strides = array<i32>} : memref<64x128xf32, #tpu.memory_space<vmem>>, vector<16xf32>,
      %add3A_1051 = arith.constant 16 : i32
      %add3A_1052 = vector.broadcast %add3A_1051 : i32 to vector<16xi32>
      %add3A_1053 = arith.addi %iota3A_1037, %add3A_1052 : vector<16xi32>
      %gather3A_1054 = arith.constant 2 : i32
      %gather3A_1055 = arith.constant 0 : i32
      %gather3A_1056 = arith.constant 0 : i32
      %gather3A_1057 = tpu.memref_slice %arg12[%gather3A_1054, %gather3A_1055, %gather3A_1056] : memref<6x128x128xf32, #tpu.memory_space<vmem>> -> memref<1x128x128xf32, #tpu.memory_space<vmem>>
      %gather3A_1058 = tpu.memref_squeeze %gather3A_1057 : memref<1x128x128xf32, #tpu.memory_space<vmem>> -> memref<128x128xf32, #tpu.memory_space<vmem>>
      %gather3A_1059 = tpu.vector_load_idx %gather3A_1058[%add3A_1053, %broadcast_in_dim3A_1038] : memref<128x128xf32, #tpu.memory_space<vmem>>[vector<16xi32>, vector<16xi32>], vector<16xf32>,
      %swap3A_1060 = arith.index_cast %rem3A_1032 : i32 to index
      %swap3A_1061 = arith.constant 16 : index
      %swap3A_1062 = tpu.vector_load %arg11[%swap3A_1060, %swap3A_1061] {strides = array<i32>} : memref<64x128xf32, #tpu.memory_space<vmem>>, vector<16xf32>,
      tpu.vector_store %arg11[%swap3A_1060, %swap3A_1061], %gather3A_1059 {strides = array<i32>} : memref<64x128xf32, #tpu.memory_space<vmem>>, vector<16xf32>,
      %broadcast_in_dim3A_1063 = vector.broadcast %rem3A_1036 : i32 to vector<16xi32>
      %add3A_1064 = arith.constant 32 : i32
      %add3A_1065 = vector.broadcast %add3A_1064 : i32 to vector<16xi32>
      %add3A_1066 = arith.addi %iota3A_1037, %add3A_1065 : vector<16xi32>
      %gather3A_1067 = arith.constant 2 : i32
      %gather3A_1068 = arith.constant 0 : i32
      %gather3A_1069 = arith.constant 0 : i32
      %gather3A_1070 = tpu.memref_slice %arg12[%gather3A_1067, %gather3A_1068, %gather3A_1069] : memref<6x128x128xf32, #tpu.memory_space<vmem>> -> memref<1x128x128xf32, #tpu.memory_space<vmem>>
      %gather3A_1071 = tpu.memref_squeeze %gather3A_1070 : memref<1x128x128xf32, #tpu.memory_space<vmem>> -> memref<128x128xf32, #tpu.memory_space<vmem>>
      %gather3A_1072 = tpu.vector_load_idx %gather3A_1071[%add3A_1066, %broadcast_in_dim3A_1063] : memref<128x128xf32, #tpu.memory_space<vmem>>[vector<16xi32>, vector<16xi32>], vector<16xf32>,
      %swap3A_1073 = arith.index_cast %rem3A_1032 : i32 to index
      %swap3A_1074 = arith.constant 32 : index
      %swap3A_1075 = tpu.vector_load %arg11[%swap3A_1073, %swap3A_1074] {strides = array<i32>} : memref<64x128xf32, #tpu.memory_space<vmem>>, vector<16xf32>,
      tpu.vector_store %arg11[%swap3A_1073, %swap3A_1074], %gather3A_1072 {strides = array<i32>} : memref<64x128xf32, #tpu.memory_space<vmem>>, vector<16xf32>,
      %add3A_1076 = arith.constant 48 : i32
      %add3A_1077 = vector.broadcast %add3A_1076 : i32 to vector<16xi32>
      %add3A_1078 = arith.addi %iota3A_1037, %add3A_1077 : vector<16xi32>
      %gather3A_1079 = arith.constant 2 : i32
      %gather3A_1080 = arith.constant 0 : i32
      %gather3A_1081 = arith.constant 0 : i32
      %gather3A_1082 = tpu.memref_slice %arg12[%gather3A_1079, %gather3A_1080, %gather3A_1081] : memref<6x128x128xf32, #tpu.memory_space<vmem>> -> memref<1x128x128xf32, #tpu.memory_space<vmem>>
      %gather3A_1083 = tpu.memref_squeeze %gather3A_1082 : memref<1x128x128xf32, #tpu.memory_space<vmem>> -> memref<128x128xf32, #tpu.memory_space<vmem>>
      %gather3A_1084 = tpu.vector_load_idx %gather3A_1083[%add3A_1078, %broadcast_in_dim3A_1063] : memref<128x128xf32, #tpu.memory_space<vmem>>[vector<16xi32>, vector<16xi32>], vector<16xf32>,
      %swap3A_1085 = arith.index_cast %rem3A_1032 : i32 to index
      %swap3A_1086 = arith.constant 48 : index
      %swap3A_1087 = tpu.vector_load %arg11[%swap3A_1085, %swap3A_1086] {strides = array<i32>} : memref<64x128xf32, #tpu.memory_space<vmem>>, vector<16xf32>,
      tpu.vector_store %arg11[%swap3A_1085, %swap3A_1086], %gather3A_1084 {strides = array<i32>} : memref<64x128xf32, #tpu.memory_space<vmem>>, vector<16xf32>,
      %broadcast_in_dim3A_1088 = vector.broadcast %rem3A_1034 : i32 to vector<16xi32>
      %add3A_1089 = arith.constant 64 : i32
      %add3A_1090 = vector.broadcast %add3A_1089 : i32 to vector<16xi32>
      %add3A_1091 = arith.addi %iota3A_1037, %add3A_1090 : vector<16xi32>
      %gather3A_1092 = arith.constant 2 : i32
      %gather3A_1093 = arith.constant 0 : i32
      %gather3A_1094 = arith.constant 0 : i32
      %gather3A_1095 = tpu.memref_slice %arg12[%gather3A_1092, %gather3A_1093, %gather3A_1094] : memref<6x128x128xf32, #tpu.memory_space<vmem>> -> memref<1x128x128xf32, #tpu.memory_space<vmem>>
      %gather3A_1096 = tpu.memref_squeeze %gather3A_1095 : memref<1x128x128xf32, #tpu.memory_space<vmem>> -> memref<128x128xf32, #tpu.memory_space<vmem>>
      %gather3A_1097 = tpu.vector_load_idx %gather3A_1096[%add3A_1091, %broadcast_in_dim3A_1088] : memref<128x128xf32, #tpu.memory_space<vmem>>[vector<16xi32>, vector<16xi32>], vector<16xf32>,
      %swap3A_1098 = arith.index_cast %rem3A_1032 : i32 to index
      %swap3A_1099 = arith.constant 64 : index
      %swap3A_1100 = tpu.vector_load %arg11[%swap3A_1098, %swap3A_1099] {strides = array<i32>} : memref<64x128xf32, #tpu.memory_space<vmem>>, vector<16xf32>,
      tpu.vector_store %arg11[%swap3A_1098, %swap3A_1099], %gather3A_1097 {strides = array<i32>} : memref<64x128xf32, #tpu.memory_space<vmem>>, vector<16xf32>,
      %add3A_1101 = arith.constant 80 : i32
      %add3A_1102 = vector.broadcast %add3A_1101 : i32 to vector<16xi32>
      %add3A_1103 = arith.addi %iota3A_1037, %add3A_1102 : vector<16xi32>
      %gather3A_1104 = arith.constant 2 : i32
      %gather3A_1105 = arith.constant 0 : i32
      %gather3A_1106 = arith.constant 0 : i32
      %gather3A_1107 = tpu.memref_slice %arg12[%gather3A_1104, %gather3A_1105, %gather3A_1106] : memref<6x128x128xf32, #tpu.memory_space<vmem>> -> memref<1x128x128xf32, #tpu.memory_space<vmem>>
      %gather3A_1108 = tpu.memref_squeeze %gather3A_1107 : memref<1x128x128xf32, #tpu.memory_space<vmem>> -> memref<128x128xf32, #tpu.memory_space<vmem>>
      %gather3A_1109 = tpu.vector_load_idx %gather3A_1108[%add3A_1103, %broadcast_in_dim3A_1088] : memref<128x128xf32, #tpu.memory_space<vmem>>[vector<16xi32>, vector<16xi32>], vector<16xf32>,
      %swap3A_1110 = arith.index_cast %rem3A_1032 : i32 to index
      %swap3A_1111 = arith.constant 80 : index
      %swap3A_1112 = tpu.vector_load %arg11[%swap3A_1110, %swap3A_1111] {strides = array<i32>} : memref<64x128xf32, #tpu.memory_space<vmem>>, vector<16xf32>,
      tpu.vector_store %arg11[%swap3A_1110, %swap3A_1111], %gather3A_1109 {strides = array<i32>} : memref<64x128xf32, #tpu.memory_space<vmem>>, vector<16xf32>,
      %broadcast_in_dim3A_1113 = vector.broadcast %rem3A_1036 : i32 to vector<16xi32>
      %add3A_1114 = arith.constant 96 : i32
      %add3A_1115 = vector.broadcast %add3A_1114 : i32 to vector<16xi32>
      %add3A_1116 = arith.addi %iota3A_1037, %add3A_1115 : vector<16xi32>
      %gather3A_1117 = arith.constant 2 : i32
      %gather3A_1118 = arith.constant 0 : i32
      %gather3A_1119 = arith.constant 0 : i32
      %gather3A_1120 = tpu.memref_slice %arg12[%gather3A_1117, %gather3A_1118, %gather3A_1119] : memref<6x128x128xf32, #tpu.memory_space<vmem>> -> memref<1x128x128xf32, #tpu.memory_space<vmem>>
      %gather3A_1121 = tpu.memref_squeeze %gather3A_1120 : memref<1x128x128xf32, #tpu.memory_space<vmem>> -> memref<128x128xf32, #tpu.memory_space<vmem>>
      %gather3A_1122 = tpu.vector_load_idx %gather3A_1121[%add3A_1116, %broadcast_in_dim3A_1113] : memref<128x128xf32, #tpu.memory_space<vmem>>[vector<16xi32>, vector<16xi32>], vector<16xf32>,
      %swap3A_1123 = arith.index_cast %rem3A_1032 : i32 to index
      %swap3A_1124 = arith.constant 96 : index
      %swap3A_1125 = tpu.vector_load %arg11[%swap3A_1123, %swap3A_1124] {strides = array<i32>} : memref<64x128xf32, #tpu.memory_space<vmem>>, vector<16xf32>,
      tpu.vector_store %arg11[%swap3A_1123, %swap3A_1124], %gather3A_1122 {strides = array<i32>} : memref<64x128xf32, #tpu.memory_space<vmem>>, vector<16xf32>,
      %add3A_1126 = arith.constant 112 : i32
      %add3A_1127 = vector.broadcast %add3A_1126 : i32 to vector<16xi32>
      %add3A_1128 = arith.addi %iota3A_1037, %add3A_1127 : vector<16xi32>
      %gather3A_1129 = arith.constant 2 : i32
      %gather3A_1130 = arith.constant 0 : i32
      %gather3A_1131 = arith.constant 0 : i32
      %gather3A_1132 = tpu.memref_slice %arg12[%gather3A_1129, %gather3A_1130, %gather3A_1131] : memref<6x128x128xf32, #tpu.memory_space<vmem>> -> memref<1x128x128xf32, #tpu.memory_space<vmem>>
      %gather3A_1133 = tpu.memref_squeeze %gather3A_1132 : memref<1x128x128xf32, #tpu.memory_space<vmem>> -> memref<128x128xf32, #tpu.memory_space<vmem>>
      %gather3A_1134 = tpu.vector_load_idx %gather3A_1133[%add3A_1128, %broadcast_in_dim3A_1113] : memref<128x128xf32, #tpu.memory_space<vmem>>[vector<16xi32>, vector<16xi32>], vector<16xf32>,
      %swap3A_1135 = arith.index_cast %rem3A_1032 : i32 to index
      %swap3A_1136 = arith.constant 112 : index
      %swap3A_1137 = tpu.vector_load %arg11[%swap3A_1135, %swap3A_1136] {strides = array<i32>} : memref<64x128xf32, #tpu.memory_space<vmem>>, vector<16xf32>,
      tpu.vector_store %arg11[%swap3A_1135, %swap3A_1136], %gather3A_1134 {strides = array<i32>} : memref<64x128xf32, #tpu.memory_space<vmem>>, vector<16xf32>,
      %rem3A_1138 = arith.constant 64 : i32
      %rem3A_1139 = arith.remsi %add3A_999, %rem3A_1138 : i32
      %eq3A_1140 = arith.constant 63 : i32
      %eq3A_1141 = arith.cmpi eq, %rem3A_1139, %eq3A_1140 : i32
      %convert_element_type3A_1142 = arith.extui %eq3A_1141 : i1 to i32
      %cond3A_1143 = arith.constant 0 : i32
      %cond3A_1144 = arith.cmpi ne, %convert_element_type3A_1142, %cond3A_1143 : i32
      scf.if %cond3A_1144 {
        %sub3A_1586 = arith.constant 63 : i32
        %sub3A_1587 = arith.subi %add3A_999, %sub3A_1586 : i32
        %add3A_1588 = arith.addi %mul3A_2, %sub3A_1587 : i32
        %multiple_of3A_1589 = tpu.assume_multiple %add3A_1588, 64 : i32
        "tpu.region"() ({
          %run_scoped3A = tpu.sem_alloc : memref<!tpu.dma_semaphore, #tpu.memory_space<semaphore_mem>>
          %dma_start3A_1590 = arith.constant 0 : i32
          %dma_start3A_1591 = tpu.memref_slice %arg8[%multiple_of3A_1589, %dma_start3A_1590] : memref<16384x128xf32, #tpu.memory_space<hbm>> -> memref<64x128xf32, #tpu.memory_space<hbm>>
          %dma_start3A_1592 = arith.constant 0 : i32
          %dma_start3A_1593 = tpu.memref_slice %arg8[%multiple_of3A_1589, %dma_start3A_1592] : memref<16384x128xf32, #tpu.memory_space<hbm>> -> memref<64x128xf32, #tpu.memory_space<hbm>>
          tpu.enqueue_dma source(%arg11 : memref<64x128xf32, #tpu.memory_space<vmem>>) target(%dma_start3A_1593 : memref<64x128xf32, #tpu.memory_space<hbm>>) target_semaphore(%run_scoped3A : memref<!tpu.dma_semaphore, #tpu.memory_space<semaphore_mem>>)
          %dma_wait3A_1594 = arith.constant 0 : i32
          %dma_wait3A_1595 = tpu.memref_slice %arg8[%multiple_of3A_1589, %dma_wait3A_1594] : memref<16384x128xf32, #tpu.memory_space<hbm>> -> memref<64x128xf32, #tpu.memory_space<hbm>>
          %dma_wait3A_1596 = arith.constant 0 : i32
          %dma_wait3A_1597 = tpu.memref_slice %arg8[%multiple_of3A_1589, %dma_wait3A_1596] : memref<16384x128xf32, #tpu.memory_space<hbm>> -> memref<64x128xf32, #tpu.memory_space<hbm>>
          tpu.wait_dma2 semaphore(%run_scoped3A : memref<!tpu.dma_semaphore, #tpu.memory_space<semaphore_mem>>) src(%arg11 : memref<64x128xf32, #tpu.memory_space<vmem>>) dst(%dma_wait3A_1597 : memref<64x128xf32, #tpu.memory_space<hbm>>)
          tpu.yield
        }) : () -> ()
      } else {
      }
      %add3A_1145 = arith.constant 3 : i32
      %add3A_1146 = arith.addi %mul3A_698, %add3A_1145 : i32
      %add3A_1147 = arith.constant 6 : i32
      %add3A_1148 = arith.addi %add3A_1146, %add3A_1147 : i32
      %sub3A_1149 = arith.constant 1 : i32
      %sub3A_1150 = arith.subi %add3A_1148, %sub3A_1149 : i32
      %lt3A_1151 = arith.constant 512 : i32
      %lt3A_1152 = arith.cmpi slt, %sub3A_1150, %lt3A_1151 : i32
      %convert_element_type3A_1153 = arith.extui %lt3A_1152 : i1 to i32
      %cond3A_1154 = arith.constant 0 : i32
      %cond3A_1155 = arith.cmpi ne, %convert_element_type3A_1153, %cond3A_1154 : i32
      scf.if %cond3A_1155 {
        %slice3A_1586 = vector.extract_strided_slice %gather3A_703 {offsets = [8], sizes = [1], strides = [1]} : vector<16xi32> to vector<1xi32>
        %squeeze3A_1587 = vector.extract %slice3A_1586[0] : i32 from vector<1xi32>
        %slice3A_1588 = vector.extract_strided_slice %gather3A_704 {offsets = [8], sizes = [1], strides = [1]} : vector<16xi32> to vector<1xi32>
        %squeeze3A_1589 = vector.extract %slice3A_1588[0] : i32 from vector<1xi32>
        %rem3A_1590 = arith.constant 128 : i32
        %rem3A_1591 = arith.remsi %squeeze3A_1587, %rem3A_1590 : i32
        %sub3A_1592 = arith.subi %squeeze3A_1587, %rem3A_1591 : i32
        %multiple_of3A_1593 = tpu.assume_multiple %sub3A_1592, 128 : i32
        %rem3A_1594 = arith.constant 128 : i32
        %rem3A_1595 = arith.remsi %squeeze3A_1589, %rem3A_1594 : i32
        %sub3A_1596 = arith.subi %squeeze3A_1589, %rem3A_1595 : i32
        %multiple_of3A_1597 = tpu.assume_multiple %sub3A_1596, 128 : i32
        %dma_start3A_1598 = arith.constant 2 : i32
        %dma_start3A_1599 = arith.constant 2 : i32
        %dma_start3A_1600 = arith.constant 0 : i32
        %dma_start3A_1601 = arith.constant 0 : i32
        %dma_start3A_1602 = tpu.memref_slice %arg12[%dma_start3A_1598, %dma_start3A_1600, %dma_start3A_1601] : memref<6x128x128xf32, #tpu.memory_space<vmem>> -> memref<1x32x128xf32, #tpu.memory_space<vmem>>
        %dma_start3A_1603 = tpu.memref_squeeze %dma_start3A_1602 : memref<1x32x128xf32, #tpu.memory_space<vmem>> -> memref<32x128xf32, #tpu.memory_space<vmem>>
        %dma_start3A_1604 = arith.constant 0 : i32
        %dma_start3A_1605 = tpu.memref_slice %arg2[%dma_start3A_1604, %multiple_of3A_1593] : memref<32x1000000xf32, #tpu.memory_space<hbm>> -> memref<32x128xf32, #tpu.memory_space<hbm>>
        %dma_start3A_1606 = tpu.memref_slice %arg13[%dma_start3A_1599] : memref<6x!tpu.dma_semaphore, #tpu.memory_space<semaphore_mem>> -> memref<1x!tpu.dma_semaphore, #tpu.memory_space<semaphore_mem>>
        %dma_start3A_1607 = tpu.memref_squeeze %dma_start3A_1606 : memref<1x!tpu.dma_semaphore, #tpu.memory_space<semaphore_mem>> -> memref<!tpu.dma_semaphore, #tpu.memory_space<semaphore_mem>>
        %dma_start3A_1608 = arith.constant 0 : i32
        %dma_start3A_1609 = arith.constant 0 : i32
        %dma_start3A_1610 = tpu.memref_slice %arg12[%dma_start3A_1598, %dma_start3A_1608, %dma_start3A_1609] : memref<6x128x128xf32, #tpu.memory_space<vmem>> -> memref<1x32x128xf32, #tpu.memory_space<vmem>>
        %dma_start3A_1611 = tpu.memref_squeeze %dma_start3A_1610 : memref<1x32x128xf32, #tpu.memory_space<vmem>> -> memref<32x128xf32, #tpu.memory_space<vmem>>
        %dma_start3A_1612 = arith.constant 0 : i32
        %dma_start3A_1613 = tpu.memref_slice %arg2[%dma_start3A_1612, %multiple_of3A_1593] : memref<32x1000000xf32, #tpu.memory_space<hbm>> -> memref<32x128xf32, #tpu.memory_space<hbm>>
        tpu.enqueue_dma source(%dma_start3A_1613 : memref<32x128xf32, #tpu.memory_space<hbm>>) target(%dma_start3A_1611 : memref<32x128xf32, #tpu.memory_space<vmem>>) target_semaphore(%dma_start3A_1607 : memref<!tpu.dma_semaphore, #tpu.memory_space<semaphore_mem>>)
        %dma_start3A_1614 = arith.constant 2 : i32
        %dma_start3A_1615 = arith.constant 2 : i32
        %dma_start3A_1616 = arith.constant 32 : i32
        %dma_start3A_1617 = arith.constant 0 : i32
        %dma_start3A_1618 = tpu.memref_slice %arg12[%dma_start3A_1614, %dma_start3A_1616, %dma_start3A_1617] : memref<6x128x128xf32, #tpu.memory_space<vmem>> -> memref<1x32x128xf32, #tpu.memory_space<vmem>>
        %dma_start3A_1619 = tpu.memref_squeeze %dma_start3A_1618 : memref<1x32x128xf32, #tpu.memory_space<vmem>> -> memref<32x128xf32, #tpu.memory_space<vmem>>
        %dma_start3A_1620 = arith.constant 0 : i32
        %dma_start3A_1621 = tpu.memref_slice %arg3[%dma_start3A_1620, %multiple_of3A_1597] : memref<32x1000000xf32, #tpu.memory_space<hbm>> -> memref<32x128xf32, #tpu.memory_space<hbm>>
        %dma_start3A_1622 = tpu.memref_slice %arg13[%dma_start3A_1615] : memref<6x!tpu.dma_semaphore, #tpu.memory_space<semaphore_mem>> -> memref<1x!tpu.dma_semaphore, #tpu.memory_space<semaphore_mem>>
        %dma_start3A_1623 = tpu.memref_squeeze %dma_start3A_1622 : memref<1x!tpu.dma_semaphore, #tpu.memory_space<semaphore_mem>> -> memref<!tpu.dma_semaphore, #tpu.memory_space<semaphore_mem>>
        %dma_start3A_1624 = arith.constant 32 : i32
        %dma_start3A_1625 = arith.constant 0 : i32
        %dma_start3A_1626 = tpu.memref_slice %arg12[%dma_start3A_1614, %dma_start3A_1624, %dma_start3A_1625] : memref<6x128x128xf32, #tpu.memory_space<vmem>> -> memref<1x32x128xf32, #tpu.memory_space<vmem>>
        %dma_start3A_1627 = tpu.memref_squeeze %dma_start3A_1626 : memref<1x32x128xf32, #tpu.memory_space<vmem>> -> memref<32x128xf32, #tpu.memory_space<vmem>>
        %dma_start3A_1628 = arith.constant 0 : i32
        %dma_start3A_1629 = tpu.memref_slice %arg3[%dma_start3A_1628, %multiple_of3A_1597] : memref<32x1000000xf32, #tpu.memory_space<hbm>> -> memref<32x128xf32, #tpu.memory_space<hbm>>
        tpu.enqueue_dma source(%dma_start3A_1629 : memref<32x128xf32, #tpu.memory_space<hbm>>) target(%dma_start3A_1627 : memref<32x128xf32, #tpu.memory_space<vmem>>) target_semaphore(%dma_start3A_1623 : memref<!tpu.dma_semaphore, #tpu.memory_space<semaphore_mem>>)
        %dma_start3A_1630 = arith.constant 2 : i32
        %dma_start3A_1631 = arith.constant 2 : i32
        %dma_start3A_1632 = arith.constant 64 : i32
        %dma_start3A_1633 = arith.constant 0 : i32
        %dma_start3A_1634 = tpu.memref_slice %arg12[%dma_start3A_1630, %dma_start3A_1632, %dma_start3A_1633] : memref<6x128x128xf32, #tpu.memory_space<vmem>> -> memref<1x32x128xf32, #tpu.memory_space<vmem>>
        %dma_start3A_1635 = tpu.memref_squeeze %dma_start3A_1634 : memref<1x32x128xf32, #tpu.memory_space<vmem>> -> memref<32x128xf32, #tpu.memory_space<vmem>>
        %dma_start3A_1636 = arith.constant 0 : i32
        %dma_start3A_1637 = tpu.memref_slice %arg4[%dma_start3A_1636, %multiple_of3A_1593] : memref<32x1000000xf32, #tpu.memory_space<hbm>> -> memref<32x128xf32, #tpu.memory_space<hbm>>
        %dma_start3A_1638 = tpu.memref_slice %arg13[%dma_start3A_1631] : memref<6x!tpu.dma_semaphore, #tpu.memory_space<semaphore_mem>> -> memref<1x!tpu.dma_semaphore, #tpu.memory_space<semaphore_mem>>
        %dma_start3A_1639 = tpu.memref_squeeze %dma_start3A_1638 : memref<1x!tpu.dma_semaphore, #tpu.memory_space<semaphore_mem>> -> memref<!tpu.dma_semaphore, #tpu.memory_space<semaphore_mem>>
        %dma_start3A_1640 = arith.constant 64 : i32
        %dma_start3A_1641 = arith.constant 0 : i32
        %dma_start3A_1642 = tpu.memref_slice %arg12[%dma_start3A_1630, %dma_start3A_1640, %dma_start3A_1641] : memref<6x128x128xf32, #tpu.memory_space<vmem>> -> memref<1x32x128xf32, #tpu.memory_space<vmem>>
        %dma_start3A_1643 = tpu.memref_squeeze %dma_start3A_1642 : memref<1x32x128xf32, #tpu.memory_space<vmem>> -> memref<32x128xf32, #tpu.memory_space<vmem>>
        %dma_start3A_1644 = arith.constant 0 : i32
        %dma_start3A_1645 = tpu.memref_slice %arg4[%dma_start3A_1644, %multiple_of3A_1593] : memref<32x1000000xf32, #tpu.memory_space<hbm>> -> memref<32x128xf32, #tpu.memory_space<hbm>>
        tpu.enqueue_dma source(%dma_start3A_1645 : memref<32x128xf32, #tpu.memory_space<hbm>>) target(%dma_start3A_1643 : memref<32x128xf32, #tpu.memory_space<vmem>>) target_semaphore(%dma_start3A_1639 : memref<!tpu.dma_semaphore, #tpu.memory_space<semaphore_mem>>)
        %dma_start3A_1646 = arith.constant 2 : i32
        %dma_start3A_1647 = arith.constant 2 : i32
        %dma_start3A_1648 = arith.constant 96 : i32
        %dma_start3A_1649 = arith.constant 0 : i32
        %dma_start3A_1650 = tpu.memref_slice %arg12[%dma_start3A_1646, %dma_start3A_1648, %dma_start3A_1649] : memref<6x128x128xf32, #tpu.memory_space<vmem>> -> memref<1x32x128xf32, #tpu.memory_space<vmem>>
        %dma_start3A_1651 = tpu.memref_squeeze %dma_start3A_1650 : memref<1x32x128xf32, #tpu.memory_space<vmem>> -> memref<32x128xf32, #tpu.memory_space<vmem>>
        %dma_start3A_1652 = arith.constant 0 : i32
        %dma_start3A_1653 = tpu.memref_slice %arg5[%dma_start3A_1652, %multiple_of3A_1597] : memref<32x1000000xf32, #tpu.memory_space<hbm>> -> memref<32x128xf32, #tpu.memory_space<hbm>>
        %dma_start3A_1654 = tpu.memref_slice %arg13[%dma_start3A_1647] : memref<6x!tpu.dma_semaphore, #tpu.memory_space<semaphore_mem>> -> memref<1x!tpu.dma_semaphore, #tpu.memory_space<semaphore_mem>>
        %dma_start3A_1655 = tpu.memref_squeeze %dma_start3A_1654 : memref<1x!tpu.dma_semaphore, #tpu.memory_space<semaphore_mem>> -> memref<!tpu.dma_semaphore, #tpu.memory_space<semaphore_mem>>
        %dma_start3A_1656 = arith.constant 96 : i32
        %dma_start3A_1657 = arith.constant 0 : i32
        %dma_start3A_1658 = tpu.memref_slice %arg12[%dma_start3A_1646, %dma_start3A_1656, %dma_start3A_1657] : memref<6x128x128xf32, #tpu.memory_space<vmem>> -> memref<1x32x128xf32, #tpu.memory_space<vmem>>
        %dma_start3A_1659 = tpu.memref_squeeze %dma_start3A_1658 : memref<1x32x128xf32, #tpu.memory_space<vmem>> -> memref<32x128xf32, #tpu.memory_space<vmem>>
        %dma_start3A_1660 = arith.constant 0 : i32
        %dma_start3A_1661 = tpu.memref_slice %arg5[%dma_start3A_1660, %multiple_of3A_1597] : memref<32x1000000xf32, #tpu.memory_space<hbm>> -> memref<32x128xf32, #tpu.memory_space<hbm>>
        tpu.enqueue_dma source(%dma_start3A_1661 : memref<32x128xf32, #tpu.memory_space<hbm>>) target(%dma_start3A_1659 : memref<32x128xf32, #tpu.memory_space<vmem>>) target_semaphore(%dma_start3A_1655 : memref<!tpu.dma_semaphore, #tpu.memory_space<semaphore_mem>>)
      } else {
      }
      %slice3A_1156 = vector.extract_strided_slice %gather3A_703 {offsets = [3], sizes = [1], strides = [1]} : vector<16xi32> to vector<1xi32>
      %squeeze3A_1157 = vector.extract %slice3A_1156[0] : i32 from vector<1xi32>
      %slice3A_1158 = vector.extract_strided_slice %gather3A_704 {offsets = [3], sizes = [1], strides = [1]} : vector<16xi32> to vector<1xi32>
      %squeeze3A_1159 = vector.extract %slice3A_1158[0] : i32 from vector<1xi32>
      %dma_wait3A_1160 = arith.constant 3 : i32
      %dma_wait3A_1161 = arith.constant 3 : i32
      %dma_wait3A_1162 = arith.constant 0 : i32
      %dma_wait3A_1163 = arith.constant 0 : i32
      %dma_wait3A_1164 = tpu.memref_slice %arg12[%dma_wait3A_1160, %dma_wait3A_1162, %dma_wait3A_1163] : memref<6x128x128xf32, #tpu.memory_space<vmem>> -> memref<1x128x128xf32, #tpu.memory_space<vmem>>
      %dma_wait3A_1165 = tpu.memref_squeeze %dma_wait3A_1164 : memref<1x128x128xf32, #tpu.memory_space<vmem>> -> memref<128x128xf32, #tpu.memory_space<vmem>>
      %dma_wait3A_1166 = arith.constant 0 : i32
      %dma_wait3A_1167 = arith.constant 0 : i32
      %dma_wait3A_1168 = tpu.memref_slice %arg8[%dma_wait3A_1166, %dma_wait3A_1167] : memref<16384x128xf32, #tpu.memory_space<hbm>> -> memref<128x128xf32, #tpu.memory_space<hbm>>
      %dma_wait3A_1169 = tpu.memref_slice %arg13[%dma_wait3A_1161] : memref<6x!tpu.dma_semaphore, #tpu.memory_space<semaphore_mem>> -> memref<1x!tpu.dma_semaphore, #tpu.memory_space<semaphore_mem>>
      %dma_wait3A_1170 = tpu.memref_squeeze %dma_wait3A_1169 : memref<1x!tpu.dma_semaphore, #tpu.memory_space<semaphore_mem>> -> memref<!tpu.dma_semaphore, #tpu.memory_space<semaphore_mem>>
      %dma_wait3A_1171 = arith.constant 0 : i32
      %dma_wait3A_1172 = arith.constant 0 : i32
      %dma_wait3A_1173 = tpu.memref_slice %arg12[%dma_wait3A_1160, %dma_wait3A_1171, %dma_wait3A_1172] : memref<6x128x128xf32, #tpu.memory_space<vmem>> -> memref<1x128x128xf32, #tpu.memory_space<vmem>>
      %dma_wait3A_1174 = tpu.memref_squeeze %dma_wait3A_1173 : memref<1x128x128xf32, #tpu.memory_space<vmem>> -> memref<128x128xf32, #tpu.memory_space<vmem>>
      %dma_wait3A_1175 = arith.constant 0 : i32
      %dma_wait3A_1176 = arith.constant 0 : i32
      %dma_wait3A_1177 = tpu.memref_slice %arg8[%dma_wait3A_1175, %dma_wait3A_1176] : memref<16384x128xf32, #tpu.memory_space<hbm>> -> memref<128x128xf32, #tpu.memory_space<hbm>>
      tpu.wait_dma2 semaphore(%dma_wait3A_1170 : memref<!tpu.dma_semaphore, #tpu.memory_space<semaphore_mem>>) src(%dma_wait3A_1177 : memref<128x128xf32, #tpu.memory_space<hbm>>) dst(%dma_wait3A_1174 : memref<128x128xf32, #tpu.memory_space<vmem>>)
      %rem3A_1178 = arith.constant 64 : i32
      %rem3A_1179 = arith.remsi %add3A_1146, %rem3A_1178 : i32
      %rem3A_1180 = arith.constant 128 : i32
      %rem3A_1181 = arith.remsi %squeeze3A_1157, %rem3A_1180 : i32
      %rem3A_1182 = arith.constant 128 : i32
      %rem3A_1183 = arith.remsi %squeeze3A_1159, %rem3A_1182 : i32
      %iota3A_1184 = tpu.iota {dimensions = array<i32: 0>} : vector<16xi32>
      %broadcast_in_dim3A_1185 = vector.broadcast %rem3A_1181 : i32 to vector<16xi32>
      %add3A_1186 = arith.constant 0 : i32
      %add3A_1187 = vector.broadcast %add3A_1186 : i32 to vector<16xi32>
      %add3A_1188 = arith.addi %iota3A_1184, %add3A_1187 : vector<16xi32>
      %gather3A_1189 = arith.constant 3 : i32
      %gather3A_1190 = arith.constant 0 : i32
      %gather3A_1191 = arith.constant 0 : i32
      %gather3A_1192 = tpu.memref_slice %arg12[%gather3A_1189, %gather3A_1190, %gather3A_1191] : memref<6x128x128xf32, #tpu.memory_space<vmem>> -> memref<1x128x128xf32, #tpu.memory_space<vmem>>
      %gather3A_1193 = tpu.memref_squeeze %gather3A_1192 : memref<1x128x128xf32, #tpu.memory_space<vmem>> -> memref<128x128xf32, #tpu.memory_space<vmem>>
      %gather3A_1194 = tpu.vector_load_idx %gather3A_1193[%add3A_1188, %broadcast_in_dim3A_1185] : memref<128x128xf32, #tpu.memory_space<vmem>>[vector<16xi32>, vector<16xi32>], vector<16xf32>,
      %swap3A_1195 = arith.index_cast %rem3A_1179 : i32 to index
      %swap3A_1196 = arith.constant 0 : index
      %swap3A_1197 = tpu.vector_load %arg11[%swap3A_1195, %swap3A_1196] {strides = array<i32>} : memref<64x128xf32, #tpu.memory_space<vmem>>, vector<16xf32>,
      tpu.vector_store %arg11[%swap3A_1195, %swap3A_1196], %gather3A_1194 {strides = array<i32>} : memref<64x128xf32, #tpu.memory_space<vmem>>, vector<16xf32>,
      %add3A_1198 = arith.constant 16 : i32
      %add3A_1199 = vector.broadcast %add3A_1198 : i32 to vector<16xi32>
      %add3A_1200 = arith.addi %iota3A_1184, %add3A_1199 : vector<16xi32>
      %gather3A_1201 = arith.constant 3 : i32
      %gather3A_1202 = arith.constant 0 : i32
      %gather3A_1203 = arith.constant 0 : i32
      %gather3A_1204 = tpu.memref_slice %arg12[%gather3A_1201, %gather3A_1202, %gather3A_1203] : memref<6x128x128xf32, #tpu.memory_space<vmem>> -> memref<1x128x128xf32, #tpu.memory_space<vmem>>
      %gather3A_1205 = tpu.memref_squeeze %gather3A_1204 : memref<1x128x128xf32, #tpu.memory_space<vmem>> -> memref<128x128xf32, #tpu.memory_space<vmem>>
      %gather3A_1206 = tpu.vector_load_idx %gather3A_1205[%add3A_1200, %broadcast_in_dim3A_1185] : memref<128x128xf32, #tpu.memory_space<vmem>>[vector<16xi32>, vector<16xi32>], vector<16xf32>,
      %swap3A_1207 = arith.index_cast %rem3A_1179 : i32 to index
      %swap3A_1208 = arith.constant 16 : index
      %swap3A_1209 = tpu.vector_load %arg11[%swap3A_1207, %swap3A_1208] {strides = array<i32>} : memref<64x128xf32, #tpu.memory_space<vmem>>, vector<16xf32>,
      tpu.vector_store %arg11[%swap3A_1207, %swap3A_1208], %gather3A_1206 {strides = array<i32>} : memref<64x128xf32, #tpu.memory_space<vmem>>, vector<16xf32>,
      %broadcast_in_dim3A_1210 = vector.broadcast %rem3A_1183 : i32 to vector<16xi32>
      %add3A_1211 = arith.constant 32 : i32
      %add3A_1212 = vector.broadcast %add3A_1211 : i32 to vector<16xi32>
      %add3A_1213 = arith.addi %iota3A_1184, %add3A_1212 : vector<16xi32>
      %gather3A_1214 = arith.constant 3 : i32
      %gather3A_1215 = arith.constant 0 : i32
      %gather3A_1216 = arith.constant 0 : i32
      %gather3A_1217 = tpu.memref_slice %arg12[%gather3A_1214, %gather3A_1215, %gather3A_1216] : memref<6x128x128xf32, #tpu.memory_space<vmem>> -> memref<1x128x128xf32, #tpu.memory_space<vmem>>
      %gather3A_1218 = tpu.memref_squeeze %gather3A_1217 : memref<1x128x128xf32, #tpu.memory_space<vmem>> -> memref<128x128xf32, #tpu.memory_space<vmem>>
      %gather3A_1219 = tpu.vector_load_idx %gather3A_1218[%add3A_1213, %broadcast_in_dim3A_1210] : memref<128x128xf32, #tpu.memory_space<vmem>>[vector<16xi32>, vector<16xi32>], vector<16xf32>,
      %swap3A_1220 = arith.index_cast %rem3A_1179 : i32 to index
      %swap3A_1221 = arith.constant 32 : index
      %swap3A_1222 = tpu.vector_load %arg11[%swap3A_1220, %swap3A_1221] {strides = array<i32>} : memref<64x128xf32, #tpu.memory_space<vmem>>, vector<16xf32>,
      tpu.vector_store %arg11[%swap3A_1220, %swap3A_1221], %gather3A_1219 {strides = array<i32>} : memref<64x128xf32, #tpu.memory_space<vmem>>, vector<16xf32>,
      %add3A_1223 = arith.constant 48 : i32
      %add3A_1224 = vector.broadcast %add3A_1223 : i32 to vector<16xi32>
      %add3A_1225 = arith.addi %iota3A_1184, %add3A_1224 : vector<16xi32>
      %gather3A_1226 = arith.constant 3 : i32
      %gather3A_1227 = arith.constant 0 : i32
      %gather3A_1228 = arith.constant 0 : i32
      %gather3A_1229 = tpu.memref_slice %arg12[%gather3A_1226, %gather3A_1227, %gather3A_1228] : memref<6x128x128xf32, #tpu.memory_space<vmem>> -> memref<1x128x128xf32, #tpu.memory_space<vmem>>
      %gather3A_1230 = tpu.memref_squeeze %gather3A_1229 : memref<1x128x128xf32, #tpu.memory_space<vmem>> -> memref<128x128xf32, #tpu.memory_space<vmem>>
      %gather3A_1231 = tpu.vector_load_idx %gather3A_1230[%add3A_1225, %broadcast_in_dim3A_1210] : memref<128x128xf32, #tpu.memory_space<vmem>>[vector<16xi32>, vector<16xi32>], vector<16xf32>,
      %swap3A_1232 = arith.index_cast %rem3A_1179 : i32 to index
      %swap3A_1233 = arith.constant 48 : index
      %swap3A_1234 = tpu.vector_load %arg11[%swap3A_1232, %swap3A_1233] {strides = array<i32>} : memref<64x128xf32, #tpu.memory_space<vmem>>, vector<16xf32>,
      tpu.vector_store %arg11[%swap3A_1232, %swap3A_1233], %gather3A_1231 {strides = array<i32>} : memref<64x128xf32, #tpu.memory_space<vmem>>, vector<16xf32>,
      %broadcast_in_dim3A_1235 = vector.broadcast %rem3A_1181 : i32 to vector<16xi32>
      %add3A_1236 = arith.constant 64 : i32
      %add3A_1237 = vector.broadcast %add3A_1236 : i32 to vector<16xi32>
      %add3A_1238 = arith.addi %iota3A_1184, %add3A_1237 : vector<16xi32>
      %gather3A_1239 = arith.constant 3 : i32
      %gather3A_1240 = arith.constant 0 : i32
      %gather3A_1241 = arith.constant 0 : i32
      %gather3A_1242 = tpu.memref_slice %arg12[%gather3A_1239, %gather3A_1240, %gather3A_1241] : memref<6x128x128xf32, #tpu.memory_space<vmem>> -> memref<1x128x128xf32, #tpu.memory_space<vmem>>
      %gather3A_1243 = tpu.memref_squeeze %gather3A_1242 : memref<1x128x128xf32, #tpu.memory_space<vmem>> -> memref<128x128xf32, #tpu.memory_space<vmem>>
      %gather3A_1244 = tpu.vector_load_idx %gather3A_1243[%add3A_1238, %broadcast_in_dim3A_1235] : memref<128x128xf32, #tpu.memory_space<vmem>>[vector<16xi32>, vector<16xi32>], vector<16xf32>,
      %swap3A_1245 = arith.index_cast %rem3A_1179 : i32 to index
      %swap3A_1246 = arith.constant 64 : index
      %swap3A_1247 = tpu.vector_load %arg11[%swap3A_1245, %swap3A_1246] {strides = array<i32>} : memref<64x128xf32, #tpu.memory_space<vmem>>, vector<16xf32>,
      tpu.vector_store %arg11[%swap3A_1245, %swap3A_1246], %gather3A_1244 {strides = array<i32>} : memref<64x128xf32, #tpu.memory_space<vmem>>, vector<16xf32>,
      %add3A_1248 = arith.constant 80 : i32
      %add3A_1249 = vector.broadcast %add3A_1248 : i32 to vector<16xi32>
      %add3A_1250 = arith.addi %iota3A_1184, %add3A_1249 : vector<16xi32>
      %gather3A_1251 = arith.constant 3 : i32
      %gather3A_1252 = arith.constant 0 : i32
      %gather3A_1253 = arith.constant 0 : i32
      %gather3A_1254 = tpu.memref_slice %arg12[%gather3A_1251, %gather3A_1252, %gather3A_1253] : memref<6x128x128xf32, #tpu.memory_space<vmem>> -> memref<1x128x128xf32, #tpu.memory_space<vmem>>
      %gather3A_1255 = tpu.memref_squeeze %gather3A_1254 : memref<1x128x128xf32, #tpu.memory_space<vmem>> -> memref<128x128xf32, #tpu.memory_space<vmem>>
      %gather3A_1256 = tpu.vector_load_idx %gather3A_1255[%add3A_1250, %broadcast_in_dim3A_1235] : memref<128x128xf32, #tpu.memory_space<vmem>>[vector<16xi32>, vector<16xi32>], vector<16xf32>,
      %swap3A_1257 = arith.index_cast %rem3A_1179 : i32 to index
      %swap3A_1258 = arith.constant 80 : index
      %swap3A_1259 = tpu.vector_load %arg11[%swap3A_1257, %swap3A_1258] {strides = array<i32>} : memref<64x128xf32, #tpu.memory_space<vmem>>, vector<16xf32>,
      tpu.vector_store %arg11[%swap3A_1257, %swap3A_1258], %gather3A_1256 {strides = array<i32>} : memref<64x128xf32, #tpu.memory_space<vmem>>, vector<16xf32>,
      %broadcast_in_dim3A_1260 = vector.broadcast %rem3A_1183 : i32 to vector<16xi32>
      %add3A_1261 = arith.constant 96 : i32
      %add3A_1262 = vector.broadcast %add3A_1261 : i32 to vector<16xi32>
      %add3A_1263 = arith.addi %iota3A_1184, %add3A_1262 : vector<16xi32>
      %gather3A_1264 = arith.constant 3 : i32
      %gather3A_1265 = arith.constant 0 : i32
      %gather3A_1266 = arith.constant 0 : i32
      %gather3A_1267 = tpu.memref_slice %arg12[%gather3A_1264, %gather3A_1265, %gather3A_1266] : memref<6x128x128xf32, #tpu.memory_space<vmem>> -> memref<1x128x128xf32, #tpu.memory_space<vmem>>
      %gather3A_1268 = tpu.memref_squeeze %gather3A_1267 : memref<1x128x128xf32, #tpu.memory_space<vmem>> -> memref<128x128xf32, #tpu.memory_space<vmem>>
      %gather3A_1269 = tpu.vector_load_idx %gather3A_1268[%add3A_1263, %broadcast_in_dim3A_1260] : memref<128x128xf32, #tpu.memory_space<vmem>>[vector<16xi32>, vector<16xi32>], vector<16xf32>,
      %swap3A_1270 = arith.index_cast %rem3A_1179 : i32 to index
      %swap3A_1271 = arith.constant 96 : index
      %swap3A_1272 = tpu.vector_load %arg11[%swap3A_1270, %swap3A_1271] {strides = array<i32>} : memref<64x128xf32, #tpu.memory_space<vmem>>, vector<16xf32>,
      tpu.vector_store %arg11[%swap3A_1270, %swap3A_1271], %gather3A_1269 {strides = array<i32>} : memref<64x128xf32, #tpu.memory_space<vmem>>, vector<16xf32>,
      %add3A_1273 = arith.constant 112 : i32
      %add3A_1274 = vector.broadcast %add3A_1273 : i32 to vector<16xi32>
      %add3A_1275 = arith.addi %iota3A_1184, %add3A_1274 : vector<16xi32>
      %gather3A_1276 = arith.constant 3 : i32
      %gather3A_1277 = arith.constant 0 : i32
      %gather3A_1278 = arith.constant 0 : i32
      %gather3A_1279 = tpu.memref_slice %arg12[%gather3A_1276, %gather3A_1277, %gather3A_1278] : memref<6x128x128xf32, #tpu.memory_space<vmem>> -> memref<1x128x128xf32, #tpu.memory_space<vmem>>
      %gather3A_1280 = tpu.memref_squeeze %gather3A_1279 : memref<1x128x128xf32, #tpu.memory_space<vmem>> -> memref<128x128xf32, #tpu.memory_space<vmem>>
      %gather3A_1281 = tpu.vector_load_idx %gather3A_1280[%add3A_1275, %broadcast_in_dim3A_1260] : memref<128x128xf32, #tpu.memory_space<vmem>>[vector<16xi32>, vector<16xi32>], vector<16xf32>,
      %swap3A_1282 = arith.index_cast %rem3A_1179 : i32 to index
      %swap3A_1283 = arith.constant 112 : index
      %swap3A_1284 = tpu.vector_load %arg11[%swap3A_1282, %swap3A_1283] {strides = array<i32>} : memref<64x128xf32, #tpu.memory_space<vmem>>, vector<16xf32>,
      tpu.vector_store %arg11[%swap3A_1282, %swap3A_1283], %gather3A_1281 {strides = array<i32>} : memref<64x128xf32, #tpu.memory_space<vmem>>, vector<16xf32>,
      %rem3A_1285 = arith.constant 64 : i32
      %rem3A_1286 = arith.remsi %add3A_1146, %rem3A_1285 : i32
      %eq3A_1287 = arith.constant 63 : i32
      %eq3A_1288 = arith.cmpi eq, %rem3A_1286, %eq3A_1287 : i32
      %convert_element_type3A_1289 = arith.extui %eq3A_1288 : i1 to i32
      %cond3A_1290 = arith.constant 0 : i32
      %cond3A_1291 = arith.cmpi ne, %convert_element_type3A_1289, %cond3A_1290 : i32
      scf.if %cond3A_1291 {
        %sub3A_1586 = arith.constant 63 : i32
        %sub3A_1587 = arith.subi %add3A_1146, %sub3A_1586 : i32
        %add3A_1588 = arith.addi %mul3A_2, %sub3A_1587 : i32
        %multiple_of3A_1589 = tpu.assume_multiple %add3A_1588, 64 : i32
        "tpu.region"() ({
          %run_scoped3A = tpu.sem_alloc : memref<!tpu.dma_semaphore, #tpu.memory_space<semaphore_mem>>
          %dma_start3A_1590 = arith.constant 0 : i32
          %dma_start3A_1591 = tpu.memref_slice %arg8[%multiple_of3A_1589, %dma_start3A_1590] : memref<16384x128xf32, #tpu.memory_space<hbm>> -> memref<64x128xf32, #tpu.memory_space<hbm>>
          %dma_start3A_1592 = arith.constant 0 : i32
          %dma_start3A_1593 = tpu.memref_slice %arg8[%multiple_of3A_1589, %dma_start3A_1592] : memref<16384x128xf32, #tpu.memory_space<hbm>> -> memref<64x128xf32, #tpu.memory_space<hbm>>
          tpu.enqueue_dma source(%arg11 : memref<64x128xf32, #tpu.memory_space<vmem>>) target(%dma_start3A_1593 : memref<64x128xf32, #tpu.memory_space<hbm>>) target_semaphore(%run_scoped3A : memref<!tpu.dma_semaphore, #tpu.memory_space<semaphore_mem>>)
          %dma_wait3A_1594 = arith.constant 0 : i32
          %dma_wait3A_1595 = tpu.memref_slice %arg8[%multiple_of3A_1589, %dma_wait3A_1594] : memref<16384x128xf32, #tpu.memory_space<hbm>> -> memref<64x128xf32, #tpu.memory_space<hbm>>
          %dma_wait3A_1596 = arith.constant 0 : i32
          %dma_wait3A_1597 = tpu.memref_slice %arg8[%multiple_of3A_1589, %dma_wait3A_1596] : memref<16384x128xf32, #tpu.memory_space<hbm>> -> memref<64x128xf32, #tpu.memory_space<hbm>>
          tpu.wait_dma2 semaphore(%run_scoped3A : memref<!tpu.dma_semaphore, #tpu.memory_space<semaphore_mem>>) src(%arg11 : memref<64x128xf32, #tpu.memory_space<vmem>>) dst(%dma_wait3A_1597 : memref<64x128xf32, #tpu.memory_space<hbm>>)
          tpu.yield
        }) : () -> ()
      } else {
      }
      %add3A_1292 = arith.constant 4 : i32
      %add3A_1293 = arith.addi %mul3A_698, %add3A_1292 : i32
      %add3A_1294 = arith.constant 6 : i32
      %add3A_1295 = arith.addi %add3A_1293, %add3A_1294 : i32
      %sub3A_1296 = arith.constant 1 : i32
      %sub3A_1297 = arith.subi %add3A_1295, %sub3A_1296 : i32
      %lt3A_1298 = arith.constant 512 : i32
      %lt3A_1299 = arith.cmpi slt, %sub3A_1297, %lt3A_1298 : i32
      %convert_element_type3A_1300 = arith.extui %lt3A_1299 : i1 to i32
      %cond3A_1301 = arith.constant 0 : i32
      %cond3A_1302 = arith.cmpi ne, %convert_element_type3A_1300, %cond3A_1301 : i32
      scf.if %cond3A_1302 {
        %slice3A_1586 = vector.extract_strided_slice %gather3A_703 {offsets = [9], sizes = [1], strides = [1]} : vector<16xi32> to vector<1xi32>
        %squeeze3A_1587 = vector.extract %slice3A_1586[0] : i32 from vector<1xi32>
        %slice3A_1588 = vector.extract_strided_slice %gather3A_704 {offsets = [9], sizes = [1], strides = [1]} : vector<16xi32> to vector<1xi32>
        %squeeze3A_1589 = vector.extract %slice3A_1588[0] : i32 from vector<1xi32>
        %rem3A_1590 = arith.constant 128 : i32
        %rem3A_1591 = arith.remsi %squeeze3A_1587, %rem3A_1590 : i32
        %sub3A_1592 = arith.subi %squeeze3A_1587, %rem3A_1591 : i32
        %multiple_of3A_1593 = tpu.assume_multiple %sub3A_1592, 128 : i32
        %rem3A_1594 = arith.constant 128 : i32
        %rem3A_1595 = arith.remsi %squeeze3A_1589, %rem3A_1594 : i32
        %sub3A_1596 = arith.subi %squeeze3A_1589, %rem3A_1595 : i32
        %multiple_of3A_1597 = tpu.assume_multiple %sub3A_1596, 128 : i32
        %dma_start3A_1598 = arith.constant 3 : i32
        %dma_start3A_1599 = arith.constant 3 : i32
        %dma_start3A_1600 = arith.constant 0 : i32
        %dma_start3A_1601 = arith.constant 0 : i32
        %dma_start3A_1602 = tpu.memref_slice %arg12[%dma_start3A_1598, %dma_start3A_1600, %dma_start3A_1601] : memref<6x128x128xf32, #tpu.memory_space<vmem>> -> memref<1x32x128xf32, #tpu.memory_space<vmem>>
        %dma_start3A_1603 = tpu.memref_squeeze %dma_start3A_1602 : memref<1x32x128xf32, #tpu.memory_space<vmem>> -> memref<32x128xf32, #tpu.memory_space<vmem>>
        %dma_start3A_1604 = arith.constant 0 : i32
        %dma_start3A_1605 = tpu.memref_slice %arg2[%dma_start3A_1604, %multiple_of3A_1593] : memref<32x1000000xf32, #tpu.memory_space<hbm>> -> memref<32x128xf32, #tpu.memory_space<hbm>>
        %dma_start3A_1606 = tpu.memref_slice %arg13[%dma_start3A_1599] : memref<6x!tpu.dma_semaphore, #tpu.memory_space<semaphore_mem>> -> memref<1x!tpu.dma_semaphore, #tpu.memory_space<semaphore_mem>>
        %dma_start3A_1607 = tpu.memref_squeeze %dma_start3A_1606 : memref<1x!tpu.dma_semaphore, #tpu.memory_space<semaphore_mem>> -> memref<!tpu.dma_semaphore, #tpu.memory_space<semaphore_mem>>
        %dma_start3A_1608 = arith.constant 0 : i32
        %dma_start3A_1609 = arith.constant 0 : i32
        %dma_start3A_1610 = tpu.memref_slice %arg12[%dma_start3A_1598, %dma_start3A_1608, %dma_start3A_1609] : memref<6x128x128xf32, #tpu.memory_space<vmem>> -> memref<1x32x128xf32, #tpu.memory_space<vmem>>
        %dma_start3A_1611 = tpu.memref_squeeze %dma_start3A_1610 : memref<1x32x128xf32, #tpu.memory_space<vmem>> -> memref<32x128xf32, #tpu.memory_space<vmem>>
        %dma_start3A_1612 = arith.constant 0 : i32
        %dma_start3A_1613 = tpu.memref_slice %arg2[%dma_start3A_1612, %multiple_of3A_1593] : memref<32x1000000xf32, #tpu.memory_space<hbm>> -> memref<32x128xf32, #tpu.memory_space<hbm>>
        tpu.enqueue_dma source(%dma_start3A_1613 : memref<32x128xf32, #tpu.memory_space<hbm>>) target(%dma_start3A_1611 : memref<32x128xf32, #tpu.memory_space<vmem>>) target_semaphore(%dma_start3A_1607 : memref<!tpu.dma_semaphore, #tpu.memory_space<semaphore_mem>>)
        %dma_start3A_1614 = arith.constant 3 : i32
        %dma_start3A_1615 = arith.constant 3 : i32
        %dma_start3A_1616 = arith.constant 32 : i32
        %dma_start3A_1617 = arith.constant 0 : i32
        %dma_start3A_1618 = tpu.memref_slice %arg12[%dma_start3A_1614, %dma_start3A_1616, %dma_start3A_1617] : memref<6x128x128xf32, #tpu.memory_space<vmem>> -> memref<1x32x128xf32, #tpu.memory_space<vmem>>
        %dma_start3A_1619 = tpu.memref_squeeze %dma_start3A_1618 : memref<1x32x128xf32, #tpu.memory_space<vmem>> -> memref<32x128xf32, #tpu.memory_space<vmem>>
        %dma_start3A_1620 = arith.constant 0 : i32
        %dma_start3A_1621 = tpu.memref_slice %arg3[%dma_start3A_1620, %multiple_of3A_1597] : memref<32x1000000xf32, #tpu.memory_space<hbm>> -> memref<32x128xf32, #tpu.memory_space<hbm>>
        %dma_start3A_1622 = tpu.memref_slice %arg13[%dma_start3A_1615] : memref<6x!tpu.dma_semaphore, #tpu.memory_space<semaphore_mem>> -> memref<1x!tpu.dma_semaphore, #tpu.memory_space<semaphore_mem>>
        %dma_start3A_1623 = tpu.memref_squeeze %dma_start3A_1622 : memref<1x!tpu.dma_semaphore, #tpu.memory_space<semaphore_mem>> -> memref<!tpu.dma_semaphore, #tpu.memory_space<semaphore_mem>>
        %dma_start3A_1624 = arith.constant 32 : i32
        %dma_start3A_1625 = arith.constant 0 : i32
        %dma_start3A_1626 = tpu.memref_slice %arg12[%dma_start3A_1614, %dma_start3A_1624, %dma_start3A_1625] : memref<6x128x128xf32, #tpu.memory_space<vmem>> -> memref<1x32x128xf32, #tpu.memory_space<vmem>>
        %dma_start3A_1627 = tpu.memref_squeeze %dma_start3A_1626 : memref<1x32x128xf32, #tpu.memory_space<vmem>> -> memref<32x128xf32, #tpu.memory_space<vmem>>
        %dma_start3A_1628 = arith.constant 0 : i32
        %dma_start3A_1629 = tpu.memref_slice %arg3[%dma_start3A_1628, %multiple_of3A_1597] : memref<32x1000000xf32, #tpu.memory_space<hbm>> -> memref<32x128xf32, #tpu.memory_space<hbm>>
        tpu.enqueue_dma source(%dma_start3A_1629 : memref<32x128xf32, #tpu.memory_space<hbm>>) target(%dma_start3A_1627 : memref<32x128xf32, #tpu.memory_space<vmem>>) target_semaphore(%dma_start3A_1623 : memref<!tpu.dma_semaphore, #tpu.memory_space<semaphore_mem>>)
        %dma_start3A_1630 = arith.constant 3 : i32
        %dma_start3A_1631 = arith.constant 3 : i32
        %dma_start3A_1632 = arith.constant 64 : i32
        %dma_start3A_1633 = arith.constant 0 : i32
        %dma_start3A_1634 = tpu.memref_slice %arg12[%dma_start3A_1630, %dma_start3A_1632, %dma_start3A_1633] : memref<6x128x128xf32, #tpu.memory_space<vmem>> -> memref<1x32x128xf32, #tpu.memory_space<vmem>>
        %dma_start3A_1635 = tpu.memref_squeeze %dma_start3A_1634 : memref<1x32x128xf32, #tpu.memory_space<vmem>> -> memref<32x128xf32, #tpu.memory_space<vmem>>
        %dma_start3A_1636 = arith.constant 0 : i32
        %dma_start3A_1637 = tpu.memref_slice %arg4[%dma_start3A_1636, %multiple_of3A_1593] : memref<32x1000000xf32, #tpu.memory_space<hbm>> -> memref<32x128xf32, #tpu.memory_space<hbm>>
        %dma_start3A_1638 = tpu.memref_slice %arg13[%dma_start3A_1631] : memref<6x!tpu.dma_semaphore, #tpu.memory_space<semaphore_mem>> -> memref<1x!tpu.dma_semaphore, #tpu.memory_space<semaphore_mem>>
        %dma_start3A_1639 = tpu.memref_squeeze %dma_start3A_1638 : memref<1x!tpu.dma_semaphore, #tpu.memory_space<semaphore_mem>> -> memref<!tpu.dma_semaphore, #tpu.memory_space<semaphore_mem>>
        %dma_start3A_1640 = arith.constant 64 : i32
        %dma_start3A_1641 = arith.constant 0 : i32
        %dma_start3A_1642 = tpu.memref_slice %arg12[%dma_start3A_1630, %dma_start3A_1640, %dma_start3A_1641] : memref<6x128x128xf32, #tpu.memory_space<vmem>> -> memref<1x32x128xf32, #tpu.memory_space<vmem>>
        %dma_start3A_1643 = tpu.memref_squeeze %dma_start3A_1642 : memref<1x32x128xf32, #tpu.memory_space<vmem>> -> memref<32x128xf32, #tpu.memory_space<vmem>>
        %dma_start3A_1644 = arith.constant 0 : i32
        %dma_start3A_1645 = tpu.memref_slice %arg4[%dma_start3A_1644, %multiple_of3A_1593] : memref<32x1000000xf32, #tpu.memory_space<hbm>> -> memref<32x128xf32, #tpu.memory_space<hbm>>
        tpu.enqueue_dma source(%dma_start3A_1645 : memref<32x128xf32, #tpu.memory_space<hbm>>) target(%dma_start3A_1643 : memref<32x128xf32, #tpu.memory_space<vmem>>) target_semaphore(%dma_start3A_1639 : memref<!tpu.dma_semaphore, #tpu.memory_space<semaphore_mem>>)
        %dma_start3A_1646 = arith.constant 3 : i32
        %dma_start3A_1647 = arith.constant 3 : i32
        %dma_start3A_1648 = arith.constant 96 : i32
        %dma_start3A_1649 = arith.constant 0 : i32
        %dma_start3A_1650 = tpu.memref_slice %arg12[%dma_start3A_1646, %dma_start3A_1648, %dma_start3A_1649] : memref<6x128x128xf32, #tpu.memory_space<vmem>> -> memref<1x32x128xf32, #tpu.memory_space<vmem>>
        %dma_start3A_1651 = tpu.memref_squeeze %dma_start3A_1650 : memref<1x32x128xf32, #tpu.memory_space<vmem>> -> memref<32x128xf32, #tpu.memory_space<vmem>>
        %dma_start3A_1652 = arith.constant 0 : i32
        %dma_start3A_1653 = tpu.memref_slice %arg5[%dma_start3A_1652, %multiple_of3A_1597] : memref<32x1000000xf32, #tpu.memory_space<hbm>> -> memref<32x128xf32, #tpu.memory_space<hbm>>
        %dma_start3A_1654 = tpu.memref_slice %arg13[%dma_start3A_1647] : memref<6x!tpu.dma_semaphore, #tpu.memory_space<semaphore_mem>> -> memref<1x!tpu.dma_semaphore, #tpu.memory_space<semaphore_mem>>
        %dma_start3A_1655 = tpu.memref_squeeze %dma_start3A_1654 : memref<1x!tpu.dma_semaphore, #tpu.memory_space<semaphore_mem>> -> memref<!tpu.dma_semaphore, #tpu.memory_space<semaphore_mem>>
        %dma_start3A_1656 = arith.constant 96 : i32
        %dma_start3A_1657 = arith.constant 0 : i32
        %dma_start3A_1658 = tpu.memref_slice %arg12[%dma_start3A_1646, %dma_start3A_1656, %dma_start3A_1657] : memref<6x128x128xf32, #tpu.memory_space<vmem>> -> memref<1x32x128xf32, #tpu.memory_space<vmem>>
        %dma_start3A_1659 = tpu.memref_squeeze %dma_start3A_1658 : memref<1x32x128xf32, #tpu.memory_space<vmem>> -> memref<32x128xf32, #tpu.memory_space<vmem>>
        %dma_start3A_1660 = arith.constant 0 : i32
        %dma_start3A_1661 = tpu.memref_slice %arg5[%dma_start3A_1660, %multiple_of3A_1597] : memref<32x1000000xf32, #tpu.memory_space<hbm>> -> memref<32x128xf32, #tpu.memory_space<hbm>>
        tpu.enqueue_dma source(%dma_start3A_1661 : memref<32x128xf32, #tpu.memory_space<hbm>>) target(%dma_start3A_1659 : memref<32x128xf32, #tpu.memory_space<vmem>>) target_semaphore(%dma_start3A_1655 : memref<!tpu.dma_semaphore, #tpu.memory_space<semaphore_mem>>)
      } else {
      }
      %slice3A_1303 = vector.extract_strided_slice %gather3A_703 {offsets = [4], sizes = [1], strides = [1]} : vector<16xi32> to vector<1xi32>
      %squeeze3A_1304 = vector.extract %slice3A_1303[0] : i32 from vector<1xi32>
      %slice3A_1305 = vector.extract_strided_slice %gather3A_704 {offsets = [4], sizes = [1], strides = [1]} : vector<16xi32> to vector<1xi32>
      %squeeze3A_1306 = vector.extract %slice3A_1305[0] : i32 from vector<1xi32>
      %dma_wait3A_1307 = arith.constant 4 : i32
      %dma_wait3A_1308 = arith.constant 4 : i32
      %dma_wait3A_1309 = arith.constant 0 : i32
      %dma_wait3A_1310 = arith.constant 0 : i32
      %dma_wait3A_1311 = tpu.memref_slice %arg12[%dma_wait3A_1307, %dma_wait3A_1309, %dma_wait3A_1310] : memref<6x128x128xf32, #tpu.memory_space<vmem>> -> memref<1x128x128xf32, #tpu.memory_space<vmem>>
      %dma_wait3A_1312 = tpu.memref_squeeze %dma_wait3A_1311 : memref<1x128x128xf32, #tpu.memory_space<vmem>> -> memref<128x128xf32, #tpu.memory_space<vmem>>
      %dma_wait3A_1313 = arith.constant 0 : i32
      %dma_wait3A_1314 = arith.constant 0 : i32
      %dma_wait3A_1315 = tpu.memref_slice %arg8[%dma_wait3A_1313, %dma_wait3A_1314] : memref<16384x128xf32, #tpu.memory_space<hbm>> -> memref<128x128xf32, #tpu.memory_space<hbm>>
      %dma_wait3A_1316 = tpu.memref_slice %arg13[%dma_wait3A_1308] : memref<6x!tpu.dma_semaphore, #tpu.memory_space<semaphore_mem>> -> memref<1x!tpu.dma_semaphore, #tpu.memory_space<semaphore_mem>>
      %dma_wait3A_1317 = tpu.memref_squeeze %dma_wait3A_1316 : memref<1x!tpu.dma_semaphore, #tpu.memory_space<semaphore_mem>> -> memref<!tpu.dma_semaphore, #tpu.memory_space<semaphore_mem>>
      %dma_wait3A_1318 = arith.constant 0 : i32
      %dma_wait3A_1319 = arith.constant 0 : i32
      %dma_wait3A_1320 = tpu.memref_slice %arg12[%dma_wait3A_1307, %dma_wait3A_1318, %dma_wait3A_1319] : memref<6x128x128xf32, #tpu.memory_space<vmem>> -> memref<1x128x128xf32, #tpu.memory_space<vmem>>
      %dma_wait3A_1321 = tpu.memref_squeeze %dma_wait3A_1320 : memref<1x128x128xf32, #tpu.memory_space<vmem>> -> memref<128x128xf32, #tpu.memory_space<vmem>>
      %dma_wait3A_1322 = arith.constant 0 : i32
      %dma_wait3A_1323 = arith.constant 0 : i32
      %dma_wait3A_1324 = tpu.memref_slice %arg8[%dma_wait3A_1322, %dma_wait3A_1323] : memref<16384x128xf32, #tpu.memory_space<hbm>> -> memref<128x128xf32, #tpu.memory_space<hbm>>
      tpu.wait_dma2 semaphore(%dma_wait3A_1317 : memref<!tpu.dma_semaphore, #tpu.memory_space<semaphore_mem>>) src(%dma_wait3A_1324 : memref<128x128xf32, #tpu.memory_space<hbm>>) dst(%dma_wait3A_1321 : memref<128x128xf32, #tpu.memory_space<vmem>>)
      %rem3A_1325 = arith.constant 64 : i32
      %rem3A_1326 = arith.remsi %add3A_1293, %rem3A_1325 : i32
      %rem3A_1327 = arith.constant 128 : i32
      %rem3A_1328 = arith.remsi %squeeze3A_1304, %rem3A_1327 : i32
      %rem3A_1329 = arith.constant 128 : i32
      %rem3A_1330 = arith.remsi %squeeze3A_1306, %rem3A_1329 : i32
      %iota3A_1331 = tpu.iota {dimensions = array<i32: 0>} : vector<16xi32>
      %broadcast_in_dim3A_1332 = vector.broadcast %rem3A_1328 : i32 to vector<16xi32>
      %add3A_1333 = arith.constant 0 : i32
      %add3A_1334 = vector.broadcast %add3A_1333 : i32 to vector<16xi32>
      %add3A_1335 = arith.addi %iota3A_1331, %add3A_1334 : vector<16xi32>
      %gather3A_1336 = arith.constant 4 : i32
      %gather3A_1337 = arith.constant 0 : i32
      %gather3A_1338 = arith.constant 0 : i32
      %gather3A_1339 = tpu.memref_slice %arg12[%gather3A_1336, %gather3A_1337, %gather3A_1338] : memref<6x128x128xf32, #tpu.memory_space<vmem>> -> memref<1x128x128xf32, #tpu.memory_space<vmem>>
      %gather3A_1340 = tpu.memref_squeeze %gather3A_1339 : memref<1x128x128xf32, #tpu.memory_space<vmem>> -> memref<128x128xf32, #tpu.memory_space<vmem>>
      %gather3A_1341 = tpu.vector_load_idx %gather3A_1340[%add3A_1335, %broadcast_in_dim3A_1332] : memref<128x128xf32, #tpu.memory_space<vmem>>[vector<16xi32>, vector<16xi32>], vector<16xf32>,
      %swap3A_1342 = arith.index_cast %rem3A_1326 : i32 to index
      %swap3A_1343 = arith.constant 0 : index
      %swap3A_1344 = tpu.vector_load %arg11[%swap3A_1342, %swap3A_1343] {strides = array<i32>} : memref<64x128xf32, #tpu.memory_space<vmem>>, vector<16xf32>,
      tpu.vector_store %arg11[%swap3A_1342, %swap3A_1343], %gather3A_1341 {strides = array<i32>} : memref<64x128xf32, #tpu.memory_space<vmem>>, vector<16xf32>,
      %add3A_1345 = arith.constant 16 : i32
      %add3A_1346 = vector.broadcast %add3A_1345 : i32 to vector<16xi32>
      %add3A_1347 = arith.addi %iota3A_1331, %add3A_1346 : vector<16xi32>
      %gather3A_1348 = arith.constant 4 : i32
      %gather3A_1349 = arith.constant 0 : i32
      %gather3A_1350 = arith.constant 0 : i32
      %gather3A_1351 = tpu.memref_slice %arg12[%gather3A_1348, %gather3A_1349, %gather3A_1350] : memref<6x128x128xf32, #tpu.memory_space<vmem>> -> memref<1x128x128xf32, #tpu.memory_space<vmem>>
      %gather3A_1352 = tpu.memref_squeeze %gather3A_1351 : memref<1x128x128xf32, #tpu.memory_space<vmem>> -> memref<128x128xf32, #tpu.memory_space<vmem>>
      %gather3A_1353 = tpu.vector_load_idx %gather3A_1352[%add3A_1347, %broadcast_in_dim3A_1332] : memref<128x128xf32, #tpu.memory_space<vmem>>[vector<16xi32>, vector<16xi32>], vector<16xf32>,
      %swap3A_1354 = arith.index_cast %rem3A_1326 : i32 to index
      %swap3A_1355 = arith.constant 16 : index
      %swap3A_1356 = tpu.vector_load %arg11[%swap3A_1354, %swap3A_1355] {strides = array<i32>} : memref<64x128xf32, #tpu.memory_space<vmem>>, vector<16xf32>,
      tpu.vector_store %arg11[%swap3A_1354, %swap3A_1355], %gather3A_1353 {strides = array<i32>} : memref<64x128xf32, #tpu.memory_space<vmem>>, vector<16xf32>,
      %broadcast_in_dim3A_1357 = vector.broadcast %rem3A_1330 : i32 to vector<16xi32>
      %add3A_1358 = arith.constant 32 : i32
      %add3A_1359 = vector.broadcast %add3A_1358 : i32 to vector<16xi32>
      %add3A_1360 = arith.addi %iota3A_1331, %add3A_1359 : vector<16xi32>
      %gather3A_1361 = arith.constant 4 : i32
      %gather3A_1362 = arith.constant 0 : i32
      %gather3A_1363 = arith.constant 0 : i32
      %gather3A_1364 = tpu.memref_slice %arg12[%gather3A_1361, %gather3A_1362, %gather3A_1363] : memref<6x128x128xf32, #tpu.memory_space<vmem>> -> memref<1x128x128xf32, #tpu.memory_space<vmem>>
      %gather3A_1365 = tpu.memref_squeeze %gather3A_1364 : memref<1x128x128xf32, #tpu.memory_space<vmem>> -> memref<128x128xf32, #tpu.memory_space<vmem>>
      %gather3A_1366 = tpu.vector_load_idx %gather3A_1365[%add3A_1360, %broadcast_in_dim3A_1357] : memref<128x128xf32, #tpu.memory_space<vmem>>[vector<16xi32>, vector<16xi32>], vector<16xf32>,
      %swap3A_1367 = arith.index_cast %rem3A_1326 : i32 to index
      %swap3A_1368 = arith.constant 32 : index
      %swap3A_1369 = tpu.vector_load %arg11[%swap3A_1367, %swap3A_1368] {strides = array<i32>} : memref<64x128xf32, #tpu.memory_space<vmem>>, vector<16xf32>,
      tpu.vector_store %arg11[%swap3A_1367, %swap3A_1368], %gather3A_1366 {strides = array<i32>} : memref<64x128xf32, #tpu.memory_space<vmem>>, vector<16xf32>,
      %add3A_1370 = arith.constant 48 : i32
      %add3A_1371 = vector.broadcast %add3A_1370 : i32 to vector<16xi32>
      %add3A_1372 = arith.addi %iota3A_1331, %add3A_1371 : vector<16xi32>
      %gather3A_1373 = arith.constant 4 : i32
      %gather3A_1374 = arith.constant 0 : i32
      %gather3A_1375 = arith.constant 0 : i32
      %gather3A_1376 = tpu.memref_slice %arg12[%gather3A_1373, %gather3A_1374, %gather3A_1375] : memref<6x128x128xf32, #tpu.memory_space<vmem>> -> memref<1x128x128xf32, #tpu.memory_space<vmem>>
      %gather3A_1377 = tpu.memref_squeeze %gather3A_1376 : memref<1x128x128xf32, #tpu.memory_space<vmem>> -> memref<128x128xf32, #tpu.memory_space<vmem>>
      %gather3A_1378 = tpu.vector_load_idx %gather3A_1377[%add3A_1372, %broadcast_in_dim3A_1357] : memref<128x128xf32, #tpu.memory_space<vmem>>[vector<16xi32>, vector<16xi32>], vector<16xf32>,
      %swap3A_1379 = arith.index_cast %rem3A_1326 : i32 to index
      %swap3A_1380 = arith.constant 48 : index
      %swap3A_1381 = tpu.vector_load %arg11[%swap3A_1379, %swap3A_1380] {strides = array<i32>} : memref<64x128xf32, #tpu.memory_space<vmem>>, vector<16xf32>,
      tpu.vector_store %arg11[%swap3A_1379, %swap3A_1380], %gather3A_1378 {strides = array<i32>} : memref<64x128xf32, #tpu.memory_space<vmem>>, vector<16xf32>,
      %broadcast_in_dim3A_1382 = vector.broadcast %rem3A_1328 : i32 to vector<16xi32>
      %add3A_1383 = arith.constant 64 : i32
      %add3A_1384 = vector.broadcast %add3A_1383 : i32 to vector<16xi32>
      %add3A_1385 = arith.addi %iota3A_1331, %add3A_1384 : vector<16xi32>
      %gather3A_1386 = arith.constant 4 : i32
      %gather3A_1387 = arith.constant 0 : i32
      %gather3A_1388 = arith.constant 0 : i32
      %gather3A_1389 = tpu.memref_slice %arg12[%gather3A_1386, %gather3A_1387, %gather3A_1388] : memref<6x128x128xf32, #tpu.memory_space<vmem>> -> memref<1x128x128xf32, #tpu.memory_space<vmem>>
      %gather3A_1390 = tpu.memref_squeeze %gather3A_1389 : memref<1x128x128xf32, #tpu.memory_space<vmem>> -> memref<128x128xf32, #tpu.memory_space<vmem>>
      %gather3A_1391 = tpu.vector_load_idx %gather3A_1390[%add3A_1385, %broadcast_in_dim3A_1382] : memref<128x128xf32, #tpu.memory_space<vmem>>[vector<16xi32>, vector<16xi32>], vector<16xf32>,
      %swap3A_1392 = arith.index_cast %rem3A_1326 : i32 to index
      %swap3A_1393 = arith.constant 64 : index
      %swap3A_1394 = tpu.vector_load %arg11[%swap3A_1392, %swap3A_1393] {strides = array<i32>} : memref<64x128xf32, #tpu.memory_space<vmem>>, vector<16xf32>,
      tpu.vector_store %arg11[%swap3A_1392, %swap3A_1393], %gather3A_1391 {strides = array<i32>} : memref<64x128xf32, #tpu.memory_space<vmem>>, vector<16xf32>,
      %add3A_1395 = arith.constant 80 : i32
      %add3A_1396 = vector.broadcast %add3A_1395 : i32 to vector<16xi32>
      %add3A_1397 = arith.addi %iota3A_1331, %add3A_1396 : vector<16xi32>
      %gather3A_1398 = arith.constant 4 : i32
      %gather3A_1399 = arith.constant 0 : i32
      %gather3A_1400 = arith.constant 0 : i32
      %gather3A_1401 = tpu.memref_slice %arg12[%gather3A_1398, %gather3A_1399, %gather3A_1400] : memref<6x128x128xf32, #tpu.memory_space<vmem>> -> memref<1x128x128xf32, #tpu.memory_space<vmem>>
      %gather3A_1402 = tpu.memref_squeeze %gather3A_1401 : memref<1x128x128xf32, #tpu.memory_space<vmem>> -> memref<128x128xf32, #tpu.memory_space<vmem>>
      %gather3A_1403 = tpu.vector_load_idx %gather3A_1402[%add3A_1397, %broadcast_in_dim3A_1382] : memref<128x128xf32, #tpu.memory_space<vmem>>[vector<16xi32>, vector<16xi32>], vector<16xf32>,
      %swap3A_1404 = arith.index_cast %rem3A_1326 : i32 to index
      %swap3A_1405 = arith.constant 80 : index
      %swap3A_1406 = tpu.vector_load %arg11[%swap3A_1404, %swap3A_1405] {strides = array<i32>} : memref<64x128xf32, #tpu.memory_space<vmem>>, vector<16xf32>,
      tpu.vector_store %arg11[%swap3A_1404, %swap3A_1405], %gather3A_1403 {strides = array<i32>} : memref<64x128xf32, #tpu.memory_space<vmem>>, vector<16xf32>,
      %broadcast_in_dim3A_1407 = vector.broadcast %rem3A_1330 : i32 to vector<16xi32>
      %add3A_1408 = arith.constant 96 : i32
      %add3A_1409 = vector.broadcast %add3A_1408 : i32 to vector<16xi32>
      %add3A_1410 = arith.addi %iota3A_1331, %add3A_1409 : vector<16xi32>
      %gather3A_1411 = arith.constant 4 : i32
      %gather3A_1412 = arith.constant 0 : i32
      %gather3A_1413 = arith.constant 0 : i32
      %gather3A_1414 = tpu.memref_slice %arg12[%gather3A_1411, %gather3A_1412, %gather3A_1413] : memref<6x128x128xf32, #tpu.memory_space<vmem>> -> memref<1x128x128xf32, #tpu.memory_space<vmem>>
      %gather3A_1415 = tpu.memref_squeeze %gather3A_1414 : memref<1x128x128xf32, #tpu.memory_space<vmem>> -> memref<128x128xf32, #tpu.memory_space<vmem>>
      %gather3A_1416 = tpu.vector_load_idx %gather3A_1415[%add3A_1410, %broadcast_in_dim3A_1407] : memref<128x128xf32, #tpu.memory_space<vmem>>[vector<16xi32>, vector<16xi32>], vector<16xf32>,
      %swap3A_1417 = arith.index_cast %rem3A_1326 : i32 to index
      %swap3A_1418 = arith.constant 96 : index
      %swap3A_1419 = tpu.vector_load %arg11[%swap3A_1417, %swap3A_1418] {strides = array<i32>} : memref<64x128xf32, #tpu.memory_space<vmem>>, vector<16xf32>,
      tpu.vector_store %arg11[%swap3A_1417, %swap3A_1418], %gather3A_1416 {strides = array<i32>} : memref<64x128xf32, #tpu.memory_space<vmem>>, vector<16xf32>,
      %add3A_1420 = arith.constant 112 : i32
      %add3A_1421 = vector.broadcast %add3A_1420 : i32 to vector<16xi32>
      %add3A_1422 = arith.addi %iota3A_1331, %add3A_1421 : vector<16xi32>
      %gather3A_1423 = arith.constant 4 : i32
      %gather3A_1424 = arith.constant 0 : i32
      %gather3A_1425 = arith.constant 0 : i32
      %gather3A_1426 = tpu.memref_slice %arg12[%gather3A_1423, %gather3A_1424, %gather3A_1425] : memref<6x128x128xf32, #tpu.memory_space<vmem>> -> memref<1x128x128xf32, #tpu.memory_space<vmem>>
      %gather3A_1427 = tpu.memref_squeeze %gather3A_1426 : memref<1x128x128xf32, #tpu.memory_space<vmem>> -> memref<128x128xf32, #tpu.memory_space<vmem>>
      %gather3A_1428 = tpu.vector_load_idx %gather3A_1427[%add3A_1422, %broadcast_in_dim3A_1407] : memref<128x128xf32, #tpu.memory_space<vmem>>[vector<16xi32>, vector<16xi32>], vector<16xf32>,
      %swap3A_1429 = arith.index_cast %rem3A_1326 : i32 to index
      %swap3A_1430 = arith.constant 112 : index
      %swap3A_1431 = tpu.vector_load %arg11[%swap3A_1429, %swap3A_1430] {strides = array<i32>} : memref<64x128xf32, #tpu.memory_space<vmem>>, vector<16xf32>,
      tpu.vector_store %arg11[%swap3A_1429, %swap3A_1430], %gather3A_1428 {strides = array<i32>} : memref<64x128xf32, #tpu.memory_space<vmem>>, vector<16xf32>,
      %rem3A_1432 = arith.constant 64 : i32
      %rem3A_1433 = arith.remsi %add3A_1293, %rem3A_1432 : i32
      %eq3A_1434 = arith.constant 63 : i32
      %eq3A_1435 = arith.cmpi eq, %rem3A_1433, %eq3A_1434 : i32
      %convert_element_type3A_1436 = arith.extui %eq3A_1435 : i1 to i32
      %cond3A_1437 = arith.constant 0 : i32
      %cond3A_1438 = arith.cmpi ne, %convert_element_type3A_1436, %cond3A_1437 : i32
      scf.if %cond3A_1438 {
        %sub3A_1586 = arith.constant 63 : i32
        %sub3A_1587 = arith.subi %add3A_1293, %sub3A_1586 : i32
        %add3A_1588 = arith.addi %mul3A_2, %sub3A_1587 : i32
        %multiple_of3A_1589 = tpu.assume_multiple %add3A_1588, 64 : i32
        "tpu.region"() ({
          %run_scoped3A = tpu.sem_alloc : memref<!tpu.dma_semaphore, #tpu.memory_space<semaphore_mem>>
          %dma_start3A_1590 = arith.constant 0 : i32
          %dma_start3A_1591 = tpu.memref_slice %arg8[%multiple_of3A_1589, %dma_start3A_1590] : memref<16384x128xf32, #tpu.memory_space<hbm>> -> memref<64x128xf32, #tpu.memory_space<hbm>>
          %dma_start3A_1592 = arith.constant 0 : i32
          %dma_start3A_1593 = tpu.memref_slice %arg8[%multiple_of3A_1589, %dma_start3A_1592] : memref<16384x128xf32, #tpu.memory_space<hbm>> -> memref<64x128xf32, #tpu.memory_space<hbm>>
          tpu.enqueue_dma source(%arg11 : memref<64x128xf32, #tpu.memory_space<vmem>>) target(%dma_start3A_1593 : memref<64x128xf32, #tpu.memory_space<hbm>>) target_semaphore(%run_scoped3A : memref<!tpu.dma_semaphore, #tpu.memory_space<semaphore_mem>>)
          %dma_wait3A_1594 = arith.constant 0 : i32
          %dma_wait3A_1595 = tpu.memref_slice %arg8[%multiple_of3A_1589, %dma_wait3A_1594] : memref<16384x128xf32, #tpu.memory_space<hbm>> -> memref<64x128xf32, #tpu.memory_space<hbm>>
          %dma_wait3A_1596 = arith.constant 0 : i32
          %dma_wait3A_1597 = tpu.memref_slice %arg8[%multiple_of3A_1589, %dma_wait3A_1596] : memref<16384x128xf32, #tpu.memory_space<hbm>> -> memref<64x128xf32, #tpu.memory_space<hbm>>
          tpu.wait_dma2 semaphore(%run_scoped3A : memref<!tpu.dma_semaphore, #tpu.memory_space<semaphore_mem>>) src(%arg11 : memref<64x128xf32, #tpu.memory_space<vmem>>) dst(%dma_wait3A_1597 : memref<64x128xf32, #tpu.memory_space<hbm>>)
          tpu.yield
        }) : () -> ()
      } else {
      }
      %add3A_1439 = arith.constant 5 : i32
      %add3A_1440 = arith.addi %mul3A_698, %add3A_1439 : i32
      %add3A_1441 = arith.constant 6 : i32
      %add3A_1442 = arith.addi %add3A_1440, %add3A_1441 : i32
      %sub3A_1443 = arith.constant 1 : i32
      %sub3A_1444 = arith.subi %add3A_1442, %sub3A_1443 : i32
      %lt3A_1445 = arith.constant 512 : i32
      %lt3A_1446 = arith.cmpi slt, %sub3A_1444, %lt3A_1445 : i32
      %convert_element_type3A_1447 = arith.extui %lt3A_1446 : i1 to i32
      %cond3A_1448 = arith.constant 0 : i32
      %cond3A_1449 = arith.cmpi ne, %convert_element_type3A_1447, %cond3A_1448 : i32
      scf.if %cond3A_1449 {
        %slice3A_1586 = vector.extract_strided_slice %gather3A_703 {offsets = [10], sizes = [1], strides = [1]} : vector<16xi32> to vector<1xi32>
        %squeeze3A_1587 = vector.extract %slice3A_1586[0] : i32 from vector<1xi32>
        %slice3A_1588 = vector.extract_strided_slice %gather3A_704 {offsets = [10], sizes = [1], strides = [1]} : vector<16xi32> to vector<1xi32>
        %squeeze3A_1589 = vector.extract %slice3A_1588[0] : i32 from vector<1xi32>
        %rem3A_1590 = arith.constant 128 : i32
        %rem3A_1591 = arith.remsi %squeeze3A_1587, %rem3A_1590 : i32
        %sub3A_1592 = arith.subi %squeeze3A_1587, %rem3A_1591 : i32
        %multiple_of3A_1593 = tpu.assume_multiple %sub3A_1592, 128 : i32
        %rem3A_1594 = arith.constant 128 : i32
        %rem3A_1595 = arith.remsi %squeeze3A_1589, %rem3A_1594 : i32
        %sub3A_1596 = arith.subi %squeeze3A_1589, %rem3A_1595 : i32
        %multiple_of3A_1597 = tpu.assume_multiple %sub3A_1596, 128 : i32
        %dma_start3A_1598 = arith.constant 4 : i32
        %dma_start3A_1599 = arith.constant 4 : i32
        %dma_start3A_1600 = arith.constant 0 : i32
        %dma_start3A_1601 = arith.constant 0 : i32
        %dma_start3A_1602 = tpu.memref_slice %arg12[%dma_start3A_1598, %dma_start3A_1600, %dma_start3A_1601] : memref<6x128x128xf32, #tpu.memory_space<vmem>> -> memref<1x32x128xf32, #tpu.memory_space<vmem>>
        %dma_start3A_1603 = tpu.memref_squeeze %dma_start3A_1602 : memref<1x32x128xf32, #tpu.memory_space<vmem>> -> memref<32x128xf32, #tpu.memory_space<vmem>>
        %dma_start3A_1604 = arith.constant 0 : i32
        %dma_start3A_1605 = tpu.memref_slice %arg2[%dma_start3A_1604, %multiple_of3A_1593] : memref<32x1000000xf32, #tpu.memory_space<hbm>> -> memref<32x128xf32, #tpu.memory_space<hbm>>
        %dma_start3A_1606 = tpu.memref_slice %arg13[%dma_start3A_1599] : memref<6x!tpu.dma_semaphore, #tpu.memory_space<semaphore_mem>> -> memref<1x!tpu.dma_semaphore, #tpu.memory_space<semaphore_mem>>
        %dma_start3A_1607 = tpu.memref_squeeze %dma_start3A_1606 : memref<1x!tpu.dma_semaphore, #tpu.memory_space<semaphore_mem>> -> memref<!tpu.dma_semaphore, #tpu.memory_space<semaphore_mem>>
        %dma_start3A_1608 = arith.constant 0 : i32
        %dma_start3A_1609 = arith.constant 0 : i32
        %dma_start3A_1610 = tpu.memref_slice %arg12[%dma_start3A_1598, %dma_start3A_1608, %dma_start3A_1609] : memref<6x128x128xf32, #tpu.memory_space<vmem>> -> memref<1x32x128xf32, #tpu.memory_space<vmem>>
        %dma_start3A_1611 = tpu.memref_squeeze %dma_start3A_1610 : memref<1x32x128xf32, #tpu.memory_space<vmem>> -> memref<32x128xf32, #tpu.memory_space<vmem>>
        %dma_start3A_1612 = arith.constant 0 : i32
        %dma_start3A_1613 = tpu.memref_slice %arg2[%dma_start3A_1612, %multiple_of3A_1593] : memref<32x1000000xf32, #tpu.memory_space<hbm>> -> memref<32x128xf32, #tpu.memory_space<hbm>>
        tpu.enqueue_dma source(%dma_start3A_1613 : memref<32x128xf32, #tpu.memory_space<hbm>>) target(%dma_start3A_1611 : memref<32x128xf32, #tpu.memory_space<vmem>>) target_semaphore(%dma_start3A_1607 : memref<!tpu.dma_semaphore, #tpu.memory_space<semaphore_mem>>)
        %dma_start3A_1614 = arith.constant 4 : i32
        %dma_start3A_1615 = arith.constant 4 : i32
        %dma_start3A_1616 = arith.constant 32 : i32
        %dma_start3A_1617 = arith.constant 0 : i32
        %dma_start3A_1618 = tpu.memref_slice %arg12[%dma_start3A_1614, %dma_start3A_1616, %dma_start3A_1617] : memref<6x128x128xf32, #tpu.memory_space<vmem>> -> memref<1x32x128xf32, #tpu.memory_space<vmem>>
        %dma_start3A_1619 = tpu.memref_squeeze %dma_start3A_1618 : memref<1x32x128xf32, #tpu.memory_space<vmem>> -> memref<32x128xf32, #tpu.memory_space<vmem>>
        %dma_start3A_1620 = arith.constant 0 : i32
        %dma_start3A_1621 = tpu.memref_slice %arg3[%dma_start3A_1620, %multiple_of3A_1597] : memref<32x1000000xf32, #tpu.memory_space<hbm>> -> memref<32x128xf32, #tpu.memory_space<hbm>>
        %dma_start3A_1622 = tpu.memref_slice %arg13[%dma_start3A_1615] : memref<6x!tpu.dma_semaphore, #tpu.memory_space<semaphore_mem>> -> memref<1x!tpu.dma_semaphore, #tpu.memory_space<semaphore_mem>>
        %dma_start3A_1623 = tpu.memref_squeeze %dma_start3A_1622 : memref<1x!tpu.dma_semaphore, #tpu.memory_space<semaphore_mem>> -> memref<!tpu.dma_semaphore, #tpu.memory_space<semaphore_mem>>
        %dma_start3A_1624 = arith.constant 32 : i32
        %dma_start3A_1625 = arith.constant 0 : i32
        %dma_start3A_1626 = tpu.memref_slice %arg12[%dma_start3A_1614, %dma_start3A_1624, %dma_start3A_1625] : memref<6x128x128xf32, #tpu.memory_space<vmem>> -> memref<1x32x128xf32, #tpu.memory_space<vmem>>
        %dma_start3A_1627 = tpu.memref_squeeze %dma_start3A_1626 : memref<1x32x128xf32, #tpu.memory_space<vmem>> -> memref<32x128xf32, #tpu.memory_space<vmem>>
        %dma_start3A_1628 = arith.constant 0 : i32
        %dma_start3A_1629 = tpu.memref_slice %arg3[%dma_start3A_1628, %multiple_of3A_1597] : memref<32x1000000xf32, #tpu.memory_space<hbm>> -> memref<32x128xf32, #tpu.memory_space<hbm>>
        tpu.enqueue_dma source(%dma_start3A_1629 : memref<32x128xf32, #tpu.memory_space<hbm>>) target(%dma_start3A_1627 : memref<32x128xf32, #tpu.memory_space<vmem>>) target_semaphore(%dma_start3A_1623 : memref<!tpu.dma_semaphore, #tpu.memory_space<semaphore_mem>>)
        %dma_start3A_1630 = arith.constant 4 : i32
        %dma_start3A_1631 = arith.constant 4 : i32
        %dma_start3A_1632 = arith.constant 64 : i32
        %dma_start3A_1633 = arith.constant 0 : i32
        %dma_start3A_1634 = tpu.memref_slice %arg12[%dma_start3A_1630, %dma_start3A_1632, %dma_start3A_1633] : memref<6x128x128xf32, #tpu.memory_space<vmem>> -> memref<1x32x128xf32, #tpu.memory_space<vmem>>
        %dma_start3A_1635 = tpu.memref_squeeze %dma_start3A_1634 : memref<1x32x128xf32, #tpu.memory_space<vmem>> -> memref<32x128xf32, #tpu.memory_space<vmem>>
        %dma_start3A_1636 = arith.constant 0 : i32
        %dma_start3A_1637 = tpu.memref_slice %arg4[%dma_start3A_1636, %multiple_of3A_1593] : memref<32x1000000xf32, #tpu.memory_space<hbm>> -> memref<32x128xf32, #tpu.memory_space<hbm>>
        %dma_start3A_1638 = tpu.memref_slice %arg13[%dma_start3A_1631] : memref<6x!tpu.dma_semaphore, #tpu.memory_space<semaphore_mem>> -> memref<1x!tpu.dma_semaphore, #tpu.memory_space<semaphore_mem>>
        %dma_start3A_1639 = tpu.memref_squeeze %dma_start3A_1638 : memref<1x!tpu.dma_semaphore, #tpu.memory_space<semaphore_mem>> -> memref<!tpu.dma_semaphore, #tpu.memory_space<semaphore_mem>>
        %dma_start3A_1640 = arith.constant 64 : i32
        %dma_start3A_1641 = arith.constant 0 : i32
        %dma_start3A_1642 = tpu.memref_slice %arg12[%dma_start3A_1630, %dma_start3A_1640, %dma_start3A_1641] : memref<6x128x128xf32, #tpu.memory_space<vmem>> -> memref<1x32x128xf32, #tpu.memory_space<vmem>>
        %dma_start3A_1643 = tpu.memref_squeeze %dma_start3A_1642 : memref<1x32x128xf32, #tpu.memory_space<vmem>> -> memref<32x128xf32, #tpu.memory_space<vmem>>
        %dma_start3A_1644 = arith.constant 0 : i32
        %dma_start3A_1645 = tpu.memref_slice %arg4[%dma_start3A_1644, %multiple_of3A_1593] : memref<32x1000000xf32, #tpu.memory_space<hbm>> -> memref<32x128xf32, #tpu.memory_space<hbm>>
        tpu.enqueue_dma source(%dma_start3A_1645 : memref<32x128xf32, #tpu.memory_space<hbm>>) target(%dma_start3A_1643 : memref<32x128xf32, #tpu.memory_space<vmem>>) target_semaphore(%dma_start3A_1639 : memref<!tpu.dma_semaphore, #tpu.memory_space<semaphore_mem>>)
        %dma_start3A_1646 = arith.constant 4 : i32
        %dma_start3A_1647 = arith.constant 4 : i32
        %dma_start3A_1648 = arith.constant 96 : i32
        %dma_start3A_1649 = arith.constant 0 : i32
        %dma_start3A_1650 = tpu.memref_slice %arg12[%dma_start3A_1646, %dma_start3A_1648, %dma_start3A_1649] : memref<6x128x128xf32, #tpu.memory_space<vmem>> -> memref<1x32x128xf32, #tpu.memory_space<vmem>>
        %dma_start3A_1651 = tpu.memref_squeeze %dma_start3A_1650 : memref<1x32x128xf32, #tpu.memory_space<vmem>> -> memref<32x128xf32, #tpu.memory_space<vmem>>
        %dma_start3A_1652 = arith.constant 0 : i32
        %dma_start3A_1653 = tpu.memref_slice %arg5[%dma_start3A_1652, %multiple_of3A_1597] : memref<32x1000000xf32, #tpu.memory_space<hbm>> -> memref<32x128xf32, #tpu.memory_space<hbm>>
        %dma_start3A_1654 = tpu.memref_slice %arg13[%dma_start3A_1647] : memref<6x!tpu.dma_semaphore, #tpu.memory_space<semaphore_mem>> -> memref<1x!tpu.dma_semaphore, #tpu.memory_space<semaphore_mem>>
        %dma_start3A_1655 = tpu.memref_squeeze %dma_start3A_1654 : memref<1x!tpu.dma_semaphore, #tpu.memory_space<semaphore_mem>> -> memref<!tpu.dma_semaphore, #tpu.memory_space<semaphore_mem>>
        %dma_start3A_1656 = arith.constant 96 : i32
        %dma_start3A_1657 = arith.constant 0 : i32
        %dma_start3A_1658 = tpu.memref_slice %arg12[%dma_start3A_1646, %dma_start3A_1656, %dma_start3A_1657] : memref<6x128x128xf32, #tpu.memory_space<vmem>> -> memref<1x32x128xf32, #tpu.memory_space<vmem>>
        %dma_start3A_1659 = tpu.memref_squeeze %dma_start3A_1658 : memref<1x32x128xf32, #tpu.memory_space<vmem>> -> memref<32x128xf32, #tpu.memory_space<vmem>>
        %dma_start3A_1660 = arith.constant 0 : i32
        %dma_start3A_1661 = tpu.memref_slice %arg5[%dma_start3A_1660, %multiple_of3A_1597] : memref<32x1000000xf32, #tpu.memory_space<hbm>> -> memref<32x128xf32, #tpu.memory_space<hbm>>
        tpu.enqueue_dma source(%dma_start3A_1661 : memref<32x128xf32, #tpu.memory_space<hbm>>) target(%dma_start3A_1659 : memref<32x128xf32, #tpu.memory_space<vmem>>) target_semaphore(%dma_start3A_1655 : memref<!tpu.dma_semaphore, #tpu.memory_space<semaphore_mem>>)
      } else {
      }
      %slice3A_1450 = vector.extract_strided_slice %gather3A_703 {offsets = [5], sizes = [1], strides = [1]} : vector<16xi32> to vector<1xi32>
      %squeeze3A_1451 = vector.extract %slice3A_1450[0] : i32 from vector<1xi32>
      %slice3A_1452 = vector.extract_strided_slice %gather3A_704 {offsets = [5], sizes = [1], strides = [1]} : vector<16xi32> to vector<1xi32>
      %squeeze3A_1453 = vector.extract %slice3A_1452[0] : i32 from vector<1xi32>
      %dma_wait3A_1454 = arith.constant 5 : i32
      %dma_wait3A_1455 = arith.constant 5 : i32
      %dma_wait3A_1456 = arith.constant 0 : i32
      %dma_wait3A_1457 = arith.constant 0 : i32
      %dma_wait3A_1458 = tpu.memref_slice %arg12[%dma_wait3A_1454, %dma_wait3A_1456, %dma_wait3A_1457] : memref<6x128x128xf32, #tpu.memory_space<vmem>> -> memref<1x128x128xf32, #tpu.memory_space<vmem>>
      %dma_wait3A_1459 = tpu.memref_squeeze %dma_wait3A_1458 : memref<1x128x128xf32, #tpu.memory_space<vmem>> -> memref<128x128xf32, #tpu.memory_space<vmem>>
      %dma_wait3A_1460 = arith.constant 0 : i32
      %dma_wait3A_1461 = arith.constant 0 : i32
      %dma_wait3A_1462 = tpu.memref_slice %arg8[%dma_wait3A_1460, %dma_wait3A_1461] : memref<16384x128xf32, #tpu.memory_space<hbm>> -> memref<128x128xf32, #tpu.memory_space<hbm>>
      %dma_wait3A_1463 = tpu.memref_slice %arg13[%dma_wait3A_1455] : memref<6x!tpu.dma_semaphore, #tpu.memory_space<semaphore_mem>> -> memref<1x!tpu.dma_semaphore, #tpu.memory_space<semaphore_mem>>
      %dma_wait3A_1464 = tpu.memref_squeeze %dma_wait3A_1463 : memref<1x!tpu.dma_semaphore, #tpu.memory_space<semaphore_mem>> -> memref<!tpu.dma_semaphore, #tpu.memory_space<semaphore_mem>>
      %dma_wait3A_1465 = arith.constant 0 : i32
      %dma_wait3A_1466 = arith.constant 0 : i32
      %dma_wait3A_1467 = tpu.memref_slice %arg12[%dma_wait3A_1454, %dma_wait3A_1465, %dma_wait3A_1466] : memref<6x128x128xf32, #tpu.memory_space<vmem>> -> memref<1x128x128xf32, #tpu.memory_space<vmem>>
      %dma_wait3A_1468 = tpu.memref_squeeze %dma_wait3A_1467 : memref<1x128x128xf32, #tpu.memory_space<vmem>> -> memref<128x128xf32, #tpu.memory_space<vmem>>
      %dma_wait3A_1469 = arith.constant 0 : i32
      %dma_wait3A_1470 = arith.constant 0 : i32
      %dma_wait3A_1471 = tpu.memref_slice %arg8[%dma_wait3A_1469, %dma_wait3A_1470] : memref<16384x128xf32, #tpu.memory_space<hbm>> -> memref<128x128xf32, #tpu.memory_space<hbm>>
      tpu.wait_dma2 semaphore(%dma_wait3A_1464 : memref<!tpu.dma_semaphore, #tpu.memory_space<semaphore_mem>>) src(%dma_wait3A_1471 : memref<128x128xf32, #tpu.memory_space<hbm>>) dst(%dma_wait3A_1468 : memref<128x128xf32, #tpu.memory_space<vmem>>)
      %rem3A_1472 = arith.constant 64 : i32
      %rem3A_1473 = arith.remsi %add3A_1440, %rem3A_1472 : i32
      %rem3A_1474 = arith.constant 128 : i32
      %rem3A_1475 = arith.remsi %squeeze3A_1451, %rem3A_1474 : i32
      %rem3A_1476 = arith.constant 128 : i32
      %rem3A_1477 = arith.remsi %squeeze3A_1453, %rem3A_1476 : i32
      %iota3A_1478 = tpu.iota {dimensions = array<i32: 0>} : vector<16xi32>
      %broadcast_in_dim3A_1479 = vector.broadcast %rem3A_1475 : i32 to vector<16xi32>
      %add3A_1480 = arith.constant 0 : i32
      %add3A_1481 = vector.broadcast %add3A_1480 : i32 to vector<16xi32>
      %add3A_1482 = arith.addi %iota3A_1478, %add3A_1481 : vector<16xi32>
      %gather3A_1483 = arith.constant 5 : i32
      %gather3A_1484 = arith.constant 0 : i32
      %gather3A_1485 = arith.constant 0 : i32
      %gather3A_1486 = tpu.memref_slice %arg12[%gather3A_1483, %gather3A_1484, %gather3A_1485] : memref<6x128x128xf32, #tpu.memory_space<vmem>> -> memref<1x128x128xf32, #tpu.memory_space<vmem>>
      %gather3A_1487 = tpu.memref_squeeze %gather3A_1486 : memref<1x128x128xf32, #tpu.memory_space<vmem>> -> memref<128x128xf32, #tpu.memory_space<vmem>>
      %gather3A_1488 = tpu.vector_load_idx %gather3A_1487[%add3A_1482, %broadcast_in_dim3A_1479] : memref<128x128xf32, #tpu.memory_space<vmem>>[vector<16xi32>, vector<16xi32>], vector<16xf32>,
      %swap3A_1489 = arith.index_cast %rem3A_1473 : i32 to index
      %swap3A_1490 = arith.constant 0 : index
      %swap3A_1491 = tpu.vector_load %arg11[%swap3A_1489, %swap3A_1490] {strides = array<i32>} : memref<64x128xf32, #tpu.memory_space<vmem>>, vector<16xf32>,
      tpu.vector_store %arg11[%swap3A_1489, %swap3A_1490], %gather3A_1488 {strides = array<i32>} : memref<64x128xf32, #tpu.memory_space<vmem>>, vector<16xf32>,
      %add3A_1492 = arith.constant 16 : i32
      %add3A_1493 = vector.broadcast %add3A_1492 : i32 to vector<16xi32>
      %add3A_1494 = arith.addi %iota3A_1478, %add3A_1493 : vector<16xi32>
      %gather3A_1495 = arith.constant 5 : i32
      %gather3A_1496 = arith.constant 0 : i32
      %gather3A_1497 = arith.constant 0 : i32
      %gather3A_1498 = tpu.memref_slice %arg12[%gather3A_1495, %gather3A_1496, %gather3A_1497] : memref<6x128x128xf32, #tpu.memory_space<vmem>> -> memref<1x128x128xf32, #tpu.memory_space<vmem>>
      %gather3A_1499 = tpu.memref_squeeze %gather3A_1498 : memref<1x128x128xf32, #tpu.memory_space<vmem>> -> memref<128x128xf32, #tpu.memory_space<vmem>>
      %gather3A_1500 = tpu.vector_load_idx %gather3A_1499[%add3A_1494, %broadcast_in_dim3A_1479] : memref<128x128xf32, #tpu.memory_space<vmem>>[vector<16xi32>, vector<16xi32>], vector<16xf32>,
      %swap3A_1501 = arith.index_cast %rem3A_1473 : i32 to index
      %swap3A_1502 = arith.constant 16 : index
      %swap3A_1503 = tpu.vector_load %arg11[%swap3A_1501, %swap3A_1502] {strides = array<i32>} : memref<64x128xf32, #tpu.memory_space<vmem>>, vector<16xf32>,
      tpu.vector_store %arg11[%swap3A_1501, %swap3A_1502], %gather3A_1500 {strides = array<i32>} : memref<64x128xf32, #tpu.memory_space<vmem>>, vector<16xf32>,
      %broadcast_in_dim3A_1504 = vector.broadcast %rem3A_1477 : i32 to vector<16xi32>
      %add3A_1505 = arith.constant 32 : i32
      %add3A_1506 = vector.broadcast %add3A_1505 : i32 to vector<16xi32>
      %add3A_1507 = arith.addi %iota3A_1478, %add3A_1506 : vector<16xi32>
      %gather3A_1508 = arith.constant 5 : i32
      %gather3A_1509 = arith.constant 0 : i32
      %gather3A_1510 = arith.constant 0 : i32
      %gather3A_1511 = tpu.memref_slice %arg12[%gather3A_1508, %gather3A_1509, %gather3A_1510] : memref<6x128x128xf32, #tpu.memory_space<vmem>> -> memref<1x128x128xf32, #tpu.memory_space<vmem>>
      %gather3A_1512 = tpu.memref_squeeze %gather3A_1511 : memref<1x128x128xf32, #tpu.memory_space<vmem>> -> memref<128x128xf32, #tpu.memory_space<vmem>>
      %gather3A_1513 = tpu.vector_load_idx %gather3A_1512[%add3A_1507, %broadcast_in_dim3A_1504] : memref<128x128xf32, #tpu.memory_space<vmem>>[vector<16xi32>, vector<16xi32>], vector<16xf32>,
      %swap3A_1514 = arith.index_cast %rem3A_1473 : i32 to index
      %swap3A_1515 = arith.constant 32 : index
      %swap3A_1516 = tpu.vector_load %arg11[%swap3A_1514, %swap3A_1515] {strides = array<i32>} : memref<64x128xf32, #tpu.memory_space<vmem>>, vector<16xf32>,
      tpu.vector_store %arg11[%swap3A_1514, %swap3A_1515], %gather3A_1513 {strides = array<i32>} : memref<64x128xf32, #tpu.memory_space<vmem>>, vector<16xf32>,
      %add3A_1517 = arith.constant 48 : i32
      %add3A_1518 = vector.broadcast %add3A_1517 : i32 to vector<16xi32>
      %add3A_1519 = arith.addi %iota3A_1478, %add3A_1518 : vector<16xi32>
      %gather3A_1520 = arith.constant 5 : i32
      %gather3A_1521 = arith.constant 0 : i32
      %gather3A_1522 = arith.constant 0 : i32
      %gather3A_1523 = tpu.memref_slice %arg12[%gather3A_1520, %gather3A_1521, %gather3A_1522] : memref<6x128x128xf32, #tpu.memory_space<vmem>> -> memref<1x128x128xf32, #tpu.memory_space<vmem>>
      %gather3A_1524 = tpu.memref_squeeze %gather3A_1523 : memref<1x128x128xf32, #tpu.memory_space<vmem>> -> memref<128x128xf32, #tpu.memory_space<vmem>>
      %gather3A_1525 = tpu.vector_load_idx %gather3A_1524[%add3A_1519, %broadcast_in_dim3A_1504] : memref<128x128xf32, #tpu.memory_space<vmem>>[vector<16xi32>, vector<16xi32>], vector<16xf32>,
      %swap3A_1526 = arith.index_cast %rem3A_1473 : i32 to index
      %swap3A_1527 = arith.constant 48 : index
      %swap3A_1528 = tpu.vector_load %arg11[%swap3A_1526, %swap3A_1527] {strides = array<i32>} : memref<64x128xf32, #tpu.memory_space<vmem>>, vector<16xf32>,
      tpu.vector_store %arg11[%swap3A_1526, %swap3A_1527], %gather3A_1525 {strides = array<i32>} : memref<64x128xf32, #tpu.memory_space<vmem>>, vector<16xf32>,
      %broadcast_in_dim3A_1529 = vector.broadcast %rem3A_1475 : i32 to vector<16xi32>
      %add3A_1530 = arith.constant 64 : i32
      %add3A_1531 = vector.broadcast %add3A_1530 : i32 to vector<16xi32>
      %add3A_1532 = arith.addi %iota3A_1478, %add3A_1531 : vector<16xi32>
      %gather3A_1533 = arith.constant 5 : i32
      %gather3A_1534 = arith.constant 0 : i32
      %gather3A_1535 = arith.constant 0 : i32
      %gather3A_1536 = tpu.memref_slice %arg12[%gather3A_1533, %gather3A_1534, %gather3A_1535] : memref<6x128x128xf32, #tpu.memory_space<vmem>> -> memref<1x128x128xf32, #tpu.memory_space<vmem>>
      %gather3A_1537 = tpu.memref_squeeze %gather3A_1536 : memref<1x128x128xf32, #tpu.memory_space<vmem>> -> memref<128x128xf32, #tpu.memory_space<vmem>>
      %gather3A_1538 = tpu.vector_load_idx %gather3A_1537[%add3A_1532, %broadcast_in_dim3A_1529] : memref<128x128xf32, #tpu.memory_space<vmem>>[vector<16xi32>, vector<16xi32>], vector<16xf32>,
      %swap3A_1539 = arith.index_cast %rem3A_1473 : i32 to index
      %swap3A_1540 = arith.constant 64 : index
      %swap3A_1541 = tpu.vector_load %arg11[%swap3A_1539, %swap3A_1540] {strides = array<i32>} : memref<64x128xf32, #tpu.memory_space<vmem>>, vector<16xf32>,
      tpu.vector_store %arg11[%swap3A_1539, %swap3A_1540], %gather3A_1538 {strides = array<i32>} : memref<64x128xf32, #tpu.memory_space<vmem>>, vector<16xf32>,
      %add3A_1542 = arith.constant 80 : i32
      %add3A_1543 = vector.broadcast %add3A_1542 : i32 to vector<16xi32>
      %add3A_1544 = arith.addi %iota3A_1478, %add3A_1543 : vector<16xi32>
      %gather3A_1545 = arith.constant 5 : i32
      %gather3A_1546 = arith.constant 0 : i32
      %gather3A_1547 = arith.constant 0 : i32
      %gather3A_1548 = tpu.memref_slice %arg12[%gather3A_1545, %gather3A_1546, %gather3A_1547] : memref<6x128x128xf32, #tpu.memory_space<vmem>> -> memref<1x128x128xf32, #tpu.memory_space<vmem>>
      %gather3A_1549 = tpu.memref_squeeze %gather3A_1548 : memref<1x128x128xf32, #tpu.memory_space<vmem>> -> memref<128x128xf32, #tpu.memory_space<vmem>>
      %gather3A_1550 = tpu.vector_load_idx %gather3A_1549[%add3A_1544, %broadcast_in_dim3A_1529] : memref<128x128xf32, #tpu.memory_space<vmem>>[vector<16xi32>, vector<16xi32>], vector<16xf32>,
      %swap3A_1551 = arith.index_cast %rem3A_1473 : i32 to index
      %swap3A_1552 = arith.constant 80 : index
      %swap3A_1553 = tpu.vector_load %arg11[%swap3A_1551, %swap3A_1552] {strides = array<i32>} : memref<64x128xf32, #tpu.memory_space<vmem>>, vector<16xf32>,
      tpu.vector_store %arg11[%swap3A_1551, %swap3A_1552], %gather3A_1550 {strides = array<i32>} : memref<64x128xf32, #tpu.memory_space<vmem>>, vector<16xf32>,
      %broadcast_in_dim3A_1554 = vector.broadcast %rem3A_1477 : i32 to vector<16xi32>
      %add3A_1555 = arith.constant 96 : i32
      %add3A_1556 = vector.broadcast %add3A_1555 : i32 to vector<16xi32>
      %add3A_1557 = arith.addi %iota3A_1478, %add3A_1556 : vector<16xi32>
      %gather3A_1558 = arith.constant 5 : i32
      %gather3A_1559 = arith.constant 0 : i32
      %gather3A_1560 = arith.constant 0 : i32
      %gather3A_1561 = tpu.memref_slice %arg12[%gather3A_1558, %gather3A_1559, %gather3A_1560] : memref<6x128x128xf32, #tpu.memory_space<vmem>> -> memref<1x128x128xf32, #tpu.memory_space<vmem>>
      %gather3A_1562 = tpu.memref_squeeze %gather3A_1561 : memref<1x128x128xf32, #tpu.memory_space<vmem>> -> memref<128x128xf32, #tpu.memory_space<vmem>>
      %gather3A_1563 = tpu.vector_load_idx %gather3A_1562[%add3A_1557, %broadcast_in_dim3A_1554] : memref<128x128xf32, #tpu.memory_space<vmem>>[vector<16xi32>, vector<16xi32>], vector<16xf32>,
      %swap3A_1564 = arith.index_cast %rem3A_1473 : i32 to index
      %swap3A_1565 = arith.constant 96 : index
      %swap3A_1566 = tpu.vector_load %arg11[%swap3A_1564, %swap3A_1565] {strides = array<i32>} : memref<64x128xf32, #tpu.memory_space<vmem>>, vector<16xf32>,
      tpu.vector_store %arg11[%swap3A_1564, %swap3A_1565], %gather3A_1563 {strides = array<i32>} : memref<64x128xf32, #tpu.memory_space<vmem>>, vector<16xf32>,
      %add3A_1567 = arith.constant 112 : i32
      %add3A_1568 = vector.broadcast %add3A_1567 : i32 to vector<16xi32>
      %add3A_1569 = arith.addi %iota3A_1478, %add3A_1568 : vector<16xi32>
      %gather3A_1570 = arith.constant 5 : i32
      %gather3A_1571 = arith.constant 0 : i32
      %gather3A_1572 = arith.constant 0 : i32
      %gather3A_1573 = tpu.memref_slice %arg12[%gather3A_1570, %gather3A_1571, %gather3A_1572] : memref<6x128x128xf32, #tpu.memory_space<vmem>> -> memref<1x128x128xf32, #tpu.memory_space<vmem>>
      %gather3A_1574 = tpu.memref_squeeze %gather3A_1573 : memref<1x128x128xf32, #tpu.memory_space<vmem>> -> memref<128x128xf32, #tpu.memory_space<vmem>>
      %gather3A_1575 = tpu.vector_load_idx %gather3A_1574[%add3A_1569, %broadcast_in_dim3A_1554] : memref<128x128xf32, #tpu.memory_space<vmem>>[vector<16xi32>, vector<16xi32>], vector<16xf32>,
      %swap3A_1576 = arith.index_cast %rem3A_1473 : i32 to index
      %swap3A_1577 = arith.constant 112 : index
      %swap3A_1578 = tpu.vector_load %arg11[%swap3A_1576, %swap3A_1577] {strides = array<i32>} : memref<64x128xf32, #tpu.memory_space<vmem>>, vector<16xf32>,
      tpu.vector_store %arg11[%swap3A_1576, %swap3A_1577], %gather3A_1575 {strides = array<i32>} : memref<64x128xf32, #tpu.memory_space<vmem>>, vector<16xf32>,
      %rem3A_1579 = arith.constant 64 : i32
      %rem3A_1580 = arith.remsi %add3A_1440, %rem3A_1579 : i32
      %eq3A_1581 = arith.constant 63 : i32
      %eq3A_1582 = arith.cmpi eq, %rem3A_1580, %eq3A_1581 : i32
      %convert_element_type3A_1583 = arith.extui %eq3A_1582 : i1 to i32
      %cond3A_1584 = arith.constant 0 : i32
      %cond3A_1585 = arith.cmpi ne, %convert_element_type3A_1583, %cond3A_1584 : i32
      scf.if %cond3A_1585 {
        %sub3A_1586 = arith.constant 63 : i32
        %sub3A_1587 = arith.subi %add3A_1440, %sub3A_1586 : i32
        %add3A_1588 = arith.addi %mul3A_2, %sub3A_1587 : i32
        %multiple_of3A_1589 = tpu.assume_multiple %add3A_1588, 64 : i32
        "tpu.region"() ({
          %run_scoped3A = tpu.sem_alloc : memref<!tpu.dma_semaphore, #tpu.memory_space<semaphore_mem>>
          %dma_start3A_1590 = arith.constant 0 : i32
          %dma_start3A_1591 = tpu.memref_slice %arg8[%multiple_of3A_1589, %dma_start3A_1590] : memref<16384x128xf32, #tpu.memory_space<hbm>> -> memref<64x128xf32, #tpu.memory_space<hbm>>
          %dma_start3A_1592 = arith.constant 0 : i32
          %dma_start3A_1593 = tpu.memref_slice %arg8[%multiple_of3A_1589, %dma_start3A_1592] : memref<16384x128xf32, #tpu.memory_space<hbm>> -> memref<64x128xf32, #tpu.memory_space<hbm>>
          tpu.enqueue_dma source(%arg11 : memref<64x128xf32, #tpu.memory_space<vmem>>) target(%dma_start3A_1593 : memref<64x128xf32, #tpu.memory_space<hbm>>) target_semaphore(%run_scoped3A : memref<!tpu.dma_semaphore, #tpu.memory_space<semaphore_mem>>)
          %dma_wait3A_1594 = arith.constant 0 : i32
          %dma_wait3A_1595 = tpu.memref_slice %arg8[%multiple_of3A_1589, %dma_wait3A_1594] : memref<16384x128xf32, #tpu.memory_space<hbm>> -> memref<64x128xf32, #tpu.memory_space<hbm>>
          %dma_wait3A_1596 = arith.constant 0 : i32
          %dma_wait3A_1597 = tpu.memref_slice %arg8[%multiple_of3A_1589, %dma_wait3A_1596] : memref<16384x128xf32, #tpu.memory_space<hbm>> -> memref<64x128xf32, #tpu.memory_space<hbm>>
          tpu.wait_dma2 semaphore(%run_scoped3A : memref<!tpu.dma_semaphore, #tpu.memory_space<semaphore_mem>>) src(%arg11 : memref<64x128xf32, #tpu.memory_space<vmem>>) dst(%dma_wait3A_1597 : memref<64x128xf32, #tpu.memory_space<hbm>>)
          tpu.yield
        }) : () -> ()
      } else {
      }
    }
    %scan3A_408 = arith.constant 85 : i32
    %broadcast_in_dim3A_409 = arith.constant 510 : i32
    %broadcast_in_dim3A_410 = vector.broadcast %broadcast_in_dim3A_409 : i32 to vector<16xi32>
    %gather3A_411 = tpu.vector_load_idx %arg9[%broadcast_in_dim3A_410] : memref<512xi32, #tpu.memory_space<vmem>>[vector<16xi32>], vector<16xi32>,
    %slice3A_412 = vector.extract_strided_slice %gather3A_411 {offsets = [0], sizes = [1], strides = [1]} : vector<16xi32> to vector<1xi32>
    %squeeze3A_413 = vector.extract %slice3A_412[0] : i32 from vector<1xi32>
    %broadcast_in_dim3A_414 = arith.constant 510 : i32
    %broadcast_in_dim3A_415 = vector.broadcast %broadcast_in_dim3A_414 : i32 to vector<16xi32>
    %gather3A_416 = tpu.vector_load_idx %arg10[%broadcast_in_dim3A_415] : memref<512xi32, #tpu.memory_space<vmem>>[vector<16xi32>], vector<16xi32>,
    %slice3A_417 = vector.extract_strided_slice %gather3A_416 {offsets = [0], sizes = [1], strides = [1]} : vector<16xi32> to vector<1xi32>
    %squeeze3A_418 = vector.extract %slice3A_417[0] : i32 from vector<1xi32>
    %dma_wait3A = arith.constant 0 : i32
    %dma_wait3A_419 = arith.constant 0 : i32
    %dma_wait3A_420 = arith.constant 0 : i32
    %dma_wait3A_421 = arith.constant 0 : i32
    %dma_wait3A_422 = tpu.memref_slice %arg12[%dma_wait3A, %dma_wait3A_420, %dma_wait3A_421] : memref<6x128x128xf32, #tpu.memory_space<vmem>> -> memref<1x128x128xf32, #tpu.memory_space<vmem>>
    %dma_wait3A_423 = tpu.memref_squeeze %dma_wait3A_422 : memref<1x128x128xf32, #tpu.memory_space<vmem>> -> memref<128x128xf32, #tpu.memory_space<vmem>>
    %dma_wait3A_424 = arith.constant 0 : i32
    %dma_wait3A_425 = arith.constant 0 : i32
    %dma_wait3A_426 = tpu.memref_slice %arg8[%dma_wait3A_424, %dma_wait3A_425] : memref<16384x128xf32, #tpu.memory_space<hbm>> -> memref<128x128xf32, #tpu.memory_space<hbm>>
    %dma_wait3A_427 = tpu.memref_slice %arg13[%dma_wait3A_419] : memref<6x!tpu.dma_semaphore, #tpu.memory_space<semaphore_mem>> -> memref<1x!tpu.dma_semaphore, #tpu.memory_space<semaphore_mem>>
    %dma_wait3A_428 = tpu.memref_squeeze %dma_wait3A_427 : memref<1x!tpu.dma_semaphore, #tpu.memory_space<semaphore_mem>> -> memref<!tpu.dma_semaphore, #tpu.memory_space<semaphore_mem>>
    %dma_wait3A_429 = arith.constant 0 : i32
    %dma_wait3A_430 = arith.constant 0 : i32
    %dma_wait3A_431 = tpu.memref_slice %arg12[%dma_wait3A, %dma_wait3A_429, %dma_wait3A_430] : memref<6x128x128xf32, #tpu.memory_space<vmem>> -> memref<1x128x128xf32, #tpu.memory_space<vmem>>
    %dma_wait3A_432 = tpu.memref_squeeze %dma_wait3A_431 : memref<1x128x128xf32, #tpu.memory_space<vmem>> -> memref<128x128xf32, #tpu.memory_space<vmem>>
    %dma_wait3A_433 = arith.constant 0 : i32
    %dma_wait3A_434 = arith.constant 0 : i32
    %dma_wait3A_435 = tpu.memref_slice %arg8[%dma_wait3A_433, %dma_wait3A_434] : memref<16384x128xf32, #tpu.memory_space<hbm>> -> memref<128x128xf32, #tpu.memory_space<hbm>>
    tpu.wait_dma2 semaphore(%dma_wait3A_428 : memref<!tpu.dma_semaphore, #tpu.memory_space<semaphore_mem>>) src(%dma_wait3A_435 : memref<128x128xf32, #tpu.memory_space<hbm>>) dst(%dma_wait3A_432 : memref<128x128xf32, #tpu.memory_space<vmem>>)
    %rem3A_436 = arith.constant 510 : i32
    %rem3A_437 = arith.constant 64 : i32
    %rem3A_438 = arith.remsi %rem3A_436, %rem3A_437 : i32
    %rem3A_439 = arith.constant 128 : i32
    %rem3A_440 = arith.remsi %squeeze3A_413, %rem3A_439 : i32
    %rem3A_441 = arith.constant 128 : i32
    %rem3A_442 = arith.remsi %squeeze3A_418, %rem3A_441 : i32
    %iota3A_443 = tpu.iota {dimensions = array<i32: 0>} : vector<16xi32>
    %broadcast_in_dim3A_444 = vector.broadcast %rem3A_440 : i32 to vector<16xi32>
    %add3A_445 = arith.constant 0 : i32
    %add3A_446 = vector.broadcast %add3A_445 : i32 to vector<16xi32>
    %add3A_447 = arith.addi %iota3A_443, %add3A_446 : vector<16xi32>
    %gather3A_448 = arith.constant 0 : i32
    %gather3A_449 = arith.constant 0 : i32
    %gather3A_450 = arith.constant 0 : i32
    %gather3A_451 = tpu.memref_slice %arg12[%gather3A_448, %gather3A_449, %gather3A_450] : memref<6x128x128xf32, #tpu.memory_space<vmem>> -> memref<1x128x128xf32, #tpu.memory_space<vmem>>
    %gather3A_452 = tpu.memref_squeeze %gather3A_451 : memref<1x128x128xf32, #tpu.memory_space<vmem>> -> memref<128x128xf32, #tpu.memory_space<vmem>>
    %gather3A_453 = tpu.vector_load_idx %gather3A_452[%add3A_447, %broadcast_in_dim3A_444] : memref<128x128xf32, #tpu.memory_space<vmem>>[vector<16xi32>, vector<16xi32>], vector<16xf32>,
    %swap3A = arith.index_cast %rem3A_438 : i32 to index
    %swap3A_454 = arith.constant 0 : index
    %swap3A_455 = tpu.vector_load %arg11[%swap3A, %swap3A_454] {strides = array<i32>} : memref<64x128xf32, #tpu.memory_space<vmem>>, vector<16xf32>,
    tpu.vector_store %arg11[%swap3A, %swap3A_454], %gather3A_453 {strides = array<i32>} : memref<64x128xf32, #tpu.memory_space<vmem>>, vector<16xf32>,
    %add3A_456 = arith.constant 16 : i32
    %add3A_457 = vector.broadcast %add3A_456 : i32 to vector<16xi32>
    %add3A_458 = arith.addi %iota3A_443, %add3A_457 : vector<16xi32>
    %gather3A_459 = arith.constant 0 : i32
    %gather3A_460 = arith.constant 0 : i32
    %gather3A_461 = arith.constant 0 : i32
    %gather3A_462 = tpu.memref_slice %arg12[%gather3A_459, %gather3A_460, %gather3A_461] : memref<6x128x128xf32, #tpu.memory_space<vmem>> -> memref<1x128x128xf32, #tpu.memory_space<vmem>>
    %gather3A_463 = tpu.memref_squeeze %gather3A_462 : memref<1x128x128xf32, #tpu.memory_space<vmem>> -> memref<128x128xf32, #tpu.memory_space<vmem>>
    %gather3A_464 = tpu.vector_load_idx %gather3A_463[%add3A_458, %broadcast_in_dim3A_444] : memref<128x128xf32, #tpu.memory_space<vmem>>[vector<16xi32>, vector<16xi32>], vector<16xf32>,
    %swap3A_465 = arith.index_cast %rem3A_438 : i32 to index
    %swap3A_466 = arith.constant 16 : index
    %swap3A_467 = tpu.vector_load %arg11[%swap3A_465, %swap3A_466] {strides = array<i32>} : memref<64x128xf32, #tpu.memory_space<vmem>>, vector<16xf32>,
    tpu.vector_store %arg11[%swap3A_465, %swap3A_466], %gather3A_464 {strides = array<i32>} : memref<64x128xf32, #tpu.memory_space<vmem>>, vector<16xf32>,
    %broadcast_in_dim3A_468 = vector.broadcast %rem3A_442 : i32 to vector<16xi32>
    %add3A_469 = arith.constant 32 : i32
    %add3A_470 = vector.broadcast %add3A_469 : i32 to vector<16xi32>
    %add3A_471 = arith.addi %iota3A_443, %add3A_470 : vector<16xi32>
    %gather3A_472 = arith.constant 0 : i32
    %gather3A_473 = arith.constant 0 : i32
    %gather3A_474 = arith.constant 0 : i32
    %gather3A_475 = tpu.memref_slice %arg12[%gather3A_472, %gather3A_473, %gather3A_474] : memref<6x128x128xf32, #tpu.memory_space<vmem>> -> memref<1x128x128xf32, #tpu.memory_space<vmem>>
    %gather3A_476 = tpu.memref_squeeze %gather3A_475 : memref<1x128x128xf32, #tpu.memory_space<vmem>> -> memref<128x128xf32, #tpu.memory_space<vmem>>
    %gather3A_477 = tpu.vector_load_idx %gather3A_476[%add3A_471, %broadcast_in_dim3A_468] : memref<128x128xf32, #tpu.memory_space<vmem>>[vector<16xi32>, vector<16xi32>], vector<16xf32>,
    %swap3A_478 = arith.index_cast %rem3A_438 : i32 to index
    %swap3A_479 = arith.constant 32 : index
    %swap3A_480 = tpu.vector_load %arg11[%swap3A_478, %swap3A_479] {strides = array<i32>} : memref<64x128xf32, #tpu.memory_space<vmem>>, vector<16xf32>,
    tpu.vector_store %arg11[%swap3A_478, %swap3A_479], %gather3A_477 {strides = array<i32>} : memref<64x128xf32, #tpu.memory_space<vmem>>, vector<16xf32>,
    %add3A_481 = arith.constant 48 : i32
    %add3A_482 = vector.broadcast %add3A_481 : i32 to vector<16xi32>
    %add3A_483 = arith.addi %iota3A_443, %add3A_482 : vector<16xi32>
    %gather3A_484 = arith.constant 0 : i32
    %gather3A_485 = arith.constant 0 : i32
    %gather3A_486 = arith.constant 0 : i32
    %gather3A_487 = tpu.memref_slice %arg12[%gather3A_484, %gather3A_485, %gather3A_486] : memref<6x128x128xf32, #tpu.memory_space<vmem>> -> memref<1x128x128xf32, #tpu.memory_space<vmem>>
    %gather3A_488 = tpu.memref_squeeze %gather3A_487 : memref<1x128x128xf32, #tpu.memory_space<vmem>> -> memref<128x128xf32, #tpu.memory_space<vmem>>
    %gather3A_489 = tpu.vector_load_idx %gather3A_488[%add3A_483, %broadcast_in_dim3A_468] : memref<128x128xf32, #tpu.memory_space<vmem>>[vector<16xi32>, vector<16xi32>], vector<16xf32>,
    %swap3A_490 = arith.index_cast %rem3A_438 : i32 to index
    %swap3A_491 = arith.constant 48 : index
    %swap3A_492 = tpu.vector_load %arg11[%swap3A_490, %swap3A_491] {strides = array<i32>} : memref<64x128xf32, #tpu.memory_space<vmem>>, vector<16xf32>,
    tpu.vector_store %arg11[%swap3A_490, %swap3A_491], %gather3A_489 {strides = array<i32>} : memref<64x128xf32, #tpu.memory_space<vmem>>, vector<16xf32>,
    %broadcast_in_dim3A_493 = vector.broadcast %rem3A_440 : i32 to vector<16xi32>
    %add3A_494 = arith.constant 64 : i32
    %add3A_495 = vector.broadcast %add3A_494 : i32 to vector<16xi32>
    %add3A_496 = arith.addi %iota3A_443, %add3A_495 : vector<16xi32>
    %gather3A_497 = arith.constant 0 : i32
    %gather3A_498 = arith.constant 0 : i32
    %gather3A_499 = arith.constant 0 : i32
    %gather3A_500 = tpu.memref_slice %arg12[%gather3A_497, %gather3A_498, %gather3A_499] : memref<6x128x128xf32, #tpu.memory_space<vmem>> -> memref<1x128x128xf32, #tpu.memory_space<vmem>>
    %gather3A_501 = tpu.memref_squeeze %gather3A_500 : memref<1x128x128xf32, #tpu.memory_space<vmem>> -> memref<128x128xf32, #tpu.memory_space<vmem>>
    %gather3A_502 = tpu.vector_load_idx %gather3A_501[%add3A_496, %broadcast_in_dim3A_493] : memref<128x128xf32, #tpu.memory_space<vmem>>[vector<16xi32>, vector<16xi32>], vector<16xf32>,
    %swap3A_503 = arith.index_cast %rem3A_438 : i32 to index
    %swap3A_504 = arith.constant 64 : index
    %swap3A_505 = tpu.vector_load %arg11[%swap3A_503, %swap3A_504] {strides = array<i32>} : memref<64x128xf32, #tpu.memory_space<vmem>>, vector<16xf32>,
    tpu.vector_store %arg11[%swap3A_503, %swap3A_504], %gather3A_502 {strides = array<i32>} : memref<64x128xf32, #tpu.memory_space<vmem>>, vector<16xf32>,
    %add3A_506 = arith.constant 80 : i32
    %add3A_507 = vector.broadcast %add3A_506 : i32 to vector<16xi32>
    %add3A_508 = arith.addi %iota3A_443, %add3A_507 : vector<16xi32>
    %gather3A_509 = arith.constant 0 : i32
    %gather3A_510 = arith.constant 0 : i32
    %gather3A_511 = arith.constant 0 : i32
    %gather3A_512 = tpu.memref_slice %arg12[%gather3A_509, %gather3A_510, %gather3A_511] : memref<6x128x128xf32, #tpu.memory_space<vmem>> -> memref<1x128x128xf32, #tpu.memory_space<vmem>>
    %gather3A_513 = tpu.memref_squeeze %gather3A_512 : memref<1x128x128xf32, #tpu.memory_space<vmem>> -> memref<128x128xf32, #tpu.memory_space<vmem>>
    %gather3A_514 = tpu.vector_load_idx %gather3A_513[%add3A_508, %broadcast_in_dim3A_493] : memref<128x128xf32, #tpu.memory_space<vmem>>[vector<16xi32>, vector<16xi32>], vector<16xf32>,
    %swap3A_515 = arith.index_cast %rem3A_438 : i32 to index
    %swap3A_516 = arith.constant 80 : index
    %swap3A_517 = tpu.vector_load %arg11[%swap3A_515, %swap3A_516] {strides = array<i32>} : memref<64x128xf32, #tpu.memory_space<vmem>>, vector<16xf32>,
    tpu.vector_store %arg11[%swap3A_515, %swap3A_516], %gather3A_514 {strides = array<i32>} : memref<64x128xf32, #tpu.memory_space<vmem>>, vector<16xf32>,
    %broadcast_in_dim3A_518 = vector.broadcast %rem3A_442 : i32 to vector<16xi32>
    %add3A_519 = arith.constant 96 : i32
    %add3A_520 = vector.broadcast %add3A_519 : i32 to vector<16xi32>
    %add3A_521 = arith.addi %iota3A_443, %add3A_520 : vector<16xi32>
    %gather3A_522 = arith.constant 0 : i32
    %gather3A_523 = arith.constant 0 : i32
    %gather3A_524 = arith.constant 0 : i32
    %gather3A_525 = tpu.memref_slice %arg12[%gather3A_522, %gather3A_523, %gather3A_524] : memref<6x128x128xf32, #tpu.memory_space<vmem>> -> memref<1x128x128xf32, #tpu.memory_space<vmem>>
    %gather3A_526 = tpu.memref_squeeze %gather3A_525 : memref<1x128x128xf32, #tpu.memory_space<vmem>> -> memref<128x128xf32, #tpu.memory_space<vmem>>
    %gather3A_527 = tpu.vector_load_idx %gather3A_526[%add3A_521, %broadcast_in_dim3A_518] : memref<128x128xf32, #tpu.memory_space<vmem>>[vector<16xi32>, vector<16xi32>], vector<16xf32>,
    %swap3A_528 = arith.index_cast %rem3A_438 : i32 to index
    %swap3A_529 = arith.constant 96 : index
    %swap3A_530 = tpu.vector_load %arg11[%swap3A_528, %swap3A_529] {strides = array<i32>} : memref<64x128xf32, #tpu.memory_space<vmem>>, vector<16xf32>,
    tpu.vector_store %arg11[%swap3A_528, %swap3A_529], %gather3A_527 {strides = array<i32>} : memref<64x128xf32, #tpu.memory_space<vmem>>, vector<16xf32>,
    %add3A_531 = arith.constant 112 : i32
    %add3A_532 = vector.broadcast %add3A_531 : i32 to vector<16xi32>
    %add3A_533 = arith.addi %iota3A_443, %add3A_532 : vector<16xi32>
    %gather3A_534 = arith.constant 0 : i32
    %gather3A_535 = arith.constant 0 : i32
    %gather3A_536 = arith.constant 0 : i32
    %gather3A_537 = tpu.memref_slice %arg12[%gather3A_534, %gather3A_535, %gather3A_536] : memref<6x128x128xf32, #tpu.memory_space<vmem>> -> memref<1x128x128xf32, #tpu.memory_space<vmem>>
    %gather3A_538 = tpu.memref_squeeze %gather3A_537 : memref<1x128x128xf32, #tpu.memory_space<vmem>> -> memref<128x128xf32, #tpu.memory_space<vmem>>
    %gather3A_539 = tpu.vector_load_idx %gather3A_538[%add3A_533, %broadcast_in_dim3A_518] : memref<128x128xf32, #tpu.memory_space<vmem>>[vector<16xi32>, vector<16xi32>], vector<16xf32>,
    %swap3A_540 = arith.index_cast %rem3A_438 : i32 to index
    %swap3A_541 = arith.constant 112 : index
    %swap3A_542 = tpu.vector_load %arg11[%swap3A_540, %swap3A_541] {strides = array<i32>} : memref<64x128xf32, #tpu.memory_space<vmem>>, vector<16xf32>,
    tpu.vector_store %arg11[%swap3A_540, %swap3A_541], %gather3A_539 {strides = array<i32>} : memref<64x128xf32, #tpu.memory_space<vmem>>, vector<16xf32>,
    %rem3A_543 = arith.constant 510 : i32
    %rem3A_544 = arith.constant 64 : i32
    %rem3A_545 = arith.remsi %rem3A_543, %rem3A_544 : i32
    %eq3A = arith.constant 63 : i32
    %eq3A_546 = arith.cmpi eq, %rem3A_545, %eq3A : i32
    %convert_element_type3A = arith.extui %eq3A_546 : i1 to i32
    %cond3A = arith.constant 0 : i32
    %cond3A_547 = arith.cmpi ne, %convert_element_type3A, %cond3A : i32
    scf.if %cond3A_547 {
      %add3A_692 = arith.constant 447 : i32
      %add3A_693 = arith.addi %mul3A_2, %add3A_692 : i32
      %multiple_of3A_694 = tpu.assume_multiple %add3A_693, 64 : i32
      "tpu.region"() ({
        %run_scoped3A = tpu.sem_alloc : memref<!tpu.dma_semaphore, #tpu.memory_space<semaphore_mem>>
        %dma_start3A_695 = arith.constant 0 : i32
        %dma_start3A_696 = tpu.memref_slice %arg8[%multiple_of3A_694, %dma_start3A_695] : memref<16384x128xf32, #tpu.memory_space<hbm>> -> memref<64x128xf32, #tpu.memory_space<hbm>>
        %dma_start3A_697 = arith.constant 0 : i32
        %dma_start3A_698 = tpu.memref_slice %arg8[%multiple_of3A_694, %dma_start3A_697] : memref<16384x128xf32, #tpu.memory_space<hbm>> -> memref<64x128xf32, #tpu.memory_space<hbm>>
        tpu.enqueue_dma source(%arg11 : memref<64x128xf32, #tpu.memory_space<vmem>>) target(%dma_start3A_698 : memref<64x128xf32, #tpu.memory_space<hbm>>) target_semaphore(%run_scoped3A : memref<!tpu.dma_semaphore, #tpu.memory_space<semaphore_mem>>)
        %dma_wait3A_699 = arith.constant 0 : i32
        %dma_wait3A_700 = tpu.memref_slice %arg8[%multiple_of3A_694, %dma_wait3A_699] : memref<16384x128xf32, #tpu.memory_space<hbm>> -> memref<64x128xf32, #tpu.memory_space<hbm>>
        %dma_wait3A_701 = arith.constant 0 : i32
        %dma_wait3A_702 = tpu.memref_slice %arg8[%multiple_of3A_694, %dma_wait3A_701] : memref<16384x128xf32, #tpu.memory_space<hbm>> -> memref<64x128xf32, #tpu.memory_space<hbm>>
        tpu.wait_dma2 semaphore(%run_scoped3A : memref<!tpu.dma_semaphore, #tpu.memory_space<semaphore_mem>>) src(%arg11 : memref<64x128xf32, #tpu.memory_space<vmem>>) dst(%dma_wait3A_702 : memref<64x128xf32, #tpu.memory_space<hbm>>)
        tpu.yield
      }) : () -> ()
    } else {
    }
    %broadcast_in_dim3A_548 = arith.constant 511 : i32
    %broadcast_in_dim3A_549 = vector.broadcast %broadcast_in_dim3A_548 : i32 to vector<16xi32>
    %gather3A_550 = tpu.vector_load_idx %arg9[%broadcast_in_dim3A_549] : memref<512xi32, #tpu.memory_space<vmem>>[vector<16xi32>], vector<16xi32>,
    %slice3A_551 = vector.extract_strided_slice %gather3A_550 {offsets = [0], sizes = [1], strides = [1]} : vector<16xi32> to vector<1xi32>
    %squeeze3A_552 = vector.extract %slice3A_551[0] : i32 from vector<1xi32>
    %broadcast_in_dim3A_553 = arith.constant 511 : i32
    %broadcast_in_dim3A_554 = vector.broadcast %broadcast_in_dim3A_553 : i32 to vector<16xi32>
    %gather3A_555 = tpu.vector_load_idx %arg10[%broadcast_in_dim3A_554] : memref<512xi32, #tpu.memory_space<vmem>>[vector<16xi32>], vector<16xi32>,
    %slice3A_556 = vector.extract_strided_slice %gather3A_555 {offsets = [0], sizes = [1], strides = [1]} : vector<16xi32> to vector<1xi32>
    %squeeze3A_557 = vector.extract %slice3A_556[0] : i32 from vector<1xi32>
    %dma_wait3A_558 = arith.constant 1 : i32
    %dma_wait3A_559 = arith.constant 1 : i32
    %dma_wait3A_560 = arith.constant 0 : i32
    %dma_wait3A_561 = arith.constant 0 : i32
    %dma_wait3A_562 = tpu.memref_slice %arg12[%dma_wait3A_558, %dma_wait3A_560, %dma_wait3A_561] : memref<6x128x128xf32, #tpu.memory_space<vmem>> -> memref<1x128x128xf32, #tpu.memory_space<vmem>>
    %dma_wait3A_563 = tpu.memref_squeeze %dma_wait3A_562 : memref<1x128x128xf32, #tpu.memory_space<vmem>> -> memref<128x128xf32, #tpu.memory_space<vmem>>
    %dma_wait3A_564 = arith.constant 0 : i32
    %dma_wait3A_565 = arith.constant 0 : i32
    %dma_wait3A_566 = tpu.memref_slice %arg8[%dma_wait3A_564, %dma_wait3A_565] : memref<16384x128xf32, #tpu.memory_space<hbm>> -> memref<128x128xf32, #tpu.memory_space<hbm>>
    %dma_wait3A_567 = tpu.memref_slice %arg13[%dma_wait3A_559] : memref<6x!tpu.dma_semaphore, #tpu.memory_space<semaphore_mem>> -> memref<1x!tpu.dma_semaphore, #tpu.memory_space<semaphore_mem>>
    %dma_wait3A_568 = tpu.memref_squeeze %dma_wait3A_567 : memref<1x!tpu.dma_semaphore, #tpu.memory_space<semaphore_mem>> -> memref<!tpu.dma_semaphore, #tpu.memory_space<semaphore_mem>>
    %dma_wait3A_569 = arith.constant 0 : i32
    %dma_wait3A_570 = arith.constant 0 : i32
    %dma_wait3A_571 = tpu.memref_slice %arg12[%dma_wait3A_558, %dma_wait3A_569, %dma_wait3A_570] : memref<6x128x128xf32, #tpu.memory_space<vmem>> -> memref<1x128x128xf32, #tpu.memory_space<vmem>>
    %dma_wait3A_572 = tpu.memref_squeeze %dma_wait3A_571 : memref<1x128x128xf32, #tpu.memory_space<vmem>> -> memref<128x128xf32, #tpu.memory_space<vmem>>
    %dma_wait3A_573 = arith.constant 0 : i32
    %dma_wait3A_574 = arith.constant 0 : i32
    %dma_wait3A_575 = tpu.memref_slice %arg8[%dma_wait3A_573, %dma_wait3A_574] : memref<16384x128xf32, #tpu.memory_space<hbm>> -> memref<128x128xf32, #tpu.memory_space<hbm>>
    tpu.wait_dma2 semaphore(%dma_wait3A_568 : memref<!tpu.dma_semaphore, #tpu.memory_space<semaphore_mem>>) src(%dma_wait3A_575 : memref<128x128xf32, #tpu.memory_space<hbm>>) dst(%dma_wait3A_572 : memref<128x128xf32, #tpu.memory_space<vmem>>)
    %rem3A_576 = arith.constant 511 : i32
    %rem3A_577 = arith.constant 64 : i32
    %rem3A_578 = arith.remsi %rem3A_576, %rem3A_577 : i32
    %rem3A_579 = arith.constant 128 : i32
    %rem3A_580 = arith.remsi %squeeze3A_552, %rem3A_579 : i32
    %rem3A_581 = arith.constant 128 : i32
    %rem3A_582 = arith.remsi %squeeze3A_557, %rem3A_581 : i32
    %iota3A_583 = tpu.iota {dimensions = array<i32: 0>} : vector<16xi32>
    %broadcast_in_dim3A_584 = vector.broadcast %rem3A_580 : i32 to vector<16xi32>
    %add3A_585 = arith.constant 0 : i32
    %add3A_586 = vector.broadcast %add3A_585 : i32 to vector<16xi32>
    %add3A_587 = arith.addi %iota3A_583, %add3A_586 : vector<16xi32>
    %gather3A_588 = arith.constant 1 : i32
    %gather3A_589 = arith.constant 0 : i32
    %gather3A_590 = arith.constant 0 : i32
    %gather3A_591 = tpu.memref_slice %arg12[%gather3A_588, %gather3A_589, %gather3A_590] : memref<6x128x128xf32, #tpu.memory_space<vmem>> -> memref<1x128x128xf32, #tpu.memory_space<vmem>>
    %gather3A_592 = tpu.memref_squeeze %gather3A_591 : memref<1x128x128xf32, #tpu.memory_space<vmem>> -> memref<128x128xf32, #tpu.memory_space<vmem>>
    %gather3A_593 = tpu.vector_load_idx %gather3A_592[%add3A_587, %broadcast_in_dim3A_584] : memref<128x128xf32, #tpu.memory_space<vmem>>[vector<16xi32>, vector<16xi32>], vector<16xf32>,
    %swap3A_594 = arith.index_cast %rem3A_578 : i32 to index
    %swap3A_595 = arith.constant 0 : index
    %swap3A_596 = tpu.vector_load %arg11[%swap3A_594, %swap3A_595] {strides = array<i32>} : memref<64x128xf32, #tpu.memory_space<vmem>>, vector<16xf32>,
    tpu.vector_store %arg11[%swap3A_594, %swap3A_595], %gather3A_593 {strides = array<i32>} : memref<64x128xf32, #tpu.memory_space<vmem>>, vector<16xf32>,
    %add3A_597 = arith.constant 16 : i32
    %add3A_598 = vector.broadcast %add3A_597 : i32 to vector<16xi32>
    %add3A_599 = arith.addi %iota3A_583, %add3A_598 : vector<16xi32>
    %gather3A_600 = arith.constant 1 : i32
    %gather3A_601 = arith.constant 0 : i32
    %gather3A_602 = arith.constant 0 : i32
    %gather3A_603 = tpu.memref_slice %arg12[%gather3A_600, %gather3A_601, %gather3A_602] : memref<6x128x128xf32, #tpu.memory_space<vmem>> -> memref<1x128x128xf32, #tpu.memory_space<vmem>>
    %gather3A_604 = tpu.memref_squeeze %gather3A_603 : memref<1x128x128xf32, #tpu.memory_space<vmem>> -> memref<128x128xf32, #tpu.memory_space<vmem>>
    %gather3A_605 = tpu.vector_load_idx %gather3A_604[%add3A_599, %broadcast_in_dim3A_584] : memref<128x128xf32, #tpu.memory_space<vmem>>[vector<16xi32>, vector<16xi32>], vector<16xf32>,
    %swap3A_606 = arith.index_cast %rem3A_578 : i32 to index
    %swap3A_607 = arith.constant 16 : index
    %swap3A_608 = tpu.vector_load %arg11[%swap3A_606, %swap3A_607] {strides = array<i32>} : memref<64x128xf32, #tpu.memory_space<vmem>>, vector<16xf32>,
    tpu.vector_store %arg11[%swap3A_606, %swap3A_607], %gather3A_605 {strides = array<i32>} : memref<64x128xf32, #tpu.memory_space<vmem>>, vector<16xf32>,
    %broadcast_in_dim3A_609 = vector.broadcast %rem3A_582 : i32 to vector<16xi32>
    %add3A_610 = arith.constant 32 : i32
    %add3A_611 = vector.broadcast %add3A_610 : i32 to vector<16xi32>
    %add3A_612 = arith.addi %iota3A_583, %add3A_611 : vector<16xi32>
    %gather3A_613 = arith.constant 1 : i32
    %gather3A_614 = arith.constant 0 : i32
    %gather3A_615 = arith.constant 0 : i32
    %gather3A_616 = tpu.memref_slice %arg12[%gather3A_613, %gather3A_614, %gather3A_615] : memref<6x128x128xf32, #tpu.memory_space<vmem>> -> memref<1x128x128xf32, #tpu.memory_space<vmem>>
    %gather3A_617 = tpu.memref_squeeze %gather3A_616 : memref<1x128x128xf32, #tpu.memory_space<vmem>> -> memref<128x128xf32, #tpu.memory_space<vmem>>
    %gather3A_618 = tpu.vector_load_idx %gather3A_617[%add3A_612, %broadcast_in_dim3A_609] : memref<128x128xf32, #tpu.memory_space<vmem>>[vector<16xi32>, vector<16xi32>], vector<16xf32>,
    %swap3A_619 = arith.index_cast %rem3A_578 : i32 to index
    %swap3A_620 = arith.constant 32 : index
    %swap3A_621 = tpu.vector_load %arg11[%swap3A_619, %swap3A_620] {strides = array<i32>} : memref<64x128xf32, #tpu.memory_space<vmem>>, vector<16xf32>,
    tpu.vector_store %arg11[%swap3A_619, %swap3A_620], %gather3A_618 {strides = array<i32>} : memref<64x128xf32, #tpu.memory_space<vmem>>, vector<16xf32>,
    %add3A_622 = arith.constant 48 : i32
    %add3A_623 = vector.broadcast %add3A_622 : i32 to vector<16xi32>
    %add3A_624 = arith.addi %iota3A_583, %add3A_623 : vector<16xi32>
    %gather3A_625 = arith.constant 1 : i32
    %gather3A_626 = arith.constant 0 : i32
    %gather3A_627 = arith.constant 0 : i32
    %gather3A_628 = tpu.memref_slice %arg12[%gather3A_625, %gather3A_626, %gather3A_627] : memref<6x128x128xf32, #tpu.memory_space<vmem>> -> memref<1x128x128xf32, #tpu.memory_space<vmem>>
    %gather3A_629 = tpu.memref_squeeze %gather3A_628 : memref<1x128x128xf32, #tpu.memory_space<vmem>> -> memref<128x128xf32, #tpu.memory_space<vmem>>
    %gather3A_630 = tpu.vector_load_idx %gather3A_629[%add3A_624, %broadcast_in_dim3A_609] : memref<128x128xf32, #tpu.memory_space<vmem>>[vector<16xi32>, vector<16xi32>], vector<16xf32>,
    %swap3A_631 = arith.index_cast %rem3A_578 : i32 to index
    %swap3A_632 = arith.constant 48 : index
    %swap3A_633 = tpu.vector_load %arg11[%swap3A_631, %swap3A_632] {strides = array<i32>} : memref<64x128xf32, #tpu.memory_space<vmem>>, vector<16xf32>,
    tpu.vector_store %arg11[%swap3A_631, %swap3A_632], %gather3A_630 {strides = array<i32>} : memref<64x128xf32, #tpu.memory_space<vmem>>, vector<16xf32>,
    %broadcast_in_dim3A_634 = vector.broadcast %rem3A_580 : i32 to vector<16xi32>
    %add3A_635 = arith.constant 64 : i32
    %add3A_636 = vector.broadcast %add3A_635 : i32 to vector<16xi32>
    %add3A_637 = arith.addi %iota3A_583, %add3A_636 : vector<16xi32>
    %gather3A_638 = arith.constant 1 : i32
    %gather3A_639 = arith.constant 0 : i32
    %gather3A_640 = arith.constant 0 : i32
    %gather3A_641 = tpu.memref_slice %arg12[%gather3A_638, %gather3A_639, %gather3A_640] : memref<6x128x128xf32, #tpu.memory_space<vmem>> -> memref<1x128x128xf32, #tpu.memory_space<vmem>>
    %gather3A_642 = tpu.memref_squeeze %gather3A_641 : memref<1x128x128xf32, #tpu.memory_space<vmem>> -> memref<128x128xf32, #tpu.memory_space<vmem>>
    %gather3A_643 = tpu.vector_load_idx %gather3A_642[%add3A_637, %broadcast_in_dim3A_634] : memref<128x128xf32, #tpu.memory_space<vmem>>[vector<16xi32>, vector<16xi32>], vector<16xf32>,
    %swap3A_644 = arith.index_cast %rem3A_578 : i32 to index
    %swap3A_645 = arith.constant 64 : index
    %swap3A_646 = tpu.vector_load %arg11[%swap3A_644, %swap3A_645] {strides = array<i32>} : memref<64x128xf32, #tpu.memory_space<vmem>>, vector<16xf32>,
    tpu.vector_store %arg11[%swap3A_644, %swap3A_645], %gather3A_643 {strides = array<i32>} : memref<64x128xf32, #tpu.memory_space<vmem>>, vector<16xf32>,
    %add3A_647 = arith.constant 80 : i32
    %add3A_648 = vector.broadcast %add3A_647 : i32 to vector<16xi32>
    %add3A_649 = arith.addi %iota3A_583, %add3A_648 : vector<16xi32>
    %gather3A_650 = arith.constant 1 : i32
    %gather3A_651 = arith.constant 0 : i32
    %gather3A_652 = arith.constant 0 : i32
    %gather3A_653 = tpu.memref_slice %arg12[%gather3A_650, %gather3A_651, %gather3A_652] : memref<6x128x128xf32, #tpu.memory_space<vmem>> -> memref<1x128x128xf32, #tpu.memory_space<vmem>>
    %gather3A_654 = tpu.memref_squeeze %gather3A_653 : memref<1x128x128xf32, #tpu.memory_space<vmem>> -> memref<128x128xf32, #tpu.memory_space<vmem>>
    %gather3A_655 = tpu.vector_load_idx %gather3A_654[%add3A_649, %broadcast_in_dim3A_634] : memref<128x128xf32, #tpu.memory_space<vmem>>[vector<16xi32>, vector<16xi32>], vector<16xf32>,
    %swap3A_656 = arith.index_cast %rem3A_578 : i32 to index
    %swap3A_657 = arith.constant 80 : index
    %swap3A_658 = tpu.vector_load %arg11[%swap3A_656, %swap3A_657] {strides = array<i32>} : memref<64x128xf32, #tpu.memory_space<vmem>>, vector<16xf32>,
    tpu.vector_store %arg11[%swap3A_656, %swap3A_657], %gather3A_655 {strides = array<i32>} : memref<64x128xf32, #tpu.memory_space<vmem>>, vector<16xf32>,
    %broadcast_in_dim3A_659 = vector.broadcast %rem3A_582 : i32 to vector<16xi32>
    %add3A_660 = arith.constant 96 : i32
    %add3A_661 = vector.broadcast %add3A_660 : i32 to vector<16xi32>
    %add3A_662 = arith.addi %iota3A_583, %add3A_661 : vector<16xi32>
    %gather3A_663 = arith.constant 1 : i32
    %gather3A_664 = arith.constant 0 : i32
    %gather3A_665 = arith.constant 0 : i32
    %gather3A_666 = tpu.memref_slice %arg12[%gather3A_663, %gather3A_664, %gather3A_665] : memref<6x128x128xf32, #tpu.memory_space<vmem>> -> memref<1x128x128xf32, #tpu.memory_space<vmem>>
    %gather3A_667 = tpu.memref_squeeze %gather3A_666 : memref<1x128x128xf32, #tpu.memory_space<vmem>> -> memref<128x128xf32, #tpu.memory_space<vmem>>
    %gather3A_668 = tpu.vector_load_idx %gather3A_667[%add3A_662, %broadcast_in_dim3A_659] : memref<128x128xf32, #tpu.memory_space<vmem>>[vector<16xi32>, vector<16xi32>], vector<16xf32>,
    %swap3A_669 = arith.index_cast %rem3A_578 : i32 to index
    %swap3A_670 = arith.constant 96 : index
    %swap3A_671 = tpu.vector_load %arg11[%swap3A_669, %swap3A_670] {strides = array<i32>} : memref<64x128xf32, #tpu.memory_space<vmem>>, vector<16xf32>,
    tpu.vector_store %arg11[%swap3A_669, %swap3A_670], %gather3A_668 {strides = array<i32>} : memref<64x128xf32, #tpu.memory_space<vmem>>, vector<16xf32>,
    %add3A_672 = arith.constant 112 : i32
    %add3A_673 = vector.broadcast %add3A_672 : i32 to vector<16xi32>
    %add3A_674 = arith.addi %iota3A_583, %add3A_673 : vector<16xi32>
    %gather3A_675 = arith.constant 1 : i32
    %gather3A_676 = arith.constant 0 : i32
    %gather3A_677 = arith.constant 0 : i32
    %gather3A_678 = tpu.memref_slice %arg12[%gather3A_675, %gather3A_676, %gather3A_677] : memref<6x128x128xf32, #tpu.memory_space<vmem>> -> memref<1x128x128xf32, #tpu.memory_space<vmem>>
    %gather3A_679 = tpu.memref_squeeze %gather3A_678 : memref<1x128x128xf32, #tpu.memory_space<vmem>> -> memref<128x128xf32, #tpu.memory_space<vmem>>
    %gather3A_680 = tpu.vector_load_idx %gather3A_679[%add3A_674, %broadcast_in_dim3A_659] : memref<128x128xf32, #tpu.memory_space<vmem>>[vector<16xi32>, vector<16xi32>], vector<16xf32>,
    %swap3A_681 = arith.index_cast %rem3A_578 : i32 to index
    %swap3A_682 = arith.constant 112 : index
    %swap3A_683 = tpu.vector_load %arg11[%swap3A_681, %swap3A_682] {strides = array<i32>} : memref<64x128xf32, #tpu.memory_space<vmem>>, vector<16xf32>,
    tpu.vector_store %arg11[%swap3A_681, %swap3A_682], %gather3A_680 {strides = array<i32>} : memref<64x128xf32, #tpu.memory_space<vmem>>, vector<16xf32>,
    %rem3A_684 = arith.constant 511 : i32
    %rem3A_685 = arith.constant 64 : i32
    %rem3A_686 = arith.remsi %rem3A_684, %rem3A_685 : i32
    %eq3A_687 = arith.constant 63 : i32
    %eq3A_688 = arith.cmpi eq, %rem3A_686, %eq3A_687 : i32
    %convert_element_type3A_689 = arith.extui %eq3A_688 : i1 to i32
    %cond3A_690 = arith.constant 0 : i32
    %cond3A_691 = arith.cmpi ne, %convert_element_type3A_689, %cond3A_690 : i32
    scf.if %cond3A_691 {
      %add3A_692 = arith.constant 448 : i32
      %add3A_693 = arith.addi %mul3A_2, %add3A_692 : i32
      %multiple_of3A_694 = tpu.assume_multiple %add3A_693, 64 : i32
      "tpu.region"() ({
        %run_scoped3A = tpu.sem_alloc : memref<!tpu.dma_semaphore, #tpu.memory_space<semaphore_mem>>
        %dma_start3A_695 = arith.constant 0 : i32
        %dma_start3A_696 = tpu.memref_slice %arg8[%multiple_of3A_694, %dma_start3A_695] : memref<16384x128xf32, #tpu.memory_space<hbm>> -> memref<64x128xf32, #tpu.memory_space<hbm>>
        %dma_start3A_697 = arith.constant 0 : i32
        %dma_start3A_698 = tpu.memref_slice %arg8[%multiple_of3A_694, %dma_start3A_697] : memref<16384x128xf32, #tpu.memory_space<hbm>> -> memref<64x128xf32, #tpu.memory_space<hbm>>
        tpu.enqueue_dma source(%arg11 : memref<64x128xf32, #tpu.memory_space<vmem>>) target(%dma_start3A_698 : memref<64x128xf32, #tpu.memory_space<hbm>>) target_semaphore(%run_scoped3A : memref<!tpu.dma_semaphore, #tpu.memory_space<semaphore_mem>>)
        %dma_wait3A_699 = arith.constant 0 : i32
        %dma_wait3A_700 = tpu.memref_slice %arg8[%multiple_of3A_694, %dma_wait3A_699] : memref<16384x128xf32, #tpu.memory_space<hbm>> -> memref<64x128xf32, #tpu.memory_space<hbm>>
        %dma_wait3A_701 = arith.constant 0 : i32
        %dma_wait3A_702 = tpu.memref_slice %arg8[%multiple_of3A_694, %dma_wait3A_701] : memref<16384x128xf32, #tpu.memory_space<hbm>> -> memref<64x128xf32, #tpu.memory_space<hbm>>
        tpu.wait_dma2 semaphore(%run_scoped3A : memref<!tpu.dma_semaphore, #tpu.memory_space<semaphore_mem>>) src(%arg11 : memref<64x128xf32, #tpu.memory_space<vmem>>) dst(%dma_wait3A_702 : memref<64x128xf32, #tpu.memory_space<hbm>>)
        tpu.yield
      }) : () -> ()
    } else {
    }
    return
  }
}

module attributes {stable_mosaic.version = 14 : i64} {
  func.func @_tc_dense_kernel(%arg0: i32, %arg1: memref<2048x128xf32, #tpu.memory_space<vmem>>, %arg2: memref<64x64xf32, #tpu.memory_space<vmem>>, %arg3: memref<1x64xf32, #tpu.memory_space<vmem>>, %arg4: memref<64x32xf32, #tpu.memory_space<vmem>>, %arg5: memref<1x32xf32, #tpu.memory_space<vmem>>, %arg6: memref<64x1xf32, #tpu.memory_space<vmem>>, %arg7: memref<1x1xf32, #tpu.memory_space<vmem>>, %arg8: memref<2048x1xf32, #tpu.memory_space<vmem>>) attributes {dimension_semantics = [#tpu.dimension_semantics<arbitrary>], iteration_bounds = array<i64: 8>, scalar_prefetch = 0 : i64, scratch_operands = 0 : i64, tpu.core_type = #tpu.core_type<tc>, window_params = [{transform_indices = @transform_0, window_bounds = array<i64: 2048, 128>}, {pipeline_mode = #tpu.pipeline_mode<synchronous>, transform_indices = @transform_1, window_bounds = array<i64: 64, 64>}, {pipeline_mode = #tpu.pipeline_mode<synchronous>, transform_indices = @transform_2, window_bounds = array<i64: 1, 64>}, {pipeline_mode = #tpu.pipeline_mode<synchronous>, transform_indices = @transform_3, window_bounds = array<i64: 64, 32>}, {pipeline_mode = #tpu.pipeline_mode<synchronous>, transform_indices = @transform_4, window_bounds = array<i64: 1, 32>}, {pipeline_mode = #tpu.pipeline_mode<synchronous>, transform_indices = @transform_5, window_bounds = array<i64: 64, 1>}, {pipeline_mode = #tpu.pipeline_mode<synchronous>, transform_indices = @transform_6, window_bounds = array<i64: 1, 1>}, {transform_indices = @transform_7, window_bounds = array<i64: 2048, 1>}]} {
    %get3A = arith.constant 0 : index
    %get3A_0 = arith.constant 0 : index
    %get3A_1 = vector.load %arg1[%get3A, %get3A_0] : memref<2048x128xf32, #tpu.memory_space<vmem>>, vector<2048x128xf32>
    %slice3A = vector.extract_strided_slice %get3A_1 {offsets = [0, 0], sizes = [2048, 32], strides = [1, 1]} : vector<2048x128xf32> to vector<2048x32xf32>
    %slice3A_2 = vector.extract_strided_slice %get3A_1 {offsets = [0, 32], sizes = [2048, 32], strides = [1, 1]} : vector<2048x128xf32> to vector<2048x32xf32>
    %mul3A = arith.mulf %slice3A, %slice3A_2 : vector<2048x32xf32>
    %get3A_3 = arith.constant 0 : index
    %get3A_4 = arith.constant 0 : index
    %get3A_5 = vector.load %arg2[%get3A_3, %get3A_4] : memref<64x64xf32, #tpu.memory_space<vmem>>, vector<64x64xf32>
    %slice3A_6 = vector.extract_strided_slice %get3A_1 {offsets = [0, 64], sizes = [2048, 32], strides = [1, 1]} : vector<2048x128xf32> to vector<2048x32xf32>
    %slice3A_7 = vector.extract_strided_slice %get3A_5 {offsets = [0, 0], sizes = [32, 64], strides = [1, 1]} : vector<64x64xf32> to vector<32x64xf32>
    %dot_general3A = arith.constant dense<0.000000e+00> : vector<2048x64xf32>
    %dot_general3A_8 = tpu.matmul %slice3A_6, %slice3A_7, %dot_general3A {dimension_numbers = #tpu.dot_dimension_numbers<[1], [0], [0], [1], [0, 0, 1, 1], [], []>, transpose_lhs_hint = false} : vector<2048x32xf32>, vector<32x64xf32>, vector<2048x64xf32> -> vector<2048x64xf32>
    %slice3A_9 = vector.extract_strided_slice %get3A_1 {offsets = [0, 96], sizes = [2048, 32], strides = [1, 1]} : vector<2048x128xf32> to vector<2048x32xf32>
    %slice3A_10 = vector.extract_strided_slice %get3A_5 {offsets = [32, 0], sizes = [32, 64], strides = [1, 1]} : vector<64x64xf32> to vector<32x64xf32>
    %dot_general3A_11 = arith.constant dense<0.000000e+00> : vector<2048x64xf32>
    %dot_general3A_12 = tpu.matmul %slice3A_9, %slice3A_10, %dot_general3A_11 {dimension_numbers = #tpu.dot_dimension_numbers<[1], [0], [0], [1], [0, 0, 1, 1], [], []>, transpose_lhs_hint = false} : vector<2048x32xf32>, vector<32x64xf32>, vector<2048x64xf32> -> vector<2048x64xf32>
    %add3A = arith.addf %dot_general3A_8, %dot_general3A_12 : vector<2048x64xf32>
    %get3A_13 = arith.constant 0 : index
    %get3A_14 = arith.constant 0 : index
    %get3A_15 = vector.load %arg3[%get3A_13, %get3A_14] : memref<1x64xf32, #tpu.memory_space<vmem>>, vector<1x64xf32>
    %add3A_16 = vector.broadcast %get3A_15 : vector<1x64xf32> to vector<2048x64xf32>
    %add3A_17 = arith.addf %add3A, %add3A_16 : vector<2048x64xf32>
    %max3A = arith.constant 0.000000e+00 : f32
    %max3A_18 = vector.broadcast %max3A : f32 to vector<2048x64xf32>
    %max3A_19 = arith.maximumf %add3A_17, %max3A_18 : vector<2048x64xf32>
    %get3A_20 = arith.constant 0 : index
    %get3A_21 = arith.constant 0 : index
    %get3A_22 = vector.load %arg4[%get3A_20, %get3A_21] : memref<64x32xf32, #tpu.memory_space<vmem>>, vector<64x32xf32>
    %dot_general3A_23 = arith.constant dense<0.000000e+00> : vector<2048x32xf32>
    %dot_general3A_24 = tpu.matmul %max3A_19, %get3A_22, %dot_general3A_23 {dimension_numbers = #tpu.dot_dimension_numbers<[1], [0], [0], [1], [0, 0, 1, 1], [], []>, transpose_lhs_hint = false} : vector<2048x64xf32>, vector<64x32xf32>, vector<2048x32xf32> -> vector<2048x32xf32>
    %get3A_25 = arith.constant 0 : index
    %get3A_26 = arith.constant 0 : index
    %get3A_27 = vector.load %arg5[%get3A_25, %get3A_26] : memref<1x32xf32, #tpu.memory_space<vmem>>, vector<1x32xf32>
    %add3A_28 = vector.broadcast %get3A_27 : vector<1x32xf32> to vector<2048x32xf32>
    %add3A_29 = arith.addf %dot_general3A_24, %add3A_28 : vector<2048x32xf32>
    %max3A_30 = arith.constant 0.000000e+00 : f32
    %max3A_31 = vector.broadcast %max3A_30 : f32 to vector<2048x32xf32>
    %max3A_32 = arith.maximumf %add3A_29, %max3A_31 : vector<2048x32xf32>
    %get3A_33 = arith.constant 0 : index
    %get3A_34 = arith.constant 0 : index
    %get3A_35 = vector.load %arg6[%get3A_33, %get3A_34] : memref<64x1xf32, #tpu.memory_space<vmem>>, vector<64x1xf32>
    %slice3A_36 = vector.extract_strided_slice %get3A_35 {offsets = [0, 0], sizes = [32, 1], strides = [1, 1]} : vector<64x1xf32> to vector<32x1xf32>
    %dot_general3A_37 = arith.constant dense<0.000000e+00> : vector<2048x1xf32>
    %dot_general3A_38 = tpu.matmul %mul3A, %slice3A_36, %dot_general3A_37 {dimension_numbers = #tpu.dot_dimension_numbers<[1], [0], [0], [1], [0, 0, 1, 1], [], []>, transpose_lhs_hint = false} : vector<2048x32xf32>, vector<32x1xf32>, vector<2048x1xf32> -> vector<2048x1xf32>
    %slice3A_39 = vector.extract_strided_slice %get3A_35 {offsets = [32, 0], sizes = [32, 1], strides = [1, 1]} : vector<64x1xf32> to vector<32x1xf32>
    %dot_general3A_40 = arith.constant dense<0.000000e+00> : vector<2048x1xf32>
    %dot_general3A_41 = tpu.matmul %max3A_32, %slice3A_39, %dot_general3A_40 {dimension_numbers = #tpu.dot_dimension_numbers<[1], [0], [0], [1], [0, 0, 1, 1], [], []>, transpose_lhs_hint = false} : vector<2048x32xf32>, vector<32x1xf32>, vector<2048x1xf32> -> vector<2048x1xf32>
    %add3A_42 = arith.addf %dot_general3A_38, %dot_general3A_41 : vector<2048x1xf32>
    %get3A_43 = arith.constant 0 : index
    %get3A_44 = arith.constant 0 : index
    %get3A_45 = vector.load %arg7[%get3A_43, %get3A_44] : memref<1x1xf32, #tpu.memory_space<vmem>>, vector<1x1xf32>
    %add3A_46 = vector.broadcast %get3A_45 : vector<1x1xf32> to vector<2048x1xf32>
    %add3A_47 = arith.addf %add3A_42, %add3A_46 : vector<2048x1xf32>
    %swap3A = arith.constant 0 : index
    %swap3A_48 = arith.constant 0 : index
    %swap3A_49 = vector.load %arg8[%swap3A, %swap3A_48] : memref<2048x1xf32, #tpu.memory_space<vmem>>, vector<2048x1xf32>
    tpu.vector_store %arg8[%swap3A, %swap3A_48], %add3A_47 {strides = array<i32>} : memref<2048x1xf32, #tpu.memory_space<vmem>>, vector<2048x1xf32>,
    return
  }
  func.func @transform_0(%arg0: i32) -> (i32, i32) {
    %c0_i32 = arith.constant 0 : i32
    %c0_i32_0 = arith.constant 0 : i32
    return %arg0, %c0_i32 : i32, i32
  }
  func.func @transform_1(%arg0: i32) -> (i32, i32) {
    %c0_i32 = arith.constant 0 : i32
    %c0_i32_0 = arith.constant 0 : i32
    %c0_i32_1 = arith.constant 0 : i32
    return %c0_i32, %c0_i32_0 : i32, i32
  }
  func.func @transform_2(%arg0: i32) -> (i32, i32) {
    %c0_i32 = arith.constant 0 : i32
    %c0_i32_0 = arith.constant 0 : i32
    %c0_i32_1 = arith.constant 0 : i32
    return %c0_i32, %c0_i32_0 : i32, i32
  }
  func.func @transform_3(%arg0: i32) -> (i32, i32) {
    %c0_i32 = arith.constant 0 : i32
    %c0_i32_0 = arith.constant 0 : i32
    %c0_i32_1 = arith.constant 0 : i32
    return %c0_i32, %c0_i32_0 : i32, i32
  }
  func.func @transform_4(%arg0: i32) -> (i32, i32) {
    %c0_i32 = arith.constant 0 : i32
    %c0_i32_0 = arith.constant 0 : i32
    %c0_i32_1 = arith.constant 0 : i32
    return %c0_i32, %c0_i32_0 : i32, i32
  }
  func.func @transform_5(%arg0: i32) -> (i32, i32) {
    %c0_i32 = arith.constant 0 : i32
    %c0_i32_0 = arith.constant 0 : i32
    %c0_i32_1 = arith.constant 0 : i32
    return %c0_i32, %c0_i32_0 : i32, i32
  }
  func.func @transform_6(%arg0: i32) -> (i32, i32) {
    %c0_i32 = arith.constant 0 : i32
    %c0_i32_0 = arith.constant 0 : i32
    %c0_i32_1 = arith.constant 0 : i32
    return %c0_i32, %c0_i32_0 : i32, i32
  }
  func.func @transform_7(%arg0: i32) -> (i32, i32) {
    %c0_i32 = arith.constant 0 : i32
    %c0_i32_0 = arith.constant 0 : i32
    return %arg0, %c0_i32 : i32, i32
  }
}

</mosaic_0001>

<sc_bundles>
// kernel: kernel.4.cloned.1.call-start
scs
__scs_entry_jumppad:
0x0: {  	(pc) =	sbr.rel $0x88, $3  }
0x1: {  	(tag) =	ssettag $0x0;
	lr =	simm.s32 $0x1  }
0x2: {  	[smem:$0x3F95] =	sst lr;
	_ =	strace $0xD0000000  }
0x3: {  	_ = 	snop  }
0x4: {  	_ = 	snop  }
0x5: {  	_ = 	snop  }
0x6: {  	_ = 	snop  }
0x7: {  	_ = 	snop  }
__scs_overlays_trampoline_lowered:
0x8: {  	[smem:$0x3FA4] =	sst s0  }
0x9: {  	[smem:$0x3FA5] =	sst s1  }
0xa: {  	[smem:$0x3FA6] =	sst s2  }
0xb: {  	[smem:$0x3FA7] =	sst s3  }
0xc: {  	[smem:$0x3FA8] =	sst s4  }
0xd: {  	[smem:$0x3FA9] =	sst s5  }
0xe: {  	[smem:$0x3FAA] =	sst s6  }
0xf: {  	[smem:$0x3FAB] =	sst s7  }
0x10: {  	[smem:$0x3FAC] =	sst s8  }
0x11: {  	[smem:$0x3FAD] =	sst s9;
	s0 =	simm.s32 @!p0 $0x0  }
0x12: {  	s1 =	sld [smem:$0x3F93];
	s0 =	simm.s32 @p0 $0x1  }
0x13: {  	[smem:$0x3FAE] =	sst s0;
	s0 =	simm.s32 @!p1 $0x0  }
0x14: {  	s2 =	sld [smem:$0x3F92];
	s0 =	simm.s32 @p1 $0x1  }
0x15: {  	[smem:$0x3FAF] =	sst s0;
	s0 =	simm.s32 @!p2 $0x0  }
0x16: {  	s3 =	sld [smem:$0x3FDB];
	s0 =	simm.s32 @p2 $0x1  }
0x17: {  	s4 =	simm.s32 $0x1BF5;
	[smem:$0x3FB1] =	sst s0  }
0x18: {  	s0 =	sld [smem:$0x3F94];
	_ =	swait.ge [sflag:s4], $0x0  }
0x19: {  	s7 =	sld [smem:$0x3F95]  }
0x1a: {  	s8 =	sadd.s32 $0xFFFFE003, lr  }
0x1b: {  	s9 =	sadd.s32 $0xFFFFFEF7, lr;
	s5 =	simm.s32 $0xFFFFFFFF;
	p2 =	slt.u32 s8, $0xFFFFF086  }
0x1c: {  	p1 =	slt.u32 s9, $0xF7A;
	s5 =	simm.s32 @!p2 $0x0  }
0x1d: {  	s5 =	simm.s32 @p1 $0x1;
	p0 =	seq.s32 s7, s2  }
0x1e: {  	s7 =	smul.u32 @!p0 $0xF7A, s2;
	p2 =	seq.s32 @!p0 s5, $0x0  }
0x1f: {  	s9 =	smul.u32 $0xF7A, s1;
	s8 =	simm.s32 @!p0 $0x1BF5;
	p2 =	por !p2, p0  }
0x20: {  	[sflag:s8] =	ssyncset.s32 @!p0 $0xFFFFF086;
	s6 =	sadd.s32 @!p0 s3, s7;
	s7 =	simm.s32 @!p0 $0x108  }
0x21: {  	s3 =	sadd.s32 s3, s9;
	s6 =	sadd.s32 @!p0 $0x88, s6;
	s7 =	simm.s32 @p2 $0x1082  }
0x22: {  	[simem:s7], [sflag:s8] =	dma.local @!p0 [hbm:s6], $0xF7A  }
0x23: {  	s9 =	sor.u32 $0xD0000000, s2;
	s6 =	simm.s32 $0x108;
	_ =	swait.ge @!p0 [sflag:s8], $0x0  }
0x24: {  	s3 =	sadd.s32 $0x88, s3;
	s6 =	simm.s32 @!p1 $0x1082;
	[sflag:s4] =	ssyncset.s32 $0xFFFFF086  }
0x25: {  	[simem:s6], [sflag:s4] =	dma.local [hbm:s3], $0xF7A  }
0x26: {  	[smem:$0x3F95] =	sst s1;
	(tag) =	ssettag s2;
	_ =	strace s9  }
0x27: {  	s1 =	sld [smem:$0x3FA5]  }
0x28: {  	s2 =	sld [smem:$0x3FA6]  }
0x29: {  	s4 =	sld [smem:$0x3FA8]  }
0x2a: {  	p0 =	seq.s32 s5, $0x0;
	s5 =	sld [smem:$0x3FA9]  }
0x2b: {  	s6 =	sld [smem:$0x3FAA]  }
0x2c: {  	s7 =	sld [smem:$0x3FAB]  }
0x2d: {  	s3 =	simm.s32 $0x108;
	s8 =	sld [smem:$0x3FAC]  }
0x2e: {  	s3 =	simm.s32 @!p0 $0x1082;
	s9 =	sld [smem:$0x3FAD]  }
0x2f: {  	lr =	sadd.s32 s0, s3;
	s0 =	sld [smem:$0x3FA4]  }
0x30: {  	s3 =	sld [smem:$0x3FA7]  }
0x31: {  	[smem:$0x3FB0] =	sst s10  }
0x32: {  	s10 =	sld [smem:$0x3FAE];
	_ =	sdelay $0x3  }
0x33: {  	p0 =	seq.s32 s10, $0x1;
	s10 =	sld [smem:$0x3FB0];
	_ =	sdelay $0x3  }
0x34: {  	[smem:$0x3FB0] =	sst s10  }
0x35: {  	s10 =	sld [smem:$0x3FAF];
	_ =	sdelay $0x3  }
0x36: {  	p1 =	seq.s32 s10, $0x1;
	s10 =	sld [smem:$0x3FB0];
	_ =	sdelay $0x3  }
0x37: {  	[smem:$0x3FB0] =	sst s10  }
0x38: {  	s10 =	sld [smem:$0x3FB1]  }
0x39: {  	_ = 	snop;
	(pc) =	sbr.ind lr, $3  }
0x3a: {  	_ = 	snop  }
0x3b: {  	_ = 	snop  }
0x3c: {  	p2 =	seq.s32 s10, $0x1;
	s10 =	sld [smem:$0x3FB0]  }
0x3d: {  	_ =	shalt  }
0x3e: {  	_ =	shalt  }
0x3f: {  	_ =	shalt  }
0x40: {  	_ =	shalt  }
0x41: {  	_ =	shalt  }
0x42: {  	_ =	shalt  }
0x43: {  	_ =	shalt  }
0x44: {  	_ =	shalt  }
0x45: {  	_ =	shalt  }
0x46: {  	_ =	shalt  }
0x47: {  	_ =	shalt  }
0x48: {  	_ =	shalt  }
0x49: {  	_ =	shalt  }
0x4a: {  	_ =	shalt  }
0x4b: {  	_ =	shalt  }
0x4c: {  	_ =	shalt  }
0x4d: {  	_ =	shalt  }
0x4e: {  	_ =	shalt  }
0x4f: {  	_ =	shalt  }
0x50: {  	_ =	shalt  }
0x51: {  	_ =	shalt  }
0x52: {  	_ =	shalt  }
0x53: {  	_ =	shalt  }
0x54: {  	_ =	shalt  }
0x55: {  	_ =	shalt  }
0x56: {  	_ =	shalt  }
0x57: {  	_ =	shalt  }
0x58: {  	_ =	shalt  }
0x59: {  	_ =	shalt  }
0x5a: {  	_ =	shalt  }
0x5b: {  	_ =	shalt  }
0x5c: {  	_ =	shalt  }
0x5d: {  	_ =	shalt  }
0x5e: {  	_ =	shalt  }
0x5f: {  	_ =	shalt  }
0x60: {  	_ =	shalt  }
0x61: {  	_ =	shalt  }
0x62: {  	_ =	shalt  }
0x63: {  	_ =	shalt  }
0x64: {  	_ =	shalt  }
0x65: {  	_ =	shalt  }
0x66: {  	_ =	shalt  }
0x67: {  	_ =	shalt  }
0x68: {  	_ =	shalt  }
0x69: {  	_ =	shalt  }
0x6a: {  	_ =	shalt  }
0x6b: {  	_ =	shalt  }
0x6c: {  	_ =	shalt  }
0x6d: {  	_ =	shalt  }
0x6e: {  	_ =	shalt  }
0x6f: {  	_ =	shalt  }
0x70: {  	_ =	shalt  }
0x71: {  	_ =	shalt  }
0x72: {  	_ =	shalt  }
0x73: {  	_ =	shalt  }
0x74: {  	_ =	shalt  }
0x75: {  	_ =	shalt  }
0x76: {  	_ =	shalt  }
0x77: {  	_ =	shalt  }
0x78: {  	_ =	shalt  }
0x79: {  	_ =	shalt  }
0x7a: {  	_ =	shalt  }
0x7b: {  	_ =	shalt  }
0x7c: {  	_ =	shalt  }
0x7d: {  	_ =	shalt  }
0x7e: {  	_ =	shalt  }
0x7f: {  	_ =	shalt  }
0x80: {  	_ =	shalt  }
0x81: {  	_ =	shalt  }
0x82: {  	_ =	shalt  }
0x83: {  	_ =	shalt  }
0x84: {  	_ =	shalt  }
0x85: {  	_ =	shalt  }
0x86: {  	_ =	shalt  }
0x87: {  	_ =	shalt  }
.Lfunc_end0:
.L_simem_size_0:
called_computation_lowered:
.L_overlay_start_0:
0x88: {  	s2 =	sld [smem:$0x3FD9]  }
0x89: {  	s3 =	sld [smem:$0x3FFE];
	_ =	sdelay $0x1  }
0x8a: {  	s1 =	srdreg.scid  }
0x8b: {  	s0 =	sand.u32 $0x1, s1  }
0x8c: {  	s17 =	sshll.u32 s0, $0xA;
	s2 =	sadd.s32 s3, s2  }
0x8d: {  	s2 =	sadd.s32 s2, s17  }
0x8e: {  	[smem:$0x3FBC] =	sst s2  }
0x8f: {  	_ = 	snop  }
0x90: {  	s2 =	sld [smem:$0x3FC9]  }
0x91: {  	s18 =	sld [smem:$0x3FC8]  }
0x92: {  	s4 =	sld [smem:$0x3FC7]  }
0x93: {  	s5 =	sld [smem:$0x3FC6]  }
0x94: {  	s6 =	sld [smem:$0x3FC5]  }
0x95: {  	s7 =	sld [smem:$0x3FC4];
	(tm) =	ssettm $0x1  }
0x96: {  	s8 =	sld [smem:$0x3FFB];
	_ =	sdelay $0x3  }
0x97: {  	_ =	strace s8  }
0x98: {  	s8 =	sld [smem:$0x3FFC];
	_ =	sdelay $0x3  }
0x99: {  	_ =	strace s8  }
0x9a: {  	s8 =	sld [smem:$0x3FFD];
	_ =	sdelay $0x3  }
0x9b: {  	_ =	strace s8  }
0x9c: {  	_ =	strace $0x8FFFFFFF  }
0x9d: {  	s19 =	sld [smem:$0x3FDB];
	_ =	sdelay $0x1  }
0x9e: {  	s9 =	simm.s32 $_scs_section_size  }
0x9f: {  	s10 =	simm.s32 $_size__tile_overlayer_lowered;
	s11 =	simm.s32 $_tile_overlayer_lowered  }
0xa0: {  	s22 =	simm.s32 $0x1BFF;
	s21 =	sshll.u32 s11, $0x1;
	s8 =	sadd.s32 s9, s19  }
0xa1: {  	s12 =	simm.s32 $0x0;
	s20 =	sshll.u32 s10, $0x1;
	s10 =	sadd.s32 s21, s8  }
0xa2: {  	[timem:s12], [sflag:s22] =	dma.local [hbm:s10], s20  }
0xa3: {  	_ =	swait.ge [sflag:s22], s20  }
0xa4: {  	s9 =	ssub.s32 $0x0, s20;
	[sflag:s22] =	ssyncset.done $0x0  }
0xa5: {  	[sflag:s22] =	ssyncadd.s32 s9;
	_ =	sdelay $0x1  }
0xa6: {  	s23 =	simm.s32 $0x1B8B  }
0xa7: {  	_ =	swait.ge [sflag:s23], $0x1  }
0xa8: {  	[sflag:s23] =	ssyncset.done $0x0  }
0xa9: {  	s25 =	simm.s32 $0x1B8E;
	s24 =	sld [smem:$0x3FFE];
	[sflag:s23] =	ssyncadd.s32 $0xFFFFFFFF  }
0xaa: {  	s26 =	simm.s32 $execute0_lowered;
	[smem:$0x3FD2] =	sst s25  }
0xab: {  	s10 =	sshll.u32 s26, $0x1;
	_ =	strace $0x80000046;
	[dreg:$0x1] =	wrdreg $0xFFFFFFFF  }
0xac: {  	s28 =	simm.s32 $_size_execute0_lowered;
	s8 =	sadd.s32 s8, s10;
	[dreg:$0x0] =	wrdreg $0x0  }
0xad: {  	s10 =	sshll.u32 s28, $0x1;
	[dreg:$0x2] =	wrdreg s8  }
0xae: {  	[dreg:$0x3] =	wrdreg s10  }
0xaf: {  	[dreg:$0x4] =	wrdreg $0xC0  }
0xb0: {  	_ =	task [dreg:s12], $0x5FFFF  }
0xb1: {  	[dreg:$0x1] =	wrdreg $0xFFFFFFFF  }
0xb2: {  	[dreg:$0x0] =	wrdreg $0x60  }
0xb3: {  	[dreg:$0x2] =	wrdreg s4  }
0xb4: {  	[dreg:$0x3] =	wrdreg s5  }
0xb5: {  	[dreg:$0x4] =	wrdreg s6  }
0xb6: {  	[dreg:$0x5] =	wrdreg s7  }
0xb7: {  	[dreg:$0x6] =	wrdreg s2  }
0xb8: {  	[dreg:$0x7] =	wrdreg s18  }
0xb9: {  	[dreg:$0x8] =	wrdreg s24  }
0xba: {  	[dreg:$0x9] =	wrdreg $0x9  }
0xbb: {  	_ =	task.clear_ibuf [dreg:s12], $0xAFFFF;
	_ =	strace $0x90000046  }
0xbc: {  	s29 =	simm.s32 $0x9;
	_ =	strace $0x80000048  }
0xbd: {  	_ =	swait.ge [sflag:s29], $0x1  }
0xbe: {  	[sflag:s29] =	ssyncadd.s32 $0xFFFFFFFF  }
0xbf: {  	_ =	strace $0x90000048  }
0xc0: {  	_ =	sfence  }
0xc1: {  	s30 =	sld [smem:$0x0];
	_ =	sdelay $0x2  }
0xc2: {  	s31 =	sshll.u32 s1, $0xD;
	s1 =	sshrl.u32 s1, $0x2  }
0xc3: {  	s3 =	sand.u32 $0x4000, s31;
	s1 =	sadd.s32 s1, s30  }
0xc4: {  	s0 =	sor.u32 s3, s0;
	s1 =	sshll.u32 s1, $0x11  }
0xc5: {  	s0 =	sor.u32 s1, s0  }
0xc6: {  	s0 =	sadd.s32 $0x8F2B, s0  }
0xc7: {  	[sflag:s0] =	ssyncadd.remote.s32 $0x1  }
0xc8: {  	_ =	sfence.sel $0xFFFF  }
0xc9: {  	[dreg:$0x0] =	wrdreg $0xFFFFFFFF;
	(pc) =	sbr.abs _section_cstart, $3  }
0xca: {  	[dreg:$0x1] =	wrdreg $0xFFFFFFFF  }
0xcb: {  	_ =	task.clear_ibuf [dreg:s12], $0x2FFFF;
	_ =	strace $0x9FFFFFFF  }
0xcc: {  	(tm) =	ssettm $0x7FFFFFFF  }
0xcd: {  	_ =	shalt  }
tec
execute0_lowered:
.L_overlay_start_1:
0x0: {  	(tag) =	ssettag $0x1  }
0x1: {  	s0 =	rddreg [dreg:$0x0]  }
0x2: {  	s1 =	rddreg [dreg:$0x1]  }
0x3: {  	s3 =	rddreg [dreg:$0x2]  }
0x4: {  	s4 =	rddreg [dreg:$0x3]  }
0x5: {  	s2 =	rddreg [dreg:$0x4]  }
0x6: {  	s5 =	rddreg [dreg:$0x5]  }
0x7: {  	s7 =	rddreg [dreg:$0x6]  }
0x8: {  	s6 =	srdreg.scid;
	s13 =	stileid.u32;
	s15 =	simm.s32 $0x0  }
0x9: {  	s14 =	simm.s32 $0x7A1400;
	s26 =	simm.s32 $0x3400;
	s23 =	simm.s32 $0x17400  }
0xa: {  	s24 =	simm.s32 $0x18400;
	s25 =	simm.s32 $0x19400;
	s28 =	simm.s32 $0xE400  }
0xb: {  	s29 =	simm.s32 $0x16400;
	s30 =	simm.s32 $0x1;
	s31 =	simm.s32 $0x2  }
0xc: {  	s8 =	sand.u32 $0x1, s6;
	s9 =	sshll.u32 s13, $0xA;
	[smem:$0x7FF] =	sst s15  }
0xd: {  	s7 =	sadd.s32 $0x1000, s7;
	s19 =	sshll.u32 s13, $0xE;
	s13 =	simm.s32 $0x400  }
0xe: {  	s15 =	simm.s32 $0x2400;
	s6 =	simm.s32 $0x0;
	s10 =	sshll.u32 s8, $0x9  }
0xf: {  	s11 =	ssub.s32 $0x2, s8;
	_ =	strace $0x80000047;
	[dreg:$0x8] =	wrdreg s23  }
0x10: {  	s20 =	sshll.u32 s8, $0xD;
	s8 =	simm.s32 $0x7;
	[dreg:$0x9] =	wrdreg s24  }
0x11: {  	s23 =	simm.s32 $0xA400;
	[dreg:$0xa] =	wrdreg s25;
	s24 =	simm.s32 $0x3  }
0x12: {  	s25 =	simm.s32 $0x4;
	s9 =	sor.u32 s10, s9;
	s16 =	sshrl.u32 s11, $0x1  }
0x13: {  	s12 =	sshrl.u32 s9, $0x3;
	s10 =	ssub.s32 s11, s16;
	s18 =	sshll.u32 s9, $0x4  }
0x14: {  	s11 =	simm.s32 $0x4400;
	s16 =	simm.s32 $0x7400;
	s2 =	sadd.s32 s2, s12  }
0x15: {  	v0 =	vlaneseq.u32;
	s17 =	sadd.s32 s5, s12;
	s5 =	sadd.s32 s19, s7;
	[dreg:$0xb] =	wrdreg s2  }
0x16: {  	v1 =	vimm.s32 $0x1;
	v2 =	vmul.u32 $0x80, v0;
	s21 =	smax.u32 s10, $0x1;
	s12 =	simm.s32 $0x5400;
	[dreg:$0xc] =	wrdreg s17  }
0x17: {  	v3 =	vimm.s32 $0x2;
	v4 =	vimm.s32 $0x3;
	v5 =	vimm.s32 $0x4;
	s19 =	simm.s32 $0x6400;
	s2 =	sadd.s32 s18, s7;
	[dreg:$0xe] =	wrdreg s21  }
0x18: {  	v13 =	vimm.s32 $0x1FE;
	v14 =	vimm.s32 $0x1FF;
	v6 =	vor.u32 $0x800, v2;
	s22 =	sadd.s32 s20, s5;
	s17 =	simm.s32 $0x8400;
	s2 =	sadd.s32 $0x1C00, s2  }
0x19: {  	v7 =	vor.u32 $0x1000, v2;
	v8 =	vor.u32 $0x1800, v2;
	v9 =	vor.u32 $0x2000, v2;
	s18 =	simm.s32 $0x9400;
	[dreg:$0xd] =	wrdreg s2;
	s2 =	sadd.s32 $0xFFFFFC20, s22  }
0x1a: {  	v10 =	vor.u32 $0x2800, v2;
	v11 =	vor.u32 $0x3000, v2;
	v12 =	vor.u32 $0x3800, v2;
	s7 =	simm.s32 $0x5;
	[dreg:$0xf] =	wrdreg s2;
	s2 =	simm.s32 $0x12400  }
.LBB2_1:
0x1b: {  	[dreg:$0x10] =	wrdreg s6  }
0x1c: {  	s5 =	simm.s32 $0x0;
	s21 =	rddreg [dreg:$0xb]  }
0x1d: {  	[tilespmem:s5], [sflag:$0x7] =	stream.linear.gather [hbm4b:s21+s5], $0x200, $0x38;
	[tilespmem:$0x1A400] =	vst v63  }
0x1e: {  	_ =	swait.ge [sflag:s8], $0x200  }
0x1f: {  	[sflag:s8] =	ssyncset.done $0x0  }
0x20: {  	s20 =	simm.s32 $0x200;
	s22 =	rddreg [dreg:$0xc];
	[sflag:s8] =	ssyncadd.s32 $0xFFFFFE00  }
0x21: {  	[tilespmem:s20], [sflag:$0x7] =	stream.linear.gather [hbm4b:s22+s5], $0x200, $0x38;
	[tilespmem:$0x1A400] =	vst v63  }
0x22: {  	_ =	swait.ge [sflag:s8], $0x200  }
0x23: {  	[sflag:s8] =	ssyncset.done $0x0  }
0x24: {  	[sflag:s8] =	ssyncadd.s32 $0xFFFFFE00  }
0x25: {  	v15 =	vld.msk [tilespmem:s5+$0x0], $0xffff  }
0x26: {  	v16 =	vld.msk [tilespmem:s20+$0x0], $0xffff;
	_ =	sdelay $0x3  }
0x27: {  	(v2sf) =	vpush v15, $0x0  }
0x28: {  	(v2sf) =	vpush v16, $0x0;
	_ =	sdelay $0xd  }
0x29: {  	s6 =	spop (v2sf)  }
0x2a: {  	s9 =	sshra.s32 s6, $0x1F;
	s10 =	spop (v2sf)  }
0x2b: {  	s9 =	sshrl.u32 s9, $0x19;
	s21 =	sshra.s32 s10, $0x1F  }
0x2c: {  	s8 =	sadd.s32 s9, s6;
	s9 =	sshrl.u32 s21, $0x19  }
0x2d: {  	s8 =	sand.u32 $0xFFFFF80, s8;
	s9 =	sadd.s32 s9, s10  }
0x2e: {  	s22 =	sadd.s32 s0, s8;
	s9 =	sand.u32 $0xFFFFF80, s9  }
0x2f: {  	[tilespmem:s15], [sflag:$0x1] =	stream.strided.gather [hbm4b:s22+s13], $0x1000, s14, s13, $0x38;
	[tilespmem:$0x1A400] =	vst v63  }
0x30: {  	s6 =	sadd.s32 s1, s9  }
0x31: {  	[tilespmem:s26], [sflag:$0x1] =	stream.strided.gather [hbm4b:s6+s13], $0x1000, s14, s13, $0x38;
	[tilespmem:$0x1A400] =	vst v63  }
0x32: {  	s8 =	sadd.s32 s3, s8  }
0x33: {  	[tilespmem:s11], [sflag:$0x1] =	stream.strided.gather [hbm4b:s8+s13], $0x1000, s14, s13, $0x38;
	[tilespmem:$0x1A400] =	vst v63  }
0x34: {  	s11 =	sadd.s32 s4, s9  }
0x35: {  	[tilespmem:s12], [sflag:$0x1] =	stream.strided.gather [hbm4b:s11+s13], $0x1000, s14, s13, $0x38;
	[tilespmem:$0x1A400] =	vst v63  }
0x36: {  	v15 =	vld.idx.msk [tilespmem:v1+s5+$0x0], $0xffff  }
0x37: {  	v60 =	vld.idx.msk [tilespmem:v1+s20+$0x0], $0xffff;
	_ =	sdelay $0x3  }
0x38: {  	(v2sf) =	vpush v15, $0x0  }
0x39: {  	(v2sf) =	vpush v60, $0x0;
	_ =	sdelay $0xd  }
0x3a: {  	s12 =	spop (v2sf)  }
0x3b: {  	s21 =	sshra.s32 s12, $0x1F;
	s22 =	spop (v2sf)  }
0x3c: {  	s9 =	sshrl.u32 s21, $0x19;
	s6 =	sshra.s32 s22, $0x1F  }
0x3d: {  	s8 =	sadd.s32 s9, s12;
	s9 =	sshrl.u32 s6, $0x19  }
0x3e: {  	s8 =	sand.u32 $0xFFFFF80, s8;
	s9 =	sadd.s32 s9, s22  }
0x3f: {  	s11 =	sadd.s32 s0, s8;
	s9 =	sand.u32 $0xFFFFF80, s9  }
0x40: {  	[tilespmem:s19], [sflag:$0x2] =	stream.strided.gather [hbm4b:s11+s13], $0x1000, s14, s13, $0x38;
	[tilespmem:$0x1A400] =	vst v63  }
0x41: {  	s12 =	sadd.s32 s1, s9  }
0x42: {  	[tilespmem:s16], [sflag:$0x2] =	stream.strided.gather [hbm4b:s12+s13], $0x1000, s14, s13, $0x38;
	[tilespmem:$0x1A400] =	vst v63  }
0x43: {  	s8 =	sadd.s32 s3, s8  }
0x44: {  	[tilespmem:s17], [sflag:$0x2] =	stream.strided.gather [hbm4b:s8+s13], $0x1000, s14, s13, $0x38;
	[tilespmem:$0x1A400] =	vst v63  }
0x45: {  	s16 =	sadd.s32 s4, s9  }
0x46: {  	[tilespmem:s18], [sflag:$0x2] =	stream.strided.gather [hbm4b:s16+s13], $0x1000, s14, s13, $0x38;
	[tilespmem:$0x1A400] =	vst v63  }
0x47: {  	v15 =	vld.idx.msk [tilespmem:v3+s5+$0x0], $0xffff  }
0x48: {  	v61 =	vld.idx.msk [tilespmem:v3+s20+$0x0], $0xffff;
	_ =	sdelay $0x3  }
0x49: {  	(v2sf) =	vpush v15, $0x0  }
0x4a: {  	(v2sf) =	vpush v61, $0x0;
	_ =	sdelay $0xd  }
0x4b: {  	s17 =	spop (v2sf)  }
0x4c: {  	s18 =	sshra.s32 s17, $0x1F;
	s21 =	spop (v2sf)  }
0x4d: {  	s9 =	sshrl.u32 s18, $0x19;
	s22 =	sshra.s32 s21, $0x1F  }
0x4e: {  	s8 =	sadd.s32 s9, s17;
	s9 =	sshrl.u32 s22, $0x19  }
0x4f: {  	s8 =	sand.u32 $0xFFFFF80, s8;
	s9 =	sadd.s32 s9, s21  }
0x50: {  	s6 =	sadd.s32 s0, s8;
	s9 =	sand.u32 $0xFFFFF80, s9  }
0x51: {  	[tilespmem:s23], [sflag:$0x3] =	stream.strided.gather [hbm4b:s6+s13], $0x1000, s14, s13, $0x38;
	[tilespmem:$0x1A400] =	vst v63  }
0x52: {  	s12 =	simm.s32 $0xB400;
	s11 =	sadd.s32 s1, s9  }
0x53: {  	[tilespmem:s12], [sflag:$0x3] =	stream.strided.gather [hbm4b:s11+s13], $0x1000, s14, s13, $0x38;
	[tilespmem:$0x1A400] =	vst v63  }
0x54: {  	s16 =	simm.s32 $0xC400;
	s8 =	sadd.s32 s3, s8  }
0x55: {  	[tilespmem:s16], [sflag:$0x3] =	stream.strided.gather [hbm4b:s8+s13], $0x1000, s14, s13, $0x38;
	[tilespmem:$0x1A400] =	vst v63  }
0x56: {  	s18 =	simm.s32 $0xD400;
	s17 =	sadd.s32 s4, s9  }
0x57: {  	[tilespmem:s18], [sflag:$0x3] =	stream.strided.gather [hbm4b:s17+s13], $0x1000, s14, s13, $0x38;
	[tilespmem:$0x1A400] =	vst v63  }
0x58: {  	v15 =	vld.idx.msk [tilespmem:v4+s5+$0x0], $0xffff  }
0x59: {  	v62 =	vld.idx.msk [tilespmem:v4+s20+$0x0], $0xffff;
	_ =	sdelay $0x3  }
0x5a: {  	(v2sf) =	vpush v15, $0x0  }
0x5b: {  	(v2sf) =	vpush v62, $0x0;
	_ =	sdelay $0xd  }
0x5c: {  	s21 =	spop (v2sf)  }
0x5d: {  	s22 =	sshra.s32 s21, $0x1F;
	s6 =	spop (v2sf)  }
0x5e: {  	s9 =	sshrl.u32 s22, $0x19;
	s11 =	sshra.s32 s6, $0x1F  }
0x5f: {  	s8 =	sadd.s32 s9, s21;
	s9 =	sshrl.u32 s11, $0x19  }
0x60: {  	s8 =	sand.u32 $0xFFFFF80, s8;
	s9 =	sadd.s32 s9, s6  }
0x61: {  	s12 =	sadd.s32 s0, s8;
	s9 =	sand.u32 $0xFFFFF80, s9  }
0x62: {  	[tilespmem:s28], [sflag:$0x4] =	stream.strided.gather [hbm4b:s12+s13], $0x1000, s14, s13, $0x38;
	[tilespmem:$0x1A400] =	vst v63  }
0x63: {  	s17 =	simm.s32 $0xF400;
	s16 =	sadd.s32 s1, s9  }
0x64: {  	[tilespmem:s17], [sflag:$0x4] =	stream.strided.gather [hbm4b:s16+s13], $0x1000, s14, s13, $0x38;
	[tilespmem:$0x1A400] =	vst v63  }
0x65: {  	s18 =	simm.s32 $0x10400;
	s8 =	sadd.s32 s3, s8  }
0x66: {  	[tilespmem:s18], [sflag:$0x4] =	stream.strided.gather [hbm4b:s8+s13], $0x1000, s14, s13, $0x38;
	[tilespmem:$0x1A400] =	vst v63  }
0x67: {  	s22 =	simm.s32 $0x11400;
	s21 =	sadd.s32 s4, s9  }
0x68: {  	[tilespmem:s22], [sflag:$0x4] =	stream.strided.gather [hbm4b:s21+s13], $0x1000, s14, s13, $0x38;
	[tilespmem:$0x1A400] =	vst v63  }
0x69: {  	v15 =	vld.idx.msk [tilespmem:v5+s5+$0x0], $0xffff  }
0x6a: {  	v63 =	vld.idx.msk [tilespmem:v5+s20+$0x0], $0xffff;
	_ =	sdelay $0x3  }
0x6b: {  	(v2sf) =	vpush v15, $0x0  }
0x6c: {  	(v2sf) =	vpush v63, $0x0;
	_ =	sdelay $0xd  }
0x6d: {  	s6 =	spop (v2sf)  }
0x6e: {  	s10 =	sshra.s32 s6, $0x1F;
	s11 =	spop (v2sf)  }
0x6f: {  	s9 =	sshrl.u32 s10, $0x19;
	s12 =	sshra.s32 s11, $0x1F  }
0x70: {  	s8 =	sadd.s32 s9, s6;
	s9 =	sshrl.u32 s12, $0x19  }
0x71: {  	s8 =	sand.u32 $0xFFFFF80, s8;
	s9 =	sadd.s32 s9, s11  }
0x72: {  	s16 =	sadd.s32 s0, s8;
	s9 =	sand.u32 $0xFFFFF80, s9  }
0x73: {  	[tilespmem:s2], [sflag:$0x5] =	stream.strided.gather [hbm4b:s16+s13], $0x1000, s14, s13, $0x38;
	[tilespmem:$0x1A400] =	vst v63  }
0x74: {  	s18 =	simm.s32 $0x13400;
	s22 =	simm.s32 $0x15400;
	s17 =	sadd.s32 s1, s9  }
0x75: {  	[tilespmem:s18], [sflag:$0x5] =	stream.strided.gather [hbm4b:s17+s13], $0x1000, s14, s13, $0x38;
	[tilespmem:$0x1A400] =	vst v63  }
0x76: {  	s20 =	simm.s32 $0x14400;
	s10 =	simm.s32 $0x0;
	s8 =	sadd.s32 s3, s8  }
0x77: {  	[tilespmem:s20], [sflag:$0x5] =	stream.strided.gather [hbm4b:s8+s13], $0x1000, s14, s13, $0x38;
	[tilespmem:$0x1A400] =	vst v63  }
0x78: {  	s11 =	rddreg [dreg:$0xf];
	s21 =	sadd.s32 s4, s9;
	s9 =	simm.s32 $0x200  }
0x79: {  	[tilespmem:s22], [sflag:$0x5] =	stream.strided.gather [hbm4b:s21+s13], $0x1000, s14, s13, $0x38;
	[tilespmem:$0x1A400] =	vst v63  }
.LBB2_2:
0x7a: {  	v15 =	vadd.s32 s10, v0  }
0x7b: {  	vm0 =	vlt.s32 v15, $0x1FF  }
0x7c: {  	v15 =	vnsel vm0, $0x1FF, v15;
	_ =	sdelay $0x3  }
0x7d: {  	s5 =	simm.s32 $0x0  }
0x7e: {  	s21 =	simm.s32 $0x200;
	v16 =	vld.idx.msk [tilespmem:v15+s5+$0x0], $0xffff  }
0x7f: {  	v15 =	vld.idx.msk [tilespmem:v15+s21+$0x0], $0xffff;
	_ =	sdelay $0x3  }
0x80: {  	(v2sf) =	vpush v16, $0x5  }
0x81: {  	(v2sf) =	vpush v15, $0x5;
	_ =	sdelay $0x7  }
0x82: {  	(v2sf) =	vpush v16, $0x0;
	_ =	sdelay $0x5  }
0x83: {  	s16 =	spop (v2sf)  }
0x84: {  	s8 =	sshra.s32 s16, $0x1F;
	s12 =	spop (v2sf)  }
0x85: {  	(v2sf) =	vpush v15, $0x0;
	s8 =	sshrl.u32 s8, $0x19;
	s22 =	sshra.s32 s12, $0x1F  }
0x86: {  	s17 =	sadd.s32 s8, s16;
	s8 =	sshrl.u32 s22, $0x19  }
0x87: {  	s18 =	sand.u32 $0xFFFFF80, s17;
	s8 =	sadd.s32 s8, s12  }
0x88: {  	s20 =	sadd.s32 s0, s18;
	s21 =	sand.u32 $0xFFFFF80, s8  }
0x89: {  	[tilespmem:s29], [sflag:$0x6] =	stream.strided.gather [hbm4b:s20+s13], $0x1000, s14, s13, $0x38;
	[tilespmem:$0x1A400] =	vst v63  }
0x8a: {  	s5 =	rddreg [dreg:$0x8];
	s22 =	sadd.s32 s1, s21  }
0x8b: {  	[tilespmem:s5], [sflag:$0x6] =	stream.strided.gather [hbm4b:s22+s13], $0x1000, s14, s13, $0x38;
	[tilespmem:$0x1A400] =	vst v63  }
0x8c: {  	s5 =	spop (v2sf)  }
0x8d: {  	s6 =	rddreg [dreg:$0x9];
	s18 =	sadd.s32 s3, s18;
	s20 =	sshra.s32 s5, $0x1F  }
0x8e: {  	[tilespmem:s6], [sflag:$0x6] =	stream.strided.gather [hbm4b:s18+s13], $0x1000, s14, s13, $0x38;
	[tilespmem:$0x1A400] =	vst v63  }
0x8f: {  	s18 =	sshrl.u32 s20, $0x19  }
0x90: {  	s18 =	sadd.s32 s18, s5  }
0x91: {  	s18 =	sand.u32 $0xFFFFFF80, s18  }
0x92: {  	s21 =	sadd.s32 s4, s21;
	s22 =	rddreg [dreg:$0xa];
	s6 =	ssub.s32 s5, s18  }
0x93: {  	[tilespmem:s22], [sflag:$0x6] =	stream.strided.gather [hbm4b:s21+s13], $0x1000, s14, s13, $0x38;
	v17 =	vadd.s32 s6, v2;
	[tilespmem:$0x1A400] =	vst v63  }
0x94: {  	s5 =	spop (v2sf)  }
0x95: {  	_ =	swait.ge [sflag:s30], $0x4000  }
0x96: {  	[sflag:s30] =	ssyncset.done $0x0  }
0x97: {  	[sflag:s30] =	ssyncadd.s32 $0xFFFFC000  }
0x98: {  	v17 =	vld.idx.msk [tilespmem:v17+s15+$0x0], $0xffff  }
0x99: {  	v18 =	vadd.s32 s6, v6  }
0x9a: {  	s21 =	sshra.s32 s5, $0x1F  }
0x9b: {  	s22 =	sadd.s32 $0xFFFFFE00, s9;
	s20 =	sshrl.u32 s21, $0x19  }
0x9c: {  	s21 =	sand.u32 $0x1F00, s22;
	s20 =	sadd.s32 s20, s5  }
0x9d: {  	s20 =	sand.u32 $0xFFFFFF80, s20;
	[tilespmem:s21+$0x400] =	vst v17  }
0x9e: {  	s18 =	ssub.s32 s5, s20;
	v17 =	vld.idx.msk [tilespmem:v18+s15+$0x0], $0xffff  }
0x9f: {  	v62 =	vadd.s32 s18, v7;
	_ =	sdelay $0x3  }
0xa0: {  	[tilespmem:s21+$0x410] =	vst v17  }
0xa1: {  	v17 =	vld.idx.msk [tilespmem:v62+s15+$0x0], $0xffff  }
0xa2: {  	v63 =	vadd.s32 s18, v8;
	_ =	sdelay $0x3  }
0xa3: {  	[tilespmem:s21+$0x420] =	vst v17  }
0xa4: {  	v17 =	vld.idx.msk [tilespmem:v63+s15+$0x0], $0xffff  }
0xa5: {  	v21 =	vadd.s32 s6, v9;
	_ =	sdelay $0x3  }
0xa6: {  	[tilespmem:s21+$0x430] =	vst v17  }
0xa7: {  	v17 =	vld.idx.msk [tilespmem:v21+s15+$0x0], $0xffff  }
0xa8: {  	v22 =	vadd.s32 s6, v10  }
0xa9: {  	(v2sf) =	vpush v16, $0x6  }
0xaa: {  	(v2sf) =	vpush v15, $0x6;
	_ =	sdelay $0x1  }
0xab: {  	[tilespmem:s21+$0x440] =	vst v17  }
0xac: {  	v17 =	vld.idx.msk [tilespmem:v22+s15+$0x0], $0xffff  }
0xad: {  	v23 =	vadd.s32 s18, v11;
	_ =	sdelay $0x2  }
0xae: {  	(v2sf) =	vpush v16, $0x1  }
0xaf: {  	[tilespmem:s21+$0x450] =	vst v17  }
0xb0: {  	v17 =	vld.idx.msk [tilespmem:v23+s15+$0x0], $0xffff  }
0xb1: {  	v24 =	vadd.s32 s18, v12;
	_ =	sdelay $0x3  }
0xb2: {  	s5 =	spop (v2sf);
	[tilespmem:s21+$0x460] =	vst v17  }
0xb3: {  	s20 =	sshra.s32 s5, $0x1F;
	s22 =	spop (v2sf);
	(v2sf) =	vpush v15, $0x1;
	v17 =	vld.idx.msk [tilespmem:v24+s15+$0x0], $0xffff  }
0xb4: {  	s18 =	sshrl.u32 s20, $0x19  }
0xb5: {  	s6 =	sadd.s32 s18, s5;
	s5 =	sshra.s32 s22, $0x1F  }
0xb6: {  	s18 =	sshrl.u32 s5, $0x19  }
0xb7: {  	s6 =	sand.u32 $0xFFFFF80, s6;
	s18 =	sadd.s32 s18, s22  }
0xb8: {  	s22 =	sadd.s32 s0, s6;
	s18 =	sand.u32 $0xFFFFF80, s18;
	[tilespmem:s21+$0x470] =	vst v17  }
0xb9: {  	[tilespmem:s15], [sflag:$0x1] =	stream.strided.gather [hbm4b:s22+s13], $0x1000, s14, s13, $0x38;
	[tilespmem:$0x1A400] =	vst v63  }
0xba: {  	s5 =	sadd.s32 s1, s18;
	s21 =	spop (v2sf)  }
0xbb: {  	[tilespmem:s26], [sflag:$0x1] =	stream.strided.gather [hbm4b:s5+s13], $0x1000, s14, s13, $0x38;
	[tilespmem:$0x1A400] =	vst v63  }
0xbc: {  	s20 =	simm.s32 $0x4400;
	s6 =	sadd.s32 s3, s6;
	s22 =	sshra.s32 s21, $0x1F  }
0xbd: {  	[tilespmem:s20], [sflag:$0x1] =	stream.strided.gather [hbm4b:s6+s13], $0x1000, s14, s13, $0x38;
	[tilespmem:$0x1A400] =	vst v63  }
0xbe: {  	s20 =	sshrl.u32 s22, $0x19  }
0xbf: {  	s20 =	sadd.s32 s20, s21  }
0xc0: {  	s20 =	sand.u32 $0xFFFFFF80, s20  }
0xc1: {  	s6 =	ssub.s32 s21, s20  }
0xc2: {  	s18 =	sadd.s32 s4, s18;
	s26 =	simm.s32 $0x5400;
	s5 =	spop (v2sf);
	v25 =	vadd.s32 s6, v2  }
0xc3: {  	[tilespmem:s26], [sflag:$0x1] =	stream.strided.gather [hbm4b:s18+s13], $0x1000, s14, s13, $0x38;
	[tilespmem:$0x1A400] =	vst v63  }
0xc4: {  	_ =	swait.ge [sflag:s31], $0x4000  }
0xc5: {  	[sflag:s31] =	ssyncset.done $0x0  }
0xc6: {  	[sflag:s31] =	ssyncadd.s32 $0xFFFFC000  }
0xc7: {  	v17 =	vld.idx.msk [tilespmem:v25+s19+$0x0], $0xffff  }
0xc8: {  	v26 =	vadd.s32 s6, v6  }
0xc9: {  	s21 =	sshra.s32 s5, $0x1F  }
0xca: {  	s22 =	sand.u32 $0x3E, s10;
	s20 =	sshrl.u32 s21, $0x19  }
0xcb: {  	s26 =	sshll.u32 s22, $0x7;
	s20 =	sadd.s32 s20, s5  }
0xcc: {  	s20 =	sand.u32 $0xFFFFFF80, s20;
	[tilespmem:s26+$0x480] =	vst v17  }
0xcd: {  	s18 =	ssub.s32 s5, s20;
	v17 =	vld.idx.msk [tilespmem:v26+s19+$0x0], $0xffff  }
0xce: {  	v27 =	vadd.s32 s18, v7;
	_ =	sdelay $0x3  }
0xcf: {  	[tilespmem:s26+$0x490] =	vst v17  }
0xd0: {  	v17 =	vld.idx.msk [tilespmem:v27+s19+$0x0], $0xffff  }
0xd1: {  	v28 =	vadd.s32 s18, v8;
	_ =	sdelay $0x3  }
0xd2: {  	[tilespmem:s26+$0x4A0] =	vst v17  }
0xd3: {  	v17 =	vld.idx.msk [tilespmem:v28+s19+$0x0], $0xffff  }
0xd4: {  	v29 =	vadd.s32 s6, v9;
	_ =	sdelay $0x3  }
0xd5: {  	[tilespmem:s26+$0x4B0] =	vst v17  }
0xd6: {  	v17 =	vld.idx.msk [tilespmem:v29+s19+$0x0], $0xffff  }
0xd7: {  	v30 =	vadd.s32 s6, v10;
	_ =	sdelay $0x3  }
0xd8: {  	[tilespmem:s26+$0x4C0] =	vst v17  }
0xd9: {  	v17 =	vld.idx.msk [tilespmem:v30+s19+$0x0], $0xffff  }
0xda: {  	v31 =	vadd.s32 s18, v11;
	_ =	sdelay $0x3  }
0xdb: {  	[tilespmem:s26+$0x4D0] =	vst v17  }
0xdc: {  	v17 =	vld.idx.msk [tilespmem:v31+s19+$0x0], $0xffff  }
0xdd: {  	v32 =	vadd.s32 s18, v12;
	_ =	sdelay $0x3  }
0xde: {  	[tilespmem:s26+$0x4E0] =	vst v17  }
0xdf: {  	v17 =	vld.idx.msk [tilespmem:v32+s19+$0x0], $0xffff;
	_ =	sdelay $0x3  }
0xe0: {  	p0 =	sne.s32 s22, $0x3E  }
0xe1: {  	s6 =	simm.s32 @!p0 $0x0;
	s18 =	simm.s32 @!p0 $0x400;
	[tilespmem:s26+$0x4F0] =	vst v17  }
0xe2: {  	[hbm4b:s11+s6] =	stream.linear.scatter @!p0 [tilespmem:s18], [sflag:$0x8], $0x2000, $0x38;
	[tilespmem:$0x1A400] =	vst v63  }
0xe3: {  	s6 =	simm.s32 @!p0 $0x8  }
0xe4: {  	_ =	swait.ge @!p0 [sflag:s6], $0x2000  }
0xe5: {  	(v2sf) =	vpush v16, $0x7  }
0xe6: {  	(v2sf) =	vpush v15, $0x7;
	_ =	sdelay $0x5  }
0xe7: {  	(v2sf) =	vpush v16, $0x2;
	_ =	sdelay $0x7  }
0xe8: {  	s5 =	spop (v2sf)  }
0xe9: {  	s21 =	sshra.s32 s5, $0x1F;
	s22 =	spop (v2sf);
	(v2sf) =	vpush v15, $0x2  }
0xea: {  	s20 =	sshrl.u32 s21, $0x19;
	s26 =	sshra.s32 s22, $0x1F  }
0xeb: {  	s18 =	sadd.s32 s20, s5;
	s20 =	sshrl.u32 s26, $0x19  }
0xec: {  	[sflag:s6] =	ssyncset.done @!p0 $0x0;
	s18 =	sand.u32 $0xFFFFF80, s18;
	s5 =	sadd.s32 s20, s22  }
0xed: {  	[sflag:s6] =	ssyncadd.s32 @!p0 $0xFFFFE000;
	s21 =	sadd.s32 s0, s18;
	s6 =	sand.u32 $0xFFFFF80, s5  }
0xee: {  	[tilespmem:s19], [sflag:$0x2] =	stream.strided.gather [hbm4b:s21+s13], $0x1000, s14, s13, $0x38;
	[tilespmem:$0x1A400] =	vst v63  }
0xef: {  	s26 =	simm.s32 $0x7400;
	s22 =	sadd.s32 s1, s6;
	s21 =	spop (v2sf)  }
0xf0: {  	[tilespmem:s26], [sflag:$0x2] =	stream.strided.gather [hbm4b:s22+s13], $0x1000, s14, s13, $0x38;
	[tilespmem:$0x1A400] =	vst v63  }
0xf1: {  	s20 =	simm.s32 $0x8400;
	s18 =	sadd.s32 s3, s18;
	s22 =	sshra.s32 s21, $0x1F  }
0xf2: {  	[tilespmem:s20], [sflag:$0x2] =	stream.strided.gather [hbm4b:s18+s13], $0x1000, s14, s13, $0x38;
	[tilespmem:$0x1A400] =	vst v63  }
0xf3: {  	s20 =	sshrl.u32 s22, $0x19  }
0xf4: {  	s20 =	sadd.s32 s20, s21  }
0xf5: {  	s20 =	sand.u32 $0xFFFFFF80, s20  }
0xf6: {  	s6 =	sadd.s32 s4, s6;
	s26 =	simm.s32 $0x9400;
	s18 =	ssub.s32 s21, s20  }
0xf7: {  	[tilespmem:s26], [sflag:$0x2] =	stream.strided.gather [hbm4b:s6+s13], $0x1000, s14, s13, $0x38;
	v33 =	vadd.s32 s18, v2;
	[tilespmem:$0x1A400] =	vst v63  }
0xf8: {  	s5 =	spop (v2sf)  }
0xf9: {  	_ =	swait.ge [sflag:s24], $0x4000  }
0xfa: {  	[sflag:s24] =	ssyncset.done $0x0  }
0xfb: {  	[sflag:s24] =	ssyncadd.s32 $0xFFFFC000  }
0xfc: {  	v17 =	vld.idx.msk [tilespmem:v33+s23+$0x0], $0xffff  }
0xfd: {  	v34 =	vadd.s32 s18, v6  }
0xfe: {  	s22 =	sshra.s32 s5, $0x1F  }
0xff: {  	s26 =	sadd.s32 $0xFFFFFF00, s9;
	s20 =	sshrl.u32 s22, $0x19  }
0x100: {  	s21 =	sand.u32 $0x1F00, s26;
	s20 =	sadd.s32 s20, s5  }
0x101: {  	s20 =	sand.u32 $0xFFFFFF80, s20;
	[tilespmem:s21+$0x400] =	vst v17  }
0x102: {  	s6 =	ssub.s32 s5, s20;
	v17 =	vld.idx.msk [tilespmem:v34+s23+$0x0], $0xffff  }
0x103: {  	v35 =	vadd.s32 s6, v7;
	_ =	sdelay $0x3  }
0x104: {  	[tilespmem:s21+$0x410] =	vst v17  }
0x105: {  	v17 =	vld.idx.msk [tilespmem:v35+s23+$0x0], $0xffff  }
0x106: {  	v36 =	vadd.s32 s6, v8;
	_ =	sdelay $0x3  }
0x107: {  	[tilespmem:s21+$0x420] =	vst v17  }
0x108: {  	v17 =	vld.idx.msk [tilespmem:v36+s23+$0x0], $0xffff  }
0x109: {  	v37 =	vadd.s32 s18, v9;
	_ =	sdelay $0x3  }
0x10a: {  	[tilespmem:s21+$0x430] =	vst v17  }
0x10b: {  	v17 =	vld.idx.msk [tilespmem:v37+s23+$0x0], $0xffff  }
0x10c: {  	p0 =	seq.s32 s10, $0x1F8;
	v38 =	vadd.s32 s18, v10  }
0x10d: {  	(v2sf) =	vpush @!p0 v16, $0x8;
	_ =	sdelay $0x1  }
0x10e: {  	(v2sf) =	vpush @!p0 v15, $0x8  }
0x10f: {  	[tilespmem:s21+$0x440] =	vst v17  }
0x110: {  	v17 =	vld.idx.msk [tilespmem:v38+s23+$0x0], $0xffff  }
0x111: {  	v39 =	vadd.s32 s6, v11;
	_ =	sdelay $0x3  }
0x112: {  	[tilespmem:s21+$0x450] =	vst v17  }
0x113: {  	v17 =	vld.idx.msk [tilespmem:v39+s23+$0x0], $0xffff  }
0x114: {  	v40 =	vadd.s32 s6, v12;
	_ =	sdelay $0x1  }
0x115: {  	(v2sf) =	vpush v16, $0x3;
	_ =	sdelay $0x1  }
0x116: {  	s6 =	spop @!p0 (v2sf);
	[tilespmem:s21+$0x460] =	vst v17  }
0x117: {  	s18 =	sshra.s32 @!p0 s6, $0x1F;
	v17 =	vld.idx.msk [tilespmem:v40+s23+$0x0], $0xffff  }
0x118: {  	s20 =	spop @!p0 (v2sf);
	s18 =	sshrl.u32 @!p0 s18, $0x19  }
0x119: {  	s6 =	sadd.s32 @!p0 s18, s6;
	s18 =	sshra.s32 @!p0 s20, $0x1F  }
0x11a: {  	s6 =	sand.u32 @!p0 $0xFFFFF80, s6;
	s18 =	sshrl.u32 @!p0 s18, $0x19  }
0x11b: {  	(v2sf) =	vpush v15, $0x3;
	s22 =	sadd.s32 @!p0 s18, s20;
	s26 =	sadd.s32 @!p0 s0, s6  }
0x11c: {  	s18 =	simm.s32 @!p0 $0x400;
	s20 =	simm.s32 @!p0 $0x7A1400;
	[tilespmem:s21+$0x470] =	vst v17;
	s21 =	simm.s32 @!p0 $0xA400  }
0x11d: {  	[tilespmem:s21], [sflag:$0x3] =	stream.strided.gather @!p0 [hbm4b:s26+s18], $0x1000, s20, s18, $0x38;
	[tilespmem:$0x1A400] =	vst v63  }
0x11e: {  	s21 =	sand.u32 @!p0 $0xFFFFF80, s22  }
0x11f: {  	s26 =	simm.s32 @!p0 $0xB400;
	s22 =	sadd.s32 @!p0 s1, s21  }
0x120: {  	[tilespmem:s26], [sflag:$0x3] =	stream.strided.gather @!p0 [hbm4b:s22+s18], $0x1000, s20, s18, $0x38;
	[tilespmem:$0x1A400] =	vst v63  }
0x121: {  	s6 =	sadd.s32 @!p0 s3, s6;
	s22 =	simm.s32 @!p0 $0xC400  }
0x122: {  	[tilespmem:s22], [sflag:$0x3] =	stream.strided.gather @!p0 [hbm4b:s6+s18], $0x1000, s20, s18, $0x38;
	[tilespmem:$0x1A400] =	vst v63  }
0x123: {  	s6 =	spop (v2sf)  }
0x124: {  	s5 =	sshra.s32 s6, $0x1F  }
0x125: {  	s22 =	sshrl.u32 s5, $0x19  }
0x126: {  	s22 =	sadd.s32 s22, s6  }
0x127: {  	s22 =	sand.u32 $0xFFFFFF80, s22  }
0x128: {  	s21 =	sadd.s32 @!p0 s4, s21;
	s26 =	simm.s32 @!p0 $0xD400;
	s6 =	ssub.s32 s6, s22  }
0x129: {  	[tilespmem:s26], [sflag:$0x3] =	stream.strided.gather @!p0 [hbm4b:s21+s18], $0x1000, s20, s18, $0x38;
	v41 =	vadd.s32 s6, v2;
	[tilespmem:$0x1A400] =	vst v63  }
0x12a: {  	s21 =	spop (v2sf)  }
0x12b: {  	_ =	swait.ge [sflag:s25], $0x4000  }
0x12c: {  	[sflag:s25] =	ssyncset.done $0x0  }
0x12d: {  	[sflag:s25] =	ssyncadd.s32 $0xFFFFC000  }
0x12e: {  	v17 =	vld.idx.msk [tilespmem:v41+s28+$0x0], $0xffff  }
0x12f: {  	v42 =	vadd.s32 s6, v6  }
0x130: {  	s26 =	sadd.s32 $0x3, s10;
	s5 =	sshra.s32 s21, $0x1F  }
0x131: {  	s22 =	sand.u32 $0x3F, s26;
	s26 =	sshrl.u32 s5, $0x19  }
0x132: {  	s26 =	sadd.s32 s26, s21;
	s5 =	sshll.u32 s22, $0x7  }
0x133: {  	s26 =	sand.u32 $0xFFFFFF80, s26;
	[tilespmem:s5+$0x400] =	vst v17  }
0x134: {  	s21 =	ssub.s32 s21, s26;
	v17 =	vld.idx.msk [tilespmem:v42+s28+$0x0], $0xffff  }
0x135: {  	v43 =	vadd.s32 s21, v7;
	_ =	sdelay $0x3  }
0x136: {  	[tilespmem:s5+$0x410] =	vst v17  }
0x137: {  	v17 =	vld.idx.msk [tilespmem:v43+s28+$0x0], $0xffff  }
0x138: {  	v44 =	vadd.s32 s21, v8;
	_ =	sdelay $0x3  }
0x139: {  	[tilespmem:s5+$0x420] =	vst v17  }
0x13a: {  	v17 =	vld.idx.msk [tilespmem:v44+s28+$0x0], $0xffff  }
0x13b: {  	v45 =	vadd.s32 s6, v9;
	_ =	sdelay $0x3  }
0x13c: {  	[tilespmem:s5+$0x430] =	vst v17  }
0x13d: {  	v17 =	vld.idx.msk [tilespmem:v45+s28+$0x0], $0xffff  }
0x13e: {  	v46 =	vadd.s32 s6, v10;
	_ =	sdelay $0x3  }
0x13f: {  	[tilespmem:s5+$0x440] =	vst v17  }
0x140: {  	v17 =	vld.idx.msk [tilespmem:v46+s28+$0x0], $0xffff  }
0x141: {  	v47 =	vadd.s32 s21, v11;
	_ =	sdelay $0x3  }
0x142: {  	[tilespmem:s5+$0x450] =	vst v17  }
0x143: {  	v17 =	vld.idx.msk [tilespmem:v47+s28+$0x0], $0xffff  }
0x144: {  	v48 =	vadd.s32 s21, v12;
	_ =	sdelay $0x3  }
0x145: {  	[tilespmem:s5+$0x460] =	vst v17  }
0x146: {  	v17 =	vld.idx.msk [tilespmem:v48+s28+$0x0], $0xffff;
	_ =	sdelay $0x3  }
0x147: {  	p1 =	sne.s32 s22, $0x3F  }
0x148: {  	s6 =	simm.s32 @!p1 $0x0;
	s21 =	simm.s32 @!p1 $0x400;
	[tilespmem:s5+$0x470] =	vst v17;
	s5 =	sadd.s32 @!p1 $0x20, s11  }
0x149: {  	[hbm4b:s5+s6] =	stream.linear.scatter @!p1 [tilespmem:s21], [sflag:$0x8], $0x2000, $0x38;
	[tilespmem:$0x1A400] =	vst v63  }
0x14a: {  	s5 =	simm.s32 @!p1 $0x8  }
0x14b: {  	_ =	swait.ge @!p1 [sflag:s5], $0x2000  }
0x14c: {  	(v2sf) =	vpush @!p0 v16, $0x9;
	_ =	sdelay $0x1  }
0x14d: {  	(v2sf) =	vpush @!p0 v15, $0x9;
	_ =	sdelay $0x9  }
0x14e: {  	(v2sf) =	vpush v16, $0x4;
	_ =	sdelay $0x2  }
0x14f: {  	s6 =	spop @!p0 (v2sf)  }
0x150: {  	s21 =	sshra.s32 @!p0 s6, $0x1F  }
0x151: {  	s22 =	spop @!p0 (v2sf);
	s21 =	sshrl.u32 @!p0 s21, $0x19  }
0x152: {  	[sflag:s5] =	ssyncset.done @!p1 $0x0;
	s6 =	sadd.s32 @!p0 s21, s6;
	s21 =	sshra.s32 @!p0 s22, $0x1F  }
0x153: {  	[sflag:s5] =	ssyncadd.s32 @!p1 $0xFFFFE000;
	(v2sf) =	vpush v15, $0x4;
	s5 =	sand.u32 @!p0 $0xFFFFF80, s6;
	s6 =	sshrl.u32 @!p0 s21, $0x19  }
0x154: {  	s6 =	sadd.s32 @!p0 s6, s22;
	s21 =	sadd.s32 @!p0 s0, s5;
	s22 =	simm.s32 @!p0 $0xE400  }
0x155: {  	[tilespmem:s22], [sflag:$0x4] =	stream.strided.gather @!p0 [hbm4b:s21+s18], $0x1000, s20, s18, $0x38;
	[tilespmem:$0x1A400] =	vst v63  }
0x156: {  	s6 =	sand.u32 @!p0 $0xFFFFF80, s6  }
0x157: {  	s22 =	simm.s32 @!p0 $0xF400;
	s21 =	sadd.s32 @!p0 s1, s6  }
0x158: {  	[tilespmem:s22], [sflag:$0x4] =	stream.strided.gather @!p0 [hbm4b:s21+s18], $0x1000, s20, s18, $0x38;
	[tilespmem:$0x1A400] =	vst v63  }
0x159: {  	s5 =	sadd.s32 @!p0 s3, s5;
	s21 =	simm.s32 @!p0 $0x10400  }
0x15a: {  	[tilespmem:s21], [sflag:$0x4] =	stream.strided.gather @!p0 [hbm4b:s5+s18], $0x1000, s20, s18, $0x38;
	[tilespmem:$0x1A400] =	vst v63  }
0x15b: {  	s5 =	spop (v2sf)  }
0x15c: {  	s22 =	sshra.s32 s5, $0x1F  }
0x15d: {  	s21 =	sshrl.u32 s22, $0x19  }
0x15e: {  	s21 =	sadd.s32 s21, s5  }
0x15f: {  	s21 =	sand.u32 $0xFFFFFF80, s21  }
0x160: {  	s6 =	sadd.s32 @!p0 s4, s6;
	s22 =	simm.s32 @!p0 $0x11400;
	s5 =	ssub.s32 s5, s21  }
0x161: {  	[tilespmem:s22], [sflag:$0x4] =	stream.strided.gather @!p0 [hbm4b:s6+s18], $0x1000, s20, s18, $0x38;
	v49 =	vadd.s32 s5, v2;
	[tilespmem:$0x1A400] =	vst v63  }
0x162: {  	s6 =	spop (v2sf)  }
0x163: {  	_ =	swait.ge [sflag:s7], $0x4000  }
0x164: {  	[sflag:s7] =	ssyncset.done $0x0  }
0x165: {  	[sflag:s7] =	ssyncadd.s32 $0xFFFFC000  }
0x166: {  	v17 =	vld.idx.msk [tilespmem:v49+s2+$0x0], $0xffff  }
0x167: {  	v50 =	vadd.s32 s5, v6  }
0x168: {  	s22 =	sshra.s32 s6, $0x1F  }
0x169: {  	s21 =	sshrl.u32 s22, $0x19  }
0x16a: {  	s22 =	sand.u32 $0x1F00, s9;
	s21 =	sadd.s32 s21, s6  }
0x16b: {  	s21 =	sand.u32 $0xFFFFFF80, s21;
	[tilespmem:s22+$0x400] =	vst v17  }
0x16c: {  	s6 =	ssub.s32 s6, s21;
	v17 =	vld.idx.msk [tilespmem:v50+s2+$0x0], $0xffff  }
0x16d: {  	v51 =	vadd.s32 s6, v7;
	_ =	sdelay $0x3  }
0x16e: {  	[tilespmem:s22+$0x410] =	vst v17  }
0x16f: {  	v17 =	vld.idx.msk [tilespmem:v51+s2+$0x0], $0xffff  }
0x170: {  	v52 =	vadd.s32 s6, v8;
	_ =	sdelay $0x3  }
0x171: {  	[tilespmem:s22+$0x420] =	vst v17  }
0x172: {  	v17 =	vld.idx.msk [tilespmem:v52+s2+$0x0], $0xffff  }
0x173: {  	v53 =	vadd.s32 s5, v9;
	_ =	sdelay $0x3  }
0x174: {  	[tilespmem:s22+$0x430] =	vst v17  }
0x175: {  	v17 =	vld.idx.msk [tilespmem:v53+s2+$0x0], $0xffff  }
0x176: {  	v54 =	vadd.s32 s5, v10  }
0x177: {  	(v2sf) =	vpush @!p0 v16, $0xA;
	_ =	sdelay $0x1  }
0x178: {  	(v2sf) =	vpush @!p0 v15, $0xA  }
0x179: {  	[tilespmem:s22+$0x440] =	vst v17  }
0x17a: {  	v15 =	vld.idx.msk [tilespmem:v54+s2+$0x0], $0xffff  }
0x17b: {  	v55 =	vadd.s32 s6, v11;
	_ =	sdelay $0x3  }
0x17c: {  	[tilespmem:s22+$0x450] =	vst v15  }
0x17d: {  	v15 =	vld.idx.msk [tilespmem:v55+s2+$0x0], $0xffff  }
0x17e: {  	v56 =	vadd.s32 s6, v12;
	_ =	sdelay $0x3  }
0x17f: {  	s5 =	spop @!p0 (v2sf);
	[tilespmem:s22+$0x460] =	vst v15  }
0x180: {  	s6 =	sshra.s32 @!p0 s5, $0x1F;
	v15 =	vld.idx.msk [tilespmem:v56+s2+$0x0], $0xffff  }
0x181: {  	s21 =	spop @!p0 (v2sf);
	s6 =	sshrl.u32 @!p0 s6, $0x19  }
0x182: {  	s5 =	sadd.s32 @!p0 s6, s5;
	s6 =	sshra.s32 @!p0 s21, $0x1F  }
0x183: {  	s6 =	sshrl.u32 @!p0 s6, $0x19  }
0x184: {  	s5 =	sand.u32 @!p0 $0xFFFFF80, s5;
	s6 =	sadd.s32 @!p0 s6, s21  }
0x185: {  	s21 =	sadd.s32 @!p0 s0, s5;
	s6 =	sand.u32 @!p0 $0xFFFFF80, s6;
	[tilespmem:s22+$0x470] =	vst v15;
	s22 =	simm.s32 @!p0 $0x12400  }
0x186: {  	[tilespmem:s22], [sflag:$0x5] =	stream.strided.gather @!p0 [hbm4b:s21+s18], $0x1000, s20, s18, $0x38;
	[tilespmem:$0x1A400] =	vst v63  }
0x187: {  	s21 =	sadd.s32 @!p0 s1, s6;
	s22 =	simm.s32 @!p0 $0x13400  }
0x188: {  	[tilespmem:s22], [sflag:$0x5] =	stream.strided.gather @!p0 [hbm4b:s21+s18], $0x1000, s20, s18, $0x38;
	[tilespmem:$0x1A400] =	vst v63  }
0x189: {  	s17 =	sand.u32 $0xFFFFFF80, s17;
	s5 =	sadd.s32 @!p0 s3, s5;
	s21 =	simm.s32 @!p0 $0x14400  }
0x18a: {  	[tilespmem:s21], [sflag:$0x5] =	stream.strided.gather @!p0 [hbm4b:s5+s18], $0x1000, s20, s18, $0x38;
	[tilespmem:$0x1A400] =	vst v63  }
0x18b: {  	s5 =	ssub.s32 s16, s17  }
0x18c: {  	s6 =	sadd.s32 @!p0 s4, s6;
	s22 =	simm.s32 $0x6;
	s16 =	simm.s32 @!p0 $0x15400;
	v15 =	vadd.s32 s5, v2  }
0x18d: {  	[tilespmem:s16], [sflag:$0x5] =	stream.strided.gather @!p0 [hbm4b:s6+s18], $0x1000, s20, s18, $0x38;
	[tilespmem:$0x1A400] =	vst v63  }
0x18e: {  	_ =	swait.ge [sflag:s22], $0x4000  }
0x18f: {  	[sflag:s22] =	ssyncset.done $0x0  }
0x190: {  	[sflag:s22] =	ssyncadd.s32 $0xFFFFC000  }
0x191: {  	v15 =	vld.idx.msk [tilespmem:v15+s29+$0x0], $0xffff  }
0x192: {  	v57 =	vadd.s32 s5, v6  }
0x193: {  	s21 =	sadd.s32 $0x5, s10  }
0x194: {  	s6 =	sand.u32 $0x3F, s21  }
0x195: {  	s22 =	sshll.u32 s6, $0x7  }
0x196: {  	s8 =	sand.u32 $0xFFFFFF80, s8;
	[tilespmem:s22+$0x400] =	vst v15  }
0x197: {  	s8 =	ssub.s32 s12, s8;
	v15 =	vld.idx.msk [tilespmem:v57+s29+$0x0], $0xffff  }
0x198: {  	v58 =	vadd.s32 s8, v7;
	_ =	sdelay $0x3  }
0x199: {  	[tilespmem:s22+$0x410] =	vst v15  }
0x19a: {  	v15 =	vld.idx.msk [tilespmem:v58+s29+$0x0], $0xffff  }
0x19b: {  	v59 =	vadd.s32 s8, v8;
	_ =	sdelay $0x3  }
0x19c: {  	[tilespmem:s22+$0x420] =	vst v15  }
0x19d: {  	v15 =	vld.idx.msk [tilespmem:v59+s29+$0x0], $0xffff  }
0x19e: {  	v60 =	vadd.s32 s5, v9;
	_ =	sdelay $0x3  }
0x19f: {  	[tilespmem:s22+$0x430] =	vst v15  }
0x1a0: {  	v15 =	vld.idx.msk [tilespmem:v60+s29+$0x0], $0xffff  }
0x1a1: {  	v61 =	vadd.s32 s5, v10;
	_ =	sdelay $0x3  }
0x1a2: {  	[tilespmem:s22+$0x440] =	vst v15  }
0x1a3: {  	v15 =	vld.idx.msk [tilespmem:v61+s29+$0x0], $0xffff  }
0x1a4: {  	v62 =	vadd.s32 s8, v11;
	_ =	sdelay $0x3  }
0x1a5: {  	[tilespmem:s22+$0x450] =	vst v15  }
0x1a6: {  	v15 =	vld.idx.msk [tilespmem:v62+s29+$0x0], $0xffff  }
0x1a7: {  	v63 =	vadd.s32 s8, v12;
	_ =	sdelay $0x3  }
0x1a8: {  	[tilespmem:s22+$0x460] =	vst v15  }
0x1a9: {  	v15 =	vld.idx.msk [tilespmem:v63+s29+$0x0], $0xffff;
	_ =	sdelay $0x2  }
0x1aa: {  	s10 =	sadd.s32 $0x6, s10  }
0x1ab: {  	p1 =	sne.s32 s10, $0x1FE;
	p0 =	sne.s32 s6, $0x3F  }
0x1ac: {  	s5 =	sadd.s32 @!p0 $0x40, s11;
	s8 =	simm.s32 @!p0 $0x400;
	s6 =	simm.s32 @!p0 $0x0;
	[tilespmem:s22+$0x470] =	vst v15  }
0x1ad: {  	[hbm4b:s5+s6] =	stream.linear.scatter @!p0 [tilespmem:s8], [sflag:$0x7], $0x2000, $0x38;
	[tilespmem:$0x1A400] =	vst v63  }
.Ltmp0:
0x1ae: {  	_ = 	snop;
	(pc) =	sbr.rel @p1 .LBB2_2-.Ltmp0, $4  }
0x1af: {  	s5 =	simm.s32 @!p0 $0x7  }
0x1b0: {  	_ =	swait.ge @!p0 [sflag:s5], $0x2000  }
0x1b1: {  	s26 =	simm.s32 $0x3400;
	[sflag:s5] =	ssyncset.done @!p0 $0x0  }
0x1b2: {  	s9 =	sadd.s32 $0x300, s9;
	s11 =	sadd.s32 $0x60, s11;
	[sflag:s5] =	ssyncadd.s32 @!p0 $0xFFFFE000  }
0x1b3: {  	_ =	sdelay $0x2  }
0x1b4: {  	s9 =	simm.s32 $0x0  }
0x1b5: {  	v15 =	vld.idx.msk [tilespmem:v13+s9+$0x0], $0xffff;
	_ =	sdelay $0x4  }
0x1b6: {  	(v2sf) =	vpush v15, $0x0  }
0x1b7: {  	s10 =	simm.s32 $0x200  }
0x1b8: {  	v15 =	vld.idx.msk [tilespmem:v13+s10+$0x0], $0xffff;
	_ =	sdelay $0x4  }
0x1b9: {  	(v2sf) =	vpush v15, $0x0;
	_ =	sdelay $0x7  }
0x1ba: {  	s5 =	spop (v2sf)  }
0x1bb: {  	s6 =	sshra.s32 s5, $0x1F  }
0x1bc: {  	s6 =	sshrl.u32 s6, $0x19  }
0x1bd: {  	s6 =	sadd.s32 s6, s5  }
0x1be: {  	s6 =	sand.u32 $0xFFFFFF80, s6  }
0x1bf: {  	s5 =	ssub.s32 s5, s6  }
0x1c0: {  	v15 =	vadd.s32 s5, v2  }
0x1c1: {  	s11 =	spop (v2sf)  }
0x1c2: {  	_ =	swait.ge [sflag:s30], $0x4000  }
0x1c3: {  	[sflag:s30] =	ssyncset.done $0x0  }
0x1c4: {  	[sflag:s30] =	ssyncadd.s32 $0xFFFFC000  }
0x1c5: {  	v15 =	vld.idx.msk [tilespmem:v15+s15+$0x0], $0xffff  }
0x1c6: {  	v16 =	vadd.s32 s5, v6  }
0x1c7: {  	s8 =	sshra.s32 s11, $0x1F  }
0x1c8: {  	s8 =	sshrl.u32 s8, $0x19  }
0x1c9: {  	s8 =	sadd.s32 s8, s11  }
0x1ca: {  	s8 =	sand.u32 $0xFFFFFF80, s8;
	[tilespmem:$0x2300] =	vst v15  }
0x1cb: {  	s6 =	ssub.s32 s11, s8;
	v15 =	vld.idx.msk [tilespmem:v16+s15+$0x0], $0xffff  }
0x1cc: {  	v51 =	vadd.s32 s6, v7;
	_ =	sdelay $0x3  }
0x1cd: {  	[tilespmem:$0x2310] =	vst v15  }
0x1ce: {  	v15 =	vld.idx.msk [tilespmem:v51+s15+$0x0], $0xffff  }
0x1cf: {  	v52 =	vadd.s32 s6, v8;
	_ =	sdelay $0x3  }
0x1d0: {  	[tilespmem:$0x2320] =	vst v15  }
0x1d1: {  	v15 =	vld.idx.msk [tilespmem:v52+s15+$0x0], $0xffff  }
0x1d2: {  	v53 =	vadd.s32 s5, v9;
	_ =	sdelay $0x3  }
0x1d3: {  	[tilespmem:$0x2330] =	vst v15  }
0x1d4: {  	v15 =	vld.idx.msk [tilespmem:v53+s15+$0x0], $0xffff  }
0x1d5: {  	v54 =	vadd.s32 s5, v10;
	_ =	sdelay $0x3  }
0x1d6: {  	[tilespmem:$0x2340] =	vst v15  }
0x1d7: {  	v15 =	vld.idx.msk [tilespmem:v54+s15+$0x0], $0xffff  }
0x1d8: {  	v55 =	vadd.s32 s6, v11;
	_ =	sdelay $0x3  }
0x1d9: {  	[tilespmem:$0x2350] =	vst v15  }
0x1da: {  	v15 =	vld.idx.msk [tilespmem:v55+s15+$0x0], $0xffff  }
0x1db: {  	v56 =	vadd.s32 s6, v12;
	_ =	sdelay $0x3  }
0x1dc: {  	[tilespmem:$0x2360] =	vst v15  }
0x1dd: {  	v15 =	vld.idx.msk [tilespmem:v56+s15+$0x0], $0xffff;
	_ =	sdelay $0x4  }
0x1de: {  	[tilespmem:$0x2370] =	vst v15  }
0x1df: {  	v15 =	vld.idx.msk [tilespmem:v14+s9+$0x0], $0xffff;
	_ =	sdelay $0x4  }
0x1e0: {  	(v2sf) =	vpush v15, $0x0;
	_ =	sdelay $0x1  }
0x1e1: {  	v15 =	vld.idx.msk [tilespmem:v14+s10+$0x0], $0xffff;
	_ =	sdelay $0x4  }
0x1e2: {  	(v2sf) =	vpush v15, $0x0;
	_ =	sdelay $0x7  }
0x1e3: {  	s12 =	spop (v2sf)  }
0x1e4: {  	s16 =	sshra.s32 s12, $0x1F  }
0x1e5: {  	s6 =	sshrl.u32 s16, $0x19  }
0x1e6: {  	s6 =	sadd.s32 s6, s12  }
0x1e7: {  	s6 =	sand.u32 $0xFFFFFF80, s6  }
0x1e8: {  	s5 =	ssub.s32 s12, s6  }
0x1e9: {  	v15 =	vadd.s32 s5, v2  }
0x1ea: {  	s17 =	spop (v2sf)  }
0x1eb: {  	_ =	swait.ge [sflag:s31], $0x4000  }
0x1ec: {  	[sflag:s31] =	ssyncset.done $0x0  }
0x1ed: {  	[sflag:s31] =	ssyncadd.s32 $0xFFFFC000  }
0x1ee: {  	v15 =	vld.idx.msk [tilespmem:v15+s19+$0x0], $0xffff  }
0x1ef: {  	v57 =	vadd.s32 s5, v6  }
0x1f0: {  	s18 =	sshra.s32 s17, $0x1F  }
0x1f1: {  	s8 =	sshrl.u32 s18, $0x19  }
0x1f2: {  	s8 =	sadd.s32 s8, s17  }
0x1f3: {  	s8 =	sand.u32 $0xFFFFFF80, s8;
	[tilespmem:$0x2380] =	vst v15  }
0x1f4: {  	s6 =	ssub.s32 s17, s8;
	v15 =	vld.idx.msk [tilespmem:v57+s19+$0x0], $0xffff  }
0x1f5: {  	v58 =	vadd.s32 s6, v7;
	_ =	sdelay $0x3  }
0x1f6: {  	[tilespmem:$0x2390] =	vst v15  }
0x1f7: {  	v15 =	vld.idx.msk [tilespmem:v58+s19+$0x0], $0xffff  }
0x1f8: {  	v59 =	vadd.s32 s6, v8;
	_ =	sdelay $0x3  }
0x1f9: {  	[tilespmem:$0x23A0] =	vst v15  }
0x1fa: {  	v15 =	vld.idx.msk [tilespmem:v59+s19+$0x0], $0xffff  }
0x1fb: {  	v60 =	vadd.s32 s5, v9;
	_ =	sdelay $0x3  }
0x1fc: {  	[tilespmem:$0x23B0] =	vst v15  }
0x1fd: {  	v15 =	vld.idx.msk [tilespmem:v60+s19+$0x0], $0xffff  }
0x1fe: {  	v61 =	vadd.s32 s5, v10;
	_ =	sdelay $0x3  }
0x1ff: {  	[tilespmem:$0x23C0] =	vst v15  }
0x200: {  	v15 =	vld.idx.msk [tilespmem:v61+s19+$0x0], $0xffff  }
0x201: {  	v62 =	vadd.s32 s6, v11;
	_ =	sdelay $0x3  }
0x202: {  	[tilespmem:$0x23D0] =	vst v15  }
0x203: {  	v15 =	vld.idx.msk [tilespmem:v62+s19+$0x0], $0xffff  }
0x204: {  	v63 =	vadd.s32 s6, v12;
	_ =	sdelay $0x3  }
0x205: {  	[tilespmem:$0x23E0] =	vst v15  }
0x206: {  	v15 =	vld.idx.msk [tilespmem:v63+s19+$0x0], $0xffff;
	_ =	sdelay $0x4  }
0x207: {  	s20 =	rddreg [dreg:$0xd];
	s8 =	simm.s32 $0x7;
	[tilespmem:$0x23F0] =	vst v15  }
0x208: {  	[hbm4b:s20+s9] =	stream.linear.scatter [tilespmem:s13], [sflag:$0x7], $0x2000, $0x38;
	[tilespmem:$0x1A400] =	vst v63  }
0x209: {  	_ =	swait.ge [sflag:s8], $0x2000  }
0x20a: {  	s21 =	rddreg [dreg:$0x10]  }
0x20b: {  	s22 =	rddreg [dreg:$0xe];
	s6 =	sadd.s32 $0x1, s21  }
0x20c: {  	p0 =	sne.s32 s6, s22  }
.Ltmp1:
0x20d: {  	_ = 	snop;
	(pc) =	sbr.rel @p0 .LBB2_1-.Ltmp1, $4  }
0x20e: {  	_ = 	snop  }
0x20f: {  	s11 =	simm.s32 $0x4400  }
0x210: {  	s16 =	simm.s32 $0x7400;
	s12 =	simm.s32 $0x5400;
	[sflag:s8] =	ssyncset.done $0x0  }
0x211: {  	s18 =	simm.s32 $0x9400;
	s17 =	simm.s32 $0x8400;
	[sflag:s8] =	ssyncadd.s32 $0xFFFFE000  }
0x212: {  	_ =	sfence.sel $0x180000  }
0x213: {  	[bflag:$0x0] =	sbarrier.arrive $0xFFFF  }
0x214: {  	_ =	strace $0x90000047  }
0x215: {  	s0 =	stileid.u32;
	[bflag:$0x2] =	sbarrier.arrive $0xFFFF  }
0x216: {  	p0 =	sne.s32 s0, $0x0;
	s0 =	rddreg [dreg:$0x7]  }
0x217: {  	s0 =	sadd.s32 @!p0 $0x100000, s0  }
0x218: {  	[sflag:s0] =	ssyncadd.tile.s32 @!p0 $0x1;
	_ =	shalt  }
.Lfunc_end2:
_tile_overlayer_lowered:
.L_overlay_start_2:
0x219: {  	(tag) =	ssettag $0x2  }
0x21a: {  	s0 =	rddreg [dreg:$0x0];
	s2 =	stileid.u32  }
0x21b: {  	s1 =	rddreg [dreg:$0x1];
	p0 =	sne.s32 s2, $0x0  }
0x21c: {  	s3 =	rddreg [dreg:$0x2];
	[bflag:$0x3] =	sbarrier.arrive $0xFFFF;
	s2 =	simm.s32 @!p0 $0x1C07  }
0x21d: {  	[timem:s3], [sflag:s2] =	dma.local @!p0 [hbm:s0], s1  }
0x21e: {  	s0 =	simm.s32 @!p0 $0x7  }
0x21f: {  	_ =	swait.ge @!p0 [sflag:s0], s1  }
0x220: {  	s1 =	ssub.s32 @!p0 $0x0, s1;
	[sflag:s0] =	ssyncset.done @!p0 $0x0  }
0x221: {  	[sflag:s0] =	ssyncadd.s32 @!p0 s1  }
0x222: {  	[bflag:$0x3] =	sbarrier.arrive $0xFFFF  }
0x223: {  	_ =	shalt  }

</sc_bundles>
